<compile_context>
chip_gen: v7x
topology: tpu7x:2x2x1
jax: 0.10.2.dev20260603
libtpu: 0.0.44.dev20260713+nightly
codegen_flags: <defaults>
</compile_context>

<pallas_src>
import functools

import jax
import jax.numpy as jnp
from jax import lax
from jax.experimental import pallas as pl
from jax.experimental.pallas import tpu as pltpu
from jax.experimental.pallas import tpu_sc as plsc

_D = 32
_NC = 2
_NS = 16
_NW = _NC * _NS
_NB = 4


@functools.lru_cache(maxsize=None)
def _make_gather(BSZ, HIST, D, RPC):
    B = BSZ * HIST
    C = RPC * HIST
    b_per_w = B // _NW
    n_chunks = b_per_w // C
    assert n_chunks * C == b_per_w and n_chunks % _NB == 0, (B, C)
    mesh = plsc.VectorSubcoreMesh(core_axis_name="c", subcore_axis_name="s")

    @functools.partial(
        pl.kernel,
        mesh=mesh,
        out_type=jax.ShapeDtypeStruct((BSZ, HIST, D), jnp.float32),
        scratch_types=[
            pltpu.VMEM((_NB, C), jnp.int32),
            pltpu.VMEM((_NB, C, D), jnp.float32),
            pltpu.SemaphoreType.DMA((_NB,)),
            pltpu.SemaphoreType.DMA((_NB,)),
            pltpu.SemaphoreType.DMA((_NB,)),
        ],
        compiler_params=pltpu.CompilerParams(use_tc_tiling_on_sc=False),
    )
    def k(table_hbm, idx_hbm, out_hbm, idx_v, rows_v, sem_i, sem_g, sem_s):
        wid = lax.axis_index("s") * _NC + lax.axis_index("c")
        base = wid * b_per_w

        def idx_cp(i, b):
            return pltpu.make_async_copy(
                idx_hbm.at[pl.ds(base + i * C, C)], idx_v.at[b], sem_i.at[b])

        def gather_cp(b):
            return pltpu.make_async_copy(
                table_hbm.at[idx_v.at[b]], rows_v.at[b], sem_g.at[b])

        def store_cps(i, b):
            r0 = (base + i * C) // HIST
            return [
                pltpu.make_async_copy(
                    rows_v.at[b].at[pl.ds(r * HIST, HIST)],
                    out_hbm.at[r0 + r], sem_s.at[b])
                for r in range(RPC)
            ]

        for b in range(_NB):
            idx_cp(b, b).start()
        idx_cp(0, 0).wait()
        gather_cp(0).start()
        idx_cp(1, 1).wait()
        gather_cp(1).start()

        def chunk_step(i, b):
            gather_cp(b).wait()

            @pl.when(i + _NB < n_chunks)
            def _():
                idx_cp(i + _NB, b).start()

            @pl.when(i + 2 < n_chunks)
            def _():
                idx_cp(i + 2, (b + 2) % _NB).wait()

                @pl.when(i >= 2)
                def _():
                    for cp in store_cps(i - 2, (b + 2) % _NB):
                        cp.wait()
                gather_cp((b + 2) % _NB).start()

            for cp in store_cps(i, b):
                cp.start()

        def body(g, carry):
            for u in range(_NB):
                chunk_step(_NB * g + u, u)
            return carry

        lax.fori_loop(0, n_chunks // _NB, body, 0)
        for i in range(n_chunks - 2, n_chunks):
            for cp in store_cps(i, i % _NB):
                cp.wait()

    return k


def kernel(sequence, table):
    bsz, hist = sequence.shape
    B = bsz * hist
    idx = sequence.reshape(B).astype(jnp.int32)
    return _make_gather(bsz, hist, _D, 4)(table, idx)

# --- scband reference (transcript-rebuilt; emitter-appended) ---
"""Pipeline reference for scband-context-embedding-72344429134040 (READ-ONLY COPY).

The authoritative reference and input builder live on the scoring server;
editing this copy changes nothing except your own understanding.
"""

import jax, jax.numpy as jnp
import numpy as np

CONTEXT_SIZE = 1000000
EMBED_SIZE = 32
BATCH = 16384
HIST_LEN = 200

def setup_inputs(seed: int = 0):
    key = jax.random.key(seed)
    k1, k2 = jax.random.split(key)
    sequence = jax.random.randint(k1, (BATCH, HIST_LEN), 0, CONTEXT_SIZE, dtype=jnp.int64 if jax.config.jax_enable_x64 else jnp.int32)
    table = jax.random.normal(k2, (CONTEXT_SIZE, EMBED_SIZE), dtype=jnp.float32)
    # nn.Embedding(padding_idx=0): padding row initialized/kept at zero
    table = table.at[0].set(0.0)
    return {"sequence": sequence, "table": table}

def reference(sequence, table):
    # x = self.embed(sequence)
    x = jnp.take(table, sequence, axis=0)
    # self.dropout(x): eval-mode dropout is identity
    return x

if __name__ == "__main__":
    import jax
    _d = setup_inputs()
    print(jax.jit(kernel)(*tuple(_d.values())))

</pallas_src>

<mosaic_0001>
#map = affine_map<(d0, d1) -> (0, 0)>
#map1 = affine_map<(d0, d1) -> (0)>
#map2 = affine_map<(d0, d1) -> (0, 0, 0)>
module attributes {stable_mosaic.version = 14 : i64} {
  func.func @k(%arg0: i32, %arg1: i32, %arg2: memref<1000000x32xf32, #tpu.memory_space<hbm>>, %arg3: memref<3276800xi32, #tpu.memory_space<hbm>>, %arg4: memref<16384x200x32xf32, #tpu.memory_space<hbm>>, %arg5: memref<4x800xi32, #tpu.memory_space<vmem>>, %arg6: memref<4x800x32xf32, #tpu.memory_space<vmem>>, %arg7: memref<4x!tpu.dma_semaphore, #tpu.memory_space<semaphore_mem>>, %arg8: memref<4x!tpu.dma_semaphore, #tpu.memory_space<semaphore_mem>>, %arg9: memref<4x!tpu.dma_semaphore, #tpu.memory_space<semaphore_mem>>) attributes {dimension_semantics = [#tpu.dimension_semantics<core_parallel>, #tpu.dimension_semantics<subcore_parallel>], iteration_bounds = array<i64: 2, 16>, scalar_prefetch = 0 : i64, scratch_operands = 5 : i64, tpu.core_type = #tpu.core_type<sc_vector_subcore>, window_params = [{transform_indices = #map}, {transform_indices = #map1}, {transform_indices = #map2}]} {
    %mul3A = arith.constant 2 : i32
    %mul3A_0 = arith.muli %arg1, %mul3A : i32
    %add3A = arith.addi %mul3A_0, %arg0 : i32
    %mul3A_1 = arith.constant 102400 : i32
    %mul3A_2 = arith.muli %add3A, %mul3A_1 : i32
    %add3A_3 = arith.constant 0 : i32
    %add3A_4 = arith.addi %mul3A_2, %add3A_3 : i32
    %dma_start3A = arith.constant 0 : i32
    %dma_start3A_5 = arith.constant 0 : i32
    %dma_start3A_6 = arith.constant 0 : i32
    %dma_start3A_7 = tpu.memref_slice %arg5[%dma_start3A, %dma_start3A_6] : memref<4x800xi32, #tpu.memory_space<vmem>> -> memref<1x800xi32, #tpu.memory_space<vmem>>
    %dma_start3A_8 = tpu.memref_squeeze %dma_start3A_7 : memref<1x800xi32, #tpu.memory_space<vmem>> -> memref<800xi32, #tpu.memory_space<vmem>>
    %dma_start3A_9 = tpu.memref_slice %arg3[%add3A_4] : memref<3276800xi32, #tpu.memory_space<hbm>> -> memref<800xi32, #tpu.memory_space<hbm>>
    %dma_start3A_10 = tpu.memref_slice %arg7[%dma_start3A_5] : memref<4x!tpu.dma_semaphore, #tpu.memory_space<semaphore_mem>> -> memref<1x!tpu.dma_semaphore, #tpu.memory_space<semaphore_mem>>
    %dma_start3A_11 = tpu.memref_squeeze %dma_start3A_10 : memref<1x!tpu.dma_semaphore, #tpu.memory_space<semaphore_mem>> -> memref<!tpu.dma_semaphore, #tpu.memory_space<semaphore_mem>>
    %dma_start3A_12 = arith.constant 0 : i32
    %dma_start3A_13 = tpu.memref_slice %arg5[%dma_start3A, %dma_start3A_12] : memref<4x800xi32, #tpu.memory_space<vmem>> -> memref<1x800xi32, #tpu.memory_space<vmem>>
    %dma_start3A_14 = tpu.memref_squeeze %dma_start3A_13 : memref<1x800xi32, #tpu.memory_space<vmem>> -> memref<800xi32, #tpu.memory_space<vmem>>
    %dma_start3A_15 = tpu.memref_slice %arg3[%add3A_4] : memref<3276800xi32, #tpu.memory_space<hbm>> -> memref<800xi32, #tpu.memory_space<hbm>>
    tpu.enqueue_dma source(%dma_start3A_15 : memref<800xi32, #tpu.memory_space<hbm>>) target(%dma_start3A_14 : memref<800xi32, #tpu.memory_space<vmem>>) target_semaphore(%dma_start3A_11 : memref<!tpu.dma_semaphore, #tpu.memory_space<semaphore_mem>>)
    %add3A_16 = arith.constant 800 : i32
    %add3A_17 = arith.addi %mul3A_2, %add3A_16 : i32
    %dma_start3A_18 = arith.constant 1 : i32
    %dma_start3A_19 = arith.constant 1 : i32
    %dma_start3A_20 = arith.constant 0 : i32
    %dma_start3A_21 = tpu.memref_slice %arg5[%dma_start3A_18, %dma_start3A_20] : memref<4x800xi32, #tpu.memory_space<vmem>> -> memref<1x800xi32, #tpu.memory_space<vmem>>
    %dma_start3A_22 = tpu.memref_squeeze %dma_start3A_21 : memref<1x800xi32, #tpu.memory_space<vmem>> -> memref<800xi32, #tpu.memory_space<vmem>>
    %dma_start3A_23 = tpu.memref_slice %arg3[%add3A_17] : memref<3276800xi32, #tpu.memory_space<hbm>> -> memref<800xi32, #tpu.memory_space<hbm>>
    %dma_start3A_24 = tpu.memref_slice %arg7[%dma_start3A_19] : memref<4x!tpu.dma_semaphore, #tpu.memory_space<semaphore_mem>> -> memref<1x!tpu.dma_semaphore, #tpu.memory_space<semaphore_mem>>
    %dma_start3A_25 = tpu.memref_squeeze %dma_start3A_24 : memref<1x!tpu.dma_semaphore, #tpu.memory_space<semaphore_mem>> -> memref<!tpu.dma_semaphore, #tpu.memory_space<semaphore_mem>>
    %dma_start3A_26 = arith.constant 0 : i32
    %dma_start3A_27 = tpu.memref_slice %arg5[%dma_start3A_18, %dma_start3A_26] : memref<4x800xi32, #tpu.memory_space<vmem>> -> memref<1x800xi32, #tpu.memory_space<vmem>>
    %dma_start3A_28 = tpu.memref_squeeze %dma_start3A_27 : memref<1x800xi32, #tpu.memory_space<vmem>> -> memref<800xi32, #tpu.memory_space<vmem>>
    %dma_start3A_29 = tpu.memref_slice %arg3[%add3A_17] : memref<3276800xi32, #tpu.memory_space<hbm>> -> memref<800xi32, #tpu.memory_space<hbm>>
    tpu.enqueue_dma source(%dma_start3A_29 : memref<800xi32, #tpu.memory_space<hbm>>) target(%dma_start3A_28 : memref<800xi32, #tpu.memory_space<vmem>>) target_semaphore(%dma_start3A_25 : memref<!tpu.dma_semaphore, #tpu.memory_space<semaphore_mem>>)
    %add3A_30 = arith.constant 1600 : i32
    %add3A_31 = arith.addi %mul3A_2, %add3A_30 : i32
    %dma_start3A_32 = arith.constant 2 : i32
    %dma_start3A_33 = arith.constant 2 : i32
    %dma_start3A_34 = arith.constant 0 : i32
    %dma_start3A_35 = tpu.memref_slice %arg5[%dma_start3A_32, %dma_start3A_34] : memref<4x800xi32, #tpu.memory_space<vmem>> -> memref<1x800xi32, #tpu.memory_space<vmem>>
    %dma_start3A_36 = tpu.memref_squeeze %dma_start3A_35 : memref<1x800xi32, #tpu.memory_space<vmem>> -> memref<800xi32, #tpu.memory_space<vmem>>
    %dma_start3A_37 = tpu.memref_slice %arg3[%add3A_31] : memref<3276800xi32, #tpu.memory_space<hbm>> -> memref<800xi32, #tpu.memory_space<hbm>>
    %dma_start3A_38 = tpu.memref_slice %arg7[%dma_start3A_33] : memref<4x!tpu.dma_semaphore, #tpu.memory_space<semaphore_mem>> -> memref<1x!tpu.dma_semaphore, #tpu.memory_space<semaphore_mem>>
    %dma_start3A_39 = tpu.memref_squeeze %dma_start3A_38 : memref<1x!tpu.dma_semaphore, #tpu.memory_space<semaphore_mem>> -> memref<!tpu.dma_semaphore, #tpu.memory_space<semaphore_mem>>
    %dma_start3A_40 = arith.constant 0 : i32
    %dma_start3A_41 = tpu.memref_slice %arg5[%dma_start3A_32, %dma_start3A_40] : memref<4x800xi32, #tpu.memory_space<vmem>> -> memref<1x800xi32, #tpu.memory_space<vmem>>
    %dma_start3A_42 = tpu.memref_squeeze %dma_start3A_41 : memref<1x800xi32, #tpu.memory_space<vmem>> -> memref<800xi32, #tpu.memory_space<vmem>>
    %dma_start3A_43 = tpu.memref_slice %arg3[%add3A_31] : memref<3276800xi32, #tpu.memory_space<hbm>> -> memref<800xi32, #tpu.memory_space<hbm>>
    tpu.enqueue_dma source(%dma_start3A_43 : memref<800xi32, #tpu.memory_space<hbm>>) target(%dma_start3A_42 : memref<800xi32, #tpu.memory_space<vmem>>) target_semaphore(%dma_start3A_39 : memref<!tpu.dma_semaphore, #tpu.memory_space<semaphore_mem>>)
    %add3A_44 = arith.constant 2400 : i32
    %add3A_45 = arith.addi %mul3A_2, %add3A_44 : i32
    %dma_start3A_46 = arith.constant 3 : i32
    %dma_start3A_47 = arith.constant 3 : i32
    %dma_start3A_48 = arith.constant 0 : i32
    %dma_start3A_49 = tpu.memref_slice %arg5[%dma_start3A_46, %dma_start3A_48] : memref<4x800xi32, #tpu.memory_space<vmem>> -> memref<1x800xi32, #tpu.memory_space<vmem>>
    %dma_start3A_50 = tpu.memref_squeeze %dma_start3A_49 : memref<1x800xi32, #tpu.memory_space<vmem>> -> memref<800xi32, #tpu.memory_space<vmem>>
    %dma_start3A_51 = tpu.memref_slice %arg3[%add3A_45] : memref<3276800xi32, #tpu.memory_space<hbm>> -> memref<800xi32, #tpu.memory_space<hbm>>
    %dma_start3A_52 = tpu.memref_slice %arg7[%dma_start3A_47] : memref<4x!tpu.dma_semaphore, #tpu.memory_space<semaphore_mem>> -> memref<1x!tpu.dma_semaphore, #tpu.memory_space<semaphore_mem>>
    %dma_start3A_53 = tpu.memref_squeeze %dma_start3A_52 : memref<1x!tpu.dma_semaphore, #tpu.memory_space<semaphore_mem>> -> memref<!tpu.dma_semaphore, #tpu.memory_space<semaphore_mem>>
    %dma_start3A_54 = arith.constant 0 : i32
    %dma_start3A_55 = tpu.memref_slice %arg5[%dma_start3A_46, %dma_start3A_54] : memref<4x800xi32, #tpu.memory_space<vmem>> -> memref<1x800xi32, #tpu.memory_space<vmem>>
    %dma_start3A_56 = tpu.memref_squeeze %dma_start3A_55 : memref<1x800xi32, #tpu.memory_space<vmem>> -> memref<800xi32, #tpu.memory_space<vmem>>
    %dma_start3A_57 = tpu.memref_slice %arg3[%add3A_45] : memref<3276800xi32, #tpu.memory_space<hbm>> -> memref<800xi32, #tpu.memory_space<hbm>>
    tpu.enqueue_dma source(%dma_start3A_57 : memref<800xi32, #tpu.memory_space<hbm>>) target(%dma_start3A_56 : memref<800xi32, #tpu.memory_space<vmem>>) target_semaphore(%dma_start3A_53 : memref<!tpu.dma_semaphore, #tpu.memory_space<semaphore_mem>>)
    %add3A_58 = arith.constant 0 : i32
    %add3A_59 = arith.addi %mul3A_2, %add3A_58 : i32
    %dma_wait3A = arith.constant 0 : i32
    %dma_wait3A_60 = arith.constant 0 : i32
    %dma_wait3A_61 = arith.constant 0 : i32
    %dma_wait3A_62 = tpu.memref_slice %arg5[%dma_wait3A, %dma_wait3A_61] : memref<4x800xi32, #tpu.memory_space<vmem>> -> memref<1x800xi32, #tpu.memory_space<vmem>>
    %dma_wait3A_63 = tpu.memref_squeeze %dma_wait3A_62 : memref<1x800xi32, #tpu.memory_space<vmem>> -> memref<800xi32, #tpu.memory_space<vmem>>
    %dma_wait3A_64 = tpu.memref_slice %arg3[%add3A_59] : memref<3276800xi32, #tpu.memory_space<hbm>> -> memref<800xi32, #tpu.memory_space<hbm>>
    %dma_wait3A_65 = tpu.memref_slice %arg7[%dma_wait3A_60] : memref<4x!tpu.dma_semaphore, #tpu.memory_space<semaphore_mem>> -> memref<1x!tpu.dma_semaphore, #tpu.memory_space<semaphore_mem>>
    %dma_wait3A_66 = tpu.memref_squeeze %dma_wait3A_65 : memref<1x!tpu.dma_semaphore, #tpu.memory_space<semaphore_mem>> -> memref<!tpu.dma_semaphore, #tpu.memory_space<semaphore_mem>>
    %dma_wait3A_67 = arith.constant 0 : i32
    %dma_wait3A_68 = tpu.memref_slice %arg5[%dma_wait3A, %dma_wait3A_67] : memref<4x800xi32, #tpu.memory_space<vmem>> -> memref<1x800xi32, #tpu.memory_space<vmem>>
    %dma_wait3A_69 = tpu.memref_squeeze %dma_wait3A_68 : memref<1x800xi32, #tpu.memory_space<vmem>> -> memref<800xi32, #tpu.memory_space<vmem>>
    %dma_wait3A_70 = tpu.memref_slice %arg3[%add3A_59] : memref<3276800xi32, #tpu.memory_space<hbm>> -> memref<800xi32, #tpu.memory_space<hbm>>
    tpu.wait_dma2 semaphore(%dma_wait3A_66 : memref<!tpu.dma_semaphore, #tpu.memory_space<semaphore_mem>>) src(%dma_wait3A_70 : memref<800xi32, #tpu.memory_space<hbm>>) dst(%dma_wait3A_69 : memref<800xi32, #tpu.memory_space<vmem>>)
    %dma_start3A_71 = arith.constant 0 : i32
    %dma_start3A_72 = arith.constant 0 : i32
    %dma_start3A_73 = arith.constant 0 : i32
    %dma_start3A_74 = arith.constant 0 : i32
    %dma_start3A_75 = arith.constant 0 : i32
    %dma_start3A_76 = tpu.memref_slice %arg6[%dma_start3A_72, %dma_start3A_74, %dma_start3A_75] : memref<4x800x32xf32, #tpu.memory_space<vmem>> -> memref<1x800x32xf32, #tpu.memory_space<vmem>>
    %dma_start3A_77 = tpu.memref_squeeze %dma_start3A_76 : memref<1x800x32xf32, #tpu.memory_space<vmem>> -> memref<800x32xf32, #tpu.memory_space<vmem>>
    %dma_start3A_78 = arith.constant 0 : i32
    %dma_start3A_79 = tpu.memref_slice %arg5[%dma_start3A_71, %dma_start3A_78] : memref<4x800xi32, #tpu.memory_space<vmem>> -> memref<1x800xi32, #tpu.memory_space<vmem>>
    %dma_start3A_80 = tpu.memref_squeeze %dma_start3A_79 : memref<1x800xi32, #tpu.memory_space<vmem>> -> memref<800xi32, #tpu.memory_space<vmem>>
    %dma_start3A_81 = arith.constant 0 : i32
    %dma_start3A_82 = arith.constant 0 : i32
    %dma_start3A_83 = tpu.memref_slice %arg2[%dma_start3A_81, %dma_start3A_82] : memref<1000000x32xf32, #tpu.memory_space<hbm>> -> memref<1000000x32xf32, #tpu.memory_space<hbm>>
    %dma_start3A_84 = tpu.memref_slice %arg8[%dma_start3A_73] : memref<4x!tpu.dma_semaphore, #tpu.memory_space<semaphore_mem>> -> memref<1x!tpu.dma_semaphore, #tpu.memory_space<semaphore_mem>>
    %dma_start3A_85 = tpu.memref_squeeze %dma_start3A_84 : memref<1x!tpu.dma_semaphore, #tpu.memory_space<semaphore_mem>> -> memref<!tpu.dma_semaphore, #tpu.memory_space<semaphore_mem>>
    tpu.enqueue_indirect_dma source(%dma_start3A_83 : memref<1000000x32xf32, #tpu.memory_space<hbm>>) target(%dma_start3A_77 : memref<800x32xf32, #tpu.memory_space<vmem>>) offsets(%dma_start3A_80 : memref<800xi32, #tpu.memory_space<vmem>>) semaphore(%dma_start3A_85 : memref<!tpu.dma_semaphore, #tpu.memory_space<semaphore_mem>>)
    %add3A_86 = arith.constant 800 : i32
    %add3A_87 = arith.addi %mul3A_2, %add3A_86 : i32
    %dma_wait3A_88 = arith.constant 1 : i32
    %dma_wait3A_89 = arith.constant 1 : i32
    %dma_wait3A_90 = arith.constant 0 : i32
    %dma_wait3A_91 = tpu.memref_slice %arg5[%dma_wait3A_88, %dma_wait3A_90] : memref<4x800xi32, #tpu.memory_space<vmem>> -> memref<1x800xi32, #tpu.memory_space<vmem>>
    %dma_wait3A_92 = tpu.memref_squeeze %dma_wait3A_91 : memref<1x800xi32, #tpu.memory_space<vmem>> -> memref<800xi32, #tpu.memory_space<vmem>>
    %dma_wait3A_93 = tpu.memref_slice %arg3[%add3A_87] : memref<3276800xi32, #tpu.memory_space<hbm>> -> memref<800xi32, #tpu.memory_space<hbm>>
    %dma_wait3A_94 = tpu.memref_slice %arg7[%dma_wait3A_89] : memref<4x!tpu.dma_semaphore, #tpu.memory_space<semaphore_mem>> -> memref<1x!tpu.dma_semaphore, #tpu.memory_space<semaphore_mem>>
    %dma_wait3A_95 = tpu.memref_squeeze %dma_wait3A_94 : memref<1x!tpu.dma_semaphore, #tpu.memory_space<semaphore_mem>> -> memref<!tpu.dma_semaphore, #tpu.memory_space<semaphore_mem>>
    %dma_wait3A_96 = arith.constant 0 : i32
    %dma_wait3A_97 = tpu.memref_slice %arg5[%dma_wait3A_88, %dma_wait3A_96] : memref<4x800xi32, #tpu.memory_space<vmem>> -> memref<1x800xi32, #tpu.memory_space<vmem>>
    %dma_wait3A_98 = tpu.memref_squeeze %dma_wait3A_97 : memref<1x800xi32, #tpu.memory_space<vmem>> -> memref<800xi32, #tpu.memory_space<vmem>>
    %dma_wait3A_99 = tpu.memref_slice %arg3[%add3A_87] : memref<3276800xi32, #tpu.memory_space<hbm>> -> memref<800xi32, #tpu.memory_space<hbm>>
    tpu.wait_dma2 semaphore(%dma_wait3A_95 : memref<!tpu.dma_semaphore, #tpu.memory_space<semaphore_mem>>) src(%dma_wait3A_99 : memref<800xi32, #tpu.memory_space<hbm>>) dst(%dma_wait3A_98 : memref<800xi32, #tpu.memory_space<vmem>>)
    %dma_start3A_100 = arith.constant 1 : i32
    %dma_start3A_101 = arith.constant 1 : i32
    %dma_start3A_102 = arith.constant 1 : i32
    %dma_start3A_103 = arith.constant 0 : i32
    %dma_start3A_104 = arith.constant 0 : i32
    %dma_start3A_105 = tpu.memref_slice %arg6[%dma_start3A_101, %dma_start3A_103, %dma_start3A_104] : memref<4x800x32xf32, #tpu.memory_space<vmem>> -> memref<1x800x32xf32, #tpu.memory_space<vmem>>
    %dma_start3A_106 = tpu.memref_squeeze %dma_start3A_105 : memref<1x800x32xf32, #tpu.memory_space<vmem>> -> memref<800x32xf32, #tpu.memory_space<vmem>>
    %dma_start3A_107 = arith.constant 0 : i32
    %dma_start3A_108 = tpu.memref_slice %arg5[%dma_start3A_100, %dma_start3A_107] : memref<4x800xi32, #tpu.memory_space<vmem>> -> memref<1x800xi32, #tpu.memory_space<vmem>>
    %dma_start3A_109 = tpu.memref_squeeze %dma_start3A_108 : memref<1x800xi32, #tpu.memory_space<vmem>> -> memref<800xi32, #tpu.memory_space<vmem>>
    %dma_start3A_110 = arith.constant 0 : i32
    %dma_start3A_111 = arith.constant 0 : i32
    %dma_start3A_112 = tpu.memref_slice %arg2[%dma_start3A_110, %dma_start3A_111] : memref<1000000x32xf32, #tpu.memory_space<hbm>> -> memref<1000000x32xf32, #tpu.memory_space<hbm>>
    %dma_start3A_113 = tpu.memref_slice %arg8[%dma_start3A_102] : memref<4x!tpu.dma_semaphore, #tpu.memory_space<semaphore_mem>> -> memref<1x!tpu.dma_semaphore, #tpu.memory_space<semaphore_mem>>
    %dma_start3A_114 = tpu.memref_squeeze %dma_start3A_113 : memref<1x!tpu.dma_semaphore, #tpu.memory_space<semaphore_mem>> -> memref<!tpu.dma_semaphore, #tpu.memory_space<semaphore_mem>>
    tpu.enqueue_indirect_dma source(%dma_start3A_112 : memref<1000000x32xf32, #tpu.memory_space<hbm>>) target(%dma_start3A_106 : memref<800x32xf32, #tpu.memory_space<vmem>>) offsets(%dma_start3A_109 : memref<800xi32, #tpu.memory_space<vmem>>) semaphore(%dma_start3A_114 : memref<!tpu.dma_semaphore, #tpu.memory_space<semaphore_mem>>)
    %scan3A = arith.constant 0 : i32
    %scan3A_115 = arith.constant 0 : i32
    %scan3A_116 = arith.constant 32 : i32
    %scan3A_117 = arith.addi %scan3A_115, %scan3A_116 : i32
    %scan3A_118 = arith.constant 1 : i32
    scf.for %scan3A_388 = %scan3A_115 to %scan3A_117 step %scan3A_118  : i32 {
      %mul3A_389 = arith.constant 4 : i32
      %mul3A_390 = arith.muli %mul3A_389, %scan3A_388 : i32
      %add3A_391 = arith.constant 0 : i32
      %add3A_392 = arith.addi %mul3A_390, %add3A_391 : i32
      %dma_wait3A_393 = arith.constant 0 : i32
      %dma_wait3A_394 = arith.constant 0 : i32
      %dma_wait3A_395 = arith.constant 0 : i32
      %dma_wait3A_396 = arith.constant 0 : i32
      %dma_wait3A_397 = arith.constant 0 : i32
      %dma_wait3A_398 = tpu.memref_slice %arg6[%dma_wait3A_394, %dma_wait3A_396, %dma_wait3A_397] : memref<4x800x32xf32, #tpu.memory_space<vmem>> -> memref<1x800x32xf32, #tpu.memory_space<vmem>>
      %dma_wait3A_399 = tpu.memref_squeeze %dma_wait3A_398 : memref<1x800x32xf32, #tpu.memory_space<vmem>> -> memref<800x32xf32, #tpu.memory_space<vmem>>
      %dma_wait3A_400 = arith.constant 0 : i32
      %dma_wait3A_401 = tpu.memref_slice %arg5[%dma_wait3A_393, %dma_wait3A_400] : memref<4x800xi32, #tpu.memory_space<vmem>> -> memref<1x800xi32, #tpu.memory_space<vmem>>
      %dma_wait3A_402 = tpu.memref_squeeze %dma_wait3A_401 : memref<1x800xi32, #tpu.memory_space<vmem>> -> memref<800xi32, #tpu.memory_space<vmem>>
      %dma_wait3A_403 = arith.constant 0 : i32
      %dma_wait3A_404 = arith.constant 0 : i32
      %dma_wait3A_405 = tpu.memref_slice %arg2[%dma_wait3A_403, %dma_wait3A_404] : memref<1000000x32xf32, #tpu.memory_space<hbm>> -> memref<1000000x32xf32, #tpu.memory_space<hbm>>
      %dma_wait3A_406 = tpu.memref_slice %arg8[%dma_wait3A_395] : memref<4x!tpu.dma_semaphore, #tpu.memory_space<semaphore_mem>> -> memref<1x!tpu.dma_semaphore, #tpu.memory_space<semaphore_mem>>
      %dma_wait3A_407 = tpu.memref_squeeze %dma_wait3A_406 : memref<1x!tpu.dma_semaphore, #tpu.memory_space<semaphore_mem>> -> memref<!tpu.dma_semaphore, #tpu.memory_space<semaphore_mem>>
      tpu.wait_indirect_dma semaphore(%dma_wait3A_407 : memref<!tpu.dma_semaphore, #tpu.memory_space<semaphore_mem>>) src(%dma_wait3A_405 : memref<1000000x32xf32, #tpu.memory_space<hbm>>) dst(%dma_wait3A_399 : memref<800x32xf32, #tpu.memory_space<vmem>>)
      %add3A_408 = arith.constant 4 : i32
      %add3A_409 = arith.addi %add3A_392, %add3A_408 : i32
      %lt3A = arith.constant 128 : i32
      %lt3A_410 = arith.cmpi slt, %add3A_409, %lt3A : i32
      %convert_element_type3A = arith.extui %lt3A_410 : i1 to i32
      %cond3A = arith.constant 0 : i32
      %cond3A_411 = arith.cmpi ne, %convert_element_type3A, %cond3A : i32
      scf.if %cond3A_411 {
        %add3A_1074 = arith.constant 4 : i32
        %add3A_1075 = arith.addi %add3A_392, %add3A_1074 : i32
        %mul3A_1076 = arith.constant 800 : i32
        %mul3A_1077 = arith.muli %add3A_1075, %mul3A_1076 : i32
        %add3A_1078 = arith.addi %mul3A_2, %mul3A_1077 : i32
        %dma_start3A_1079 = arith.constant 0 : i32
        %dma_start3A_1080 = arith.constant 0 : i32
        %dma_start3A_1081 = arith.constant 0 : i32
        %dma_start3A_1082 = tpu.memref_slice %arg5[%dma_start3A_1079, %dma_start3A_1081] : memref<4x800xi32, #tpu.memory_space<vmem>> -> memref<1x800xi32, #tpu.memory_space<vmem>>
        %dma_start3A_1083 = tpu.memref_squeeze %dma_start3A_1082 : memref<1x800xi32, #tpu.memory_space<vmem>> -> memref<800xi32, #tpu.memory_space<vmem>>
        %dma_start3A_1084 = tpu.memref_slice %arg3[%add3A_1078] : memref<3276800xi32, #tpu.memory_space<hbm>> -> memref<800xi32, #tpu.memory_space<hbm>>
        %dma_start3A_1085 = tpu.memref_slice %arg7[%dma_start3A_1080] : memref<4x!tpu.dma_semaphore, #tpu.memory_space<semaphore_mem>> -> memref<1x!tpu.dma_semaphore, #tpu.memory_space<semaphore_mem>>
        %dma_start3A_1086 = tpu.memref_squeeze %dma_start3A_1085 : memref<1x!tpu.dma_semaphore, #tpu.memory_space<semaphore_mem>> -> memref<!tpu.dma_semaphore, #tpu.memory_space<semaphore_mem>>
        %dma_start3A_1087 = arith.constant 0 : i32
        %dma_start3A_1088 = tpu.memref_slice %arg5[%dma_start3A_1079, %dma_start3A_1087] : memref<4x800xi32, #tpu.memory_space<vmem>> -> memref<1x800xi32, #tpu.memory_space<vmem>>
        %dma_start3A_1089 = tpu.memref_squeeze %dma_start3A_1088 : memref<1x800xi32, #tpu.memory_space<vmem>> -> memref<800xi32, #tpu.memory_space<vmem>>
        %dma_start3A_1090 = tpu.memref_slice %arg3[%add3A_1078] : memref<3276800xi32, #tpu.memory_space<hbm>> -> memref<800xi32, #tpu.memory_space<hbm>>
        tpu.enqueue_dma source(%dma_start3A_1090 : memref<800xi32, #tpu.memory_space<hbm>>) target(%dma_start3A_1089 : memref<800xi32, #tpu.memory_space<vmem>>) target_semaphore(%dma_start3A_1086 : memref<!tpu.dma_semaphore, #tpu.memory_space<semaphore_mem>>)
      } else {
      }
      %add3A_412 = arith.constant 2 : i32
      %add3A_413 = arith.addi %add3A_392, %add3A_412 : i32
      %lt3A_414 = arith.constant 128 : i32
      %lt3A_415 = arith.cmpi slt, %add3A_413, %lt3A_414 : i32
      %convert_element_type3A_416 = arith.extui %lt3A_415 : i1 to i32
      %cond3A_417 = arith.constant 0 : i32
      %cond3A_418 = arith.cmpi ne, %convert_element_type3A_416, %cond3A_417 : i32
      scf.if %cond3A_418 {
        %add3A_1074 = arith.constant 2 : i32
        %add3A_1075 = arith.addi %add3A_392, %add3A_1074 : i32
        %mul3A_1076 = arith.constant 800 : i32
        %mul3A_1077 = arith.muli %add3A_1075, %mul3A_1076 : i32
        %add3A_1078 = arith.addi %mul3A_2, %mul3A_1077 : i32
        %dma_wait3A_1079 = arith.constant 2 : i32
        %dma_wait3A_1080 = arith.constant 2 : i32
        %dma_wait3A_1081 = arith.constant 0 : i32
        %dma_wait3A_1082 = tpu.memref_slice %arg5[%dma_wait3A_1079, %dma_wait3A_1081] : memref<4x800xi32, #tpu.memory_space<vmem>> -> memref<1x800xi32, #tpu.memory_space<vmem>>
        %dma_wait3A_1083 = tpu.memref_squeeze %dma_wait3A_1082 : memref<1x800xi32, #tpu.memory_space<vmem>> -> memref<800xi32, #tpu.memory_space<vmem>>
        %dma_wait3A_1084 = tpu.memref_slice %arg3[%add3A_1078] : memref<3276800xi32, #tpu.memory_space<hbm>> -> memref<800xi32, #tpu.memory_space<hbm>>
        %dma_wait3A_1085 = tpu.memref_slice %arg7[%dma_wait3A_1080] : memref<4x!tpu.dma_semaphore, #tpu.memory_space<semaphore_mem>> -> memref<1x!tpu.dma_semaphore, #tpu.memory_space<semaphore_mem>>
        %dma_wait3A_1086 = tpu.memref_squeeze %dma_wait3A_1085 : memref<1x!tpu.dma_semaphore, #tpu.memory_space<semaphore_mem>> -> memref<!tpu.dma_semaphore, #tpu.memory_space<semaphore_mem>>
        %dma_wait3A_1087 = arith.constant 0 : i32
        %dma_wait3A_1088 = tpu.memref_slice %arg5[%dma_wait3A_1079, %dma_wait3A_1087] : memref<4x800xi32, #tpu.memory_space<vmem>> -> memref<1x800xi32, #tpu.memory_space<vmem>>
        %dma_wait3A_1089 = tpu.memref_squeeze %dma_wait3A_1088 : memref<1x800xi32, #tpu.memory_space<vmem>> -> memref<800xi32, #tpu.memory_space<vmem>>
        %dma_wait3A_1090 = tpu.memref_slice %arg3[%add3A_1078] : memref<3276800xi32, #tpu.memory_space<hbm>> -> memref<800xi32, #tpu.memory_space<hbm>>
        tpu.wait_dma2 semaphore(%dma_wait3A_1086 : memref<!tpu.dma_semaphore, #tpu.memory_space<semaphore_mem>>) src(%dma_wait3A_1090 : memref<800xi32, #tpu.memory_space<hbm>>) dst(%dma_wait3A_1089 : memref<800xi32, #tpu.memory_space<vmem>>)
        %ge3A = arith.constant 2 : i32
        %ge3A_1091 = arith.cmpi sge, %add3A_392, %ge3A : i32
        %convert_element_type3A_1092 = arith.extui %ge3A_1091 : i1 to i32
        %cond3A_1093 = arith.constant 0 : i32
        %cond3A_1094 = arith.cmpi ne, %convert_element_type3A_1092, %cond3A_1093 : i32
        scf.if %cond3A_1094 {
          %sub3A_1110 = arith.constant 2 : i32
          %sub3A_1111 = arith.subi %add3A_392, %sub3A_1110 : i32
          %mul3A_1112 = arith.constant 800 : i32
          %mul3A_1113 = arith.muli %sub3A_1111, %mul3A_1112 : i32
          %add3A_1114 = arith.addi %mul3A_2, %mul3A_1113 : i32
          %jit3A_1115 = arith.constant 200 : i32
          %div3A_1116 = arith.divsi %add3A_1114, %jit3A_1115 : i32
          %sign3A_1117 = arith.constant 0 : i32
          %sign3A_1118 = arith.cmpi sgt, %add3A_1114, %sign3A_1117 : i32
          %sign3A_1119 = arith.extui %sign3A_1118 : i1 to i32
          %sign3A_1120 = arith.constant 0 : i32
          %sign3A_1121 = arith.cmpi slt, %add3A_1114, %sign3A_1120 : i32
          %sign3A_1122 = arith.extui %sign3A_1121 : i1 to i32
          %sign3A_1123 = arith.subi %sign3A_1119, %sign3A_1122 : i32
          %sign3A_1124 = arith.constant 0 : i32
          %sign3A_1125 = arith.cmpi sgt, %jit3A_1115, %sign3A_1124 : i32
          %sign3A_1126 = arith.extui %sign3A_1125 : i1 to i32
          %sign3A_1127 = arith.constant 0 : i32
          %sign3A_1128 = arith.cmpi slt, %jit3A_1115, %sign3A_1127 : i32
          %sign3A_1129 = arith.extui %sign3A_1128 : i1 to i32
          %sign3A_1130 = arith.subi %sign3A_1126, %sign3A_1129 : i32
          %ne3A_1131 = arith.cmpi ne, %sign3A_1123, %sign3A_1130 : i32
          %rem3A_1132 = arith.remsi %add3A_1114, %jit3A_1115 : i32
          %ne3A_1133 = arith.constant 0 : i32
          %ne3A_1134 = arith.cmpi ne, %rem3A_1132, %ne3A_1133 : i32
          %and3A_1135 = arith.andi %ne3A_1131, %ne3A_1134 : i1
          %sub3A_1136 = arith.constant 1 : i32
          %sub3A_1137 = arith.subi %div3A_1116, %sub3A_1136 : i32
          %select_n3A_1138 = arith.select %and3A_1135, %sub3A_1137, %div3A_1116 : i32
          %add3A_1139 = arith.constant 0 : i32
          %add3A_1140 = arith.addi %select_n3A_1138, %add3A_1139 : i32
          %add3A_1141 = arith.constant 1 : i32
          %add3A_1142 = arith.addi %select_n3A_1138, %add3A_1141 : i32
          %add3A_1143 = arith.constant 2 : i32
          %add3A_1144 = arith.addi %select_n3A_1138, %add3A_1143 : i32
          %add3A_1145 = arith.constant 3 : i32
          %add3A_1146 = arith.addi %select_n3A_1138, %add3A_1145 : i32
          %dma_wait3A_1147 = arith.constant 2 : i32
          %dma_wait3A_1148 = arith.constant 2 : i32
          %dma_wait3A_1149 = arith.constant 0 : i32
          %dma_wait3A_1150 = arith.constant 0 : i32
          %dma_wait3A_1151 = tpu.memref_slice %arg6[%dma_wait3A_1147, %dma_wait3A_1149, %dma_wait3A_1150] : memref<4x800x32xf32, #tpu.memory_space<vmem>> -> memref<1x800x32xf32, #tpu.memory_space<vmem>>
          %dma_wait3A_1152 = tpu.memref_squeeze %dma_wait3A_1151 : memref<1x800x32xf32, #tpu.memory_space<vmem>> -> memref<800x32xf32, #tpu.memory_space<vmem>>
          %dma_wait3A_1153 = arith.constant 0 : i32
          %dma_wait3A_1154 = arith.constant 0 : i32
          %dma_wait3A_1155 = tpu.memref_slice %dma_wait3A_1152[%dma_wait3A_1153, %dma_wait3A_1154] : memref<800x32xf32, #tpu.memory_space<vmem>> -> memref<200x32xf32, #tpu.memory_space<vmem>>
          %dma_wait3A_1156 = arith.constant 0 : i32
          %dma_wait3A_1157 = arith.constant 0 : i32
          %dma_wait3A_1158 = tpu.memref_slice %arg4[%add3A_1140, %dma_wait3A_1156, %dma_wait3A_1157] : memref<16384x200x32xf32, #tpu.memory_space<hbm>> -> memref<1x200x32xf32, #tpu.memory_space<hbm>>
          %dma_wait3A_1159 = tpu.memref_squeeze %dma_wait3A_1158 : memref<1x200x32xf32, #tpu.memory_space<hbm>> -> memref<200x32xf32, #tpu.memory_space<hbm>>
          %dma_wait3A_1160 = tpu.memref_slice %arg9[%dma_wait3A_1148] : memref<4x!tpu.dma_semaphore, #tpu.memory_space<semaphore_mem>> -> memref<1x!tpu.dma_semaphore, #tpu.memory_space<semaphore_mem>>
          %dma_wait3A_1161 = tpu.memref_squeeze %dma_wait3A_1160 : memref<1x!tpu.dma_semaphore, #tpu.memory_space<semaphore_mem>> -> memref<!tpu.dma_semaphore, #tpu.memory_space<semaphore_mem>>
          %dma_wait3A_1162 = arith.constant 0 : i32
          %dma_wait3A_1163 = arith.constant 0 : i32
          %dma_wait3A_1164 = tpu.memref_slice %arg4[%add3A_1140, %dma_wait3A_1162, %dma_wait3A_1163] : memref<16384x200x32xf32, #tpu.memory_space<hbm>> -> memref<1x200x32xf32, #tpu.memory_space<hbm>>
          %dma_wait3A_1165 = tpu.memref_squeeze %dma_wait3A_1164 : memref<1x200x32xf32, #tpu.memory_space<hbm>> -> memref<200x32xf32, #tpu.memory_space<hbm>>
          %dma_wait3A_1166 = arith.constant 0 : i32
          %dma_wait3A_1167 = arith.constant 0 : i32
          %dma_wait3A_1168 = tpu.memref_slice %arg6[%dma_wait3A_1147, %dma_wait3A_1166, %dma_wait3A_1167] : memref<4x800x32xf32, #tpu.memory_space<vmem>> -> memref<1x800x32xf32, #tpu.memory_space<vmem>>
          %dma_wait3A_1169 = tpu.memref_squeeze %dma_wait3A_1168 : memref<1x800x32xf32, #tpu.memory_space<vmem>> -> memref<800x32xf32, #tpu.memory_space<vmem>>
          %dma_wait3A_1170 = arith.constant 0 : i32
          %dma_wait3A_1171 = arith.constant 0 : i32
          %dma_wait3A_1172 = tpu.memref_slice %dma_wait3A_1169[%dma_wait3A_1170, %dma_wait3A_1171] : memref<800x32xf32, #tpu.memory_space<vmem>> -> memref<200x32xf32, #tpu.memory_space<vmem>>
          tpu.wait_dma2 semaphore(%dma_wait3A_1161 : memref<!tpu.dma_semaphore, #tpu.memory_space<semaphore_mem>>) src(%dma_wait3A_1172 : memref<200x32xf32, #tpu.memory_space<vmem>>) dst(%dma_wait3A_1165 : memref<200x32xf32, #tpu.memory_space<hbm>>)
          %dma_wait3A_1173 = arith.constant 2 : i32
          %dma_wait3A_1174 = arith.constant 2 : i32
          %dma_wait3A_1175 = arith.constant 0 : i32
          %dma_wait3A_1176 = arith.constant 0 : i32
          %dma_wait3A_1177 = tpu.memref_slice %arg6[%dma_wait3A_1173, %dma_wait3A_1175, %dma_wait3A_1176] : memref<4x800x32xf32, #tpu.memory_space<vmem>> -> memref<1x800x32xf32, #tpu.memory_space<vmem>>
          %dma_wait3A_1178 = tpu.memref_squeeze %dma_wait3A_1177 : memref<1x800x32xf32, #tpu.memory_space<vmem>> -> memref<800x32xf32, #tpu.memory_space<vmem>>
          %dma_wait3A_1179 = arith.constant 200 : i32
          %dma_wait3A_1180 = arith.constant 0 : i32
          %dma_wait3A_1181 = tpu.memref_slice %dma_wait3A_1178[%dma_wait3A_1179, %dma_wait3A_1180] : memref<800x32xf32, #tpu.memory_space<vmem>> -> memref<200x32xf32, #tpu.memory_space<vmem>>
          %dma_wait3A_1182 = arith.constant 0 : i32
          %dma_wait3A_1183 = arith.constant 0 : i32
          %dma_wait3A_1184 = tpu.memref_slice %arg4[%add3A_1142, %dma_wait3A_1182, %dma_wait3A_1183] : memref<16384x200x32xf32, #tpu.memory_space<hbm>> -> memref<1x200x32xf32, #tpu.memory_space<hbm>>
          %dma_wait3A_1185 = tpu.memref_squeeze %dma_wait3A_1184 : memref<1x200x32xf32, #tpu.memory_space<hbm>> -> memref<200x32xf32, #tpu.memory_space<hbm>>
          %dma_wait3A_1186 = tpu.memref_slice %arg9[%dma_wait3A_1174] : memref<4x!tpu.dma_semaphore, #tpu.memory_space<semaphore_mem>> -> memref<1x!tpu.dma_semaphore, #tpu.memory_space<semaphore_mem>>
          %dma_wait3A_1187 = tpu.memref_squeeze %dma_wait3A_1186 : memref<1x!tpu.dma_semaphore, #tpu.memory_space<semaphore_mem>> -> memref<!tpu.dma_semaphore, #tpu.memory_space<semaphore_mem>>
          %dma_wait3A_1188 = arith.constant 0 : i32
          %dma_wait3A_1189 = arith.constant 0 : i32
          %dma_wait3A_1190 = tpu.memref_slice %arg4[%add3A_1142, %dma_wait3A_1188, %dma_wait3A_1189] : memref<16384x200x32xf32, #tpu.memory_space<hbm>> -> memref<1x200x32xf32, #tpu.memory_space<hbm>>
          %dma_wait3A_1191 = tpu.memref_squeeze %dma_wait3A_1190 : memref<1x200x32xf32, #tpu.memory_space<hbm>> -> memref<200x32xf32, #tpu.memory_space<hbm>>
          %dma_wait3A_1192 = arith.constant 0 : i32
          %dma_wait3A_1193 = arith.constant 0 : i32
          %dma_wait3A_1194 = tpu.memref_slice %arg6[%dma_wait3A_1173, %dma_wait3A_1192, %dma_wait3A_1193] : memref<4x800x32xf32, #tpu.memory_space<vmem>> -> memref<1x800x32xf32, #tpu.memory_space<vmem>>
          %dma_wait3A_1195 = tpu.memref_squeeze %dma_wait3A_1194 : memref<1x800x32xf32, #tpu.memory_space<vmem>> -> memref<800x32xf32, #tpu.memory_space<vmem>>
          %dma_wait3A_1196 = arith.constant 200 : i32
          %dma_wait3A_1197 = arith.constant 0 : i32
          %dma_wait3A_1198 = tpu.memref_slice %dma_wait3A_1195[%dma_wait3A_1196, %dma_wait3A_1197] : memref<800x32xf32, #tpu.memory_space<vmem>> -> memref<200x32xf32, #tpu.memory_space<vmem>>
          tpu.wait_dma2 semaphore(%dma_wait3A_1187 : memref<!tpu.dma_semaphore, #tpu.memory_space<semaphore_mem>>) src(%dma_wait3A_1198 : memref<200x32xf32, #tpu.memory_space<vmem>>) dst(%dma_wait3A_1191 : memref<200x32xf32, #tpu.memory_space<hbm>>)
          %dma_wait3A_1199 = arith.constant 2 : i32
          %dma_wait3A_1200 = arith.constant 2 : i32
          %dma_wait3A_1201 = arith.constant 0 : i32
          %dma_wait3A_1202 = arith.constant 0 : i32
          %dma_wait3A_1203 = tpu.memref_slice %arg6[%dma_wait3A_1199, %dma_wait3A_1201, %dma_wait3A_1202] : memref<4x800x32xf32, #tpu.memory_space<vmem>> -> memref<1x800x32xf32, #tpu.memory_space<vmem>>
          %dma_wait3A_1204 = tpu.memref_squeeze %dma_wait3A_1203 : memref<1x800x32xf32, #tpu.memory_space<vmem>> -> memref<800x32xf32, #tpu.memory_space<vmem>>
          %dma_wait3A_1205 = arith.constant 400 : i32
          %dma_wait3A_1206 = arith.constant 0 : i32
          %dma_wait3A_1207 = tpu.memref_slice %dma_wait3A_1204[%dma_wait3A_1205, %dma_wait3A_1206] : memref<800x32xf32, #tpu.memory_space<vmem>> -> memref<200x32xf32, #tpu.memory_space<vmem>>
          %dma_wait3A_1208 = arith.constant 0 : i32
          %dma_wait3A_1209 = arith.constant 0 : i32
          %dma_wait3A_1210 = tpu.memref_slice %arg4[%add3A_1144, %dma_wait3A_1208, %dma_wait3A_1209] : memref<16384x200x32xf32, #tpu.memory_space<hbm>> -> memref<1x200x32xf32, #tpu.memory_space<hbm>>
          %dma_wait3A_1211 = tpu.memref_squeeze %dma_wait3A_1210 : memref<1x200x32xf32, #tpu.memory_space<hbm>> -> memref<200x32xf32, #tpu.memory_space<hbm>>
          %dma_wait3A_1212 = tpu.memref_slice %arg9[%dma_wait3A_1200] : memref<4x!tpu.dma_semaphore, #tpu.memory_space<semaphore_mem>> -> memref<1x!tpu.dma_semaphore, #tpu.memory_space<semaphore_mem>>
          %dma_wait3A_1213 = tpu.memref_squeeze %dma_wait3A_1212 : memref<1x!tpu.dma_semaphore, #tpu.memory_space<semaphore_mem>> -> memref<!tpu.dma_semaphore, #tpu.memory_space<semaphore_mem>>
          %dma_wait3A_1214 = arith.constant 0 : i32
          %dma_wait3A_1215 = arith.constant 0 : i32
          %dma_wait3A_1216 = tpu.memref_slice %arg4[%add3A_1144, %dma_wait3A_1214, %dma_wait3A_1215] : memref<16384x200x32xf32, #tpu.memory_space<hbm>> -> memref<1x200x32xf32, #tpu.memory_space<hbm>>
          %dma_wait3A_1217 = tpu.memref_squeeze %dma_wait3A_1216 : memref<1x200x32xf32, #tpu.memory_space<hbm>> -> memref<200x32xf32, #tpu.memory_space<hbm>>
          %dma_wait3A_1218 = arith.constant 0 : i32
          %dma_wait3A_1219 = arith.constant 0 : i32
          %dma_wait3A_1220 = tpu.memref_slice %arg6[%dma_wait3A_1199, %dma_wait3A_1218, %dma_wait3A_1219] : memref<4x800x32xf32, #tpu.memory_space<vmem>> -> memref<1x800x32xf32, #tpu.memory_space<vmem>>
          %dma_wait3A_1221 = tpu.memref_squeeze %dma_wait3A_1220 : memref<1x800x32xf32, #tpu.memory_space<vmem>> -> memref<800x32xf32, #tpu.memory_space<vmem>>
          %dma_wait3A_1222 = arith.constant 400 : i32
          %dma_wait3A_1223 = arith.constant 0 : i32
          %dma_wait3A_1224 = tpu.memref_slice %dma_wait3A_1221[%dma_wait3A_1222, %dma_wait3A_1223] : memref<800x32xf32, #tpu.memory_space<vmem>> -> memref<200x32xf32, #tpu.memory_space<vmem>>
          tpu.wait_dma2 semaphore(%dma_wait3A_1213 : memref<!tpu.dma_semaphore, #tpu.memory_space<semaphore_mem>>) src(%dma_wait3A_1224 : memref<200x32xf32, #tpu.memory_space<vmem>>) dst(%dma_wait3A_1217 : memref<200x32xf32, #tpu.memory_space<hbm>>)
          %dma_wait3A_1225 = arith.constant 2 : i32
          %dma_wait3A_1226 = arith.constant 2 : i32
          %dma_wait3A_1227 = arith.constant 0 : i32
          %dma_wait3A_1228 = arith.constant 0 : i32
          %dma_wait3A_1229 = tpu.memref_slice %arg6[%dma_wait3A_1225, %dma_wait3A_1227, %dma_wait3A_1228] : memref<4x800x32xf32, #tpu.memory_space<vmem>> -> memref<1x800x32xf32, #tpu.memory_space<vmem>>
          %dma_wait3A_1230 = tpu.memref_squeeze %dma_wait3A_1229 : memref<1x800x32xf32, #tpu.memory_space<vmem>> -> memref<800x32xf32, #tpu.memory_space<vmem>>
          %dma_wait3A_1231 = arith.constant 600 : i32
          %dma_wait3A_1232 = arith.constant 0 : i32
          %dma_wait3A_1233 = tpu.memref_slice %dma_wait3A_1230[%dma_wait3A_1231, %dma_wait3A_1232] : memref<800x32xf32, #tpu.memory_space<vmem>> -> memref<200x32xf32, #tpu.memory_space<vmem>>
          %dma_wait3A_1234 = arith.constant 0 : i32
          %dma_wait3A_1235 = arith.constant 0 : i32
          %dma_wait3A_1236 = tpu.memref_slice %arg4[%add3A_1146, %dma_wait3A_1234, %dma_wait3A_1235] : memref<16384x200x32xf32, #tpu.memory_space<hbm>> -> memref<1x200x32xf32, #tpu.memory_space<hbm>>
          %dma_wait3A_1237 = tpu.memref_squeeze %dma_wait3A_1236 : memref<1x200x32xf32, #tpu.memory_space<hbm>> -> memref<200x32xf32, #tpu.memory_space<hbm>>
          %dma_wait3A_1238 = tpu.memref_slice %arg9[%dma_wait3A_1226] : memref<4x!tpu.dma_semaphore, #tpu.memory_space<semaphore_mem>> -> memref<1x!tpu.dma_semaphore, #tpu.memory_space<semaphore_mem>>
          %dma_wait3A_1239 = tpu.memref_squeeze %dma_wait3A_1238 : memref<1x!tpu.dma_semaphore, #tpu.memory_space<semaphore_mem>> -> memref<!tpu.dma_semaphore, #tpu.memory_space<semaphore_mem>>
          %dma_wait3A_1240 = arith.constant 0 : i32
          %dma_wait3A_1241 = arith.constant 0 : i32
          %dma_wait3A_1242 = tpu.memref_slice %arg4[%add3A_1146, %dma_wait3A_1240, %dma_wait3A_1241] : memref<16384x200x32xf32, #tpu.memory_space<hbm>> -> memref<1x200x32xf32, #tpu.memory_space<hbm>>
          %dma_wait3A_1243 = tpu.memref_squeeze %dma_wait3A_1242 : memref<1x200x32xf32, #tpu.memory_space<hbm>> -> memref<200x32xf32, #tpu.memory_space<hbm>>
          %dma_wait3A_1244 = arith.constant 0 : i32
          %dma_wait3A_1245 = arith.constant 0 : i32
          %dma_wait3A_1246 = tpu.memref_slice %arg6[%dma_wait3A_1225, %dma_wait3A_1244, %dma_wait3A_1245] : memref<4x800x32xf32, #tpu.memory_space<vmem>> -> memref<1x800x32xf32, #tpu.memory_space<vmem>>
          %dma_wait3A_1247 = tpu.memref_squeeze %dma_wait3A_1246 : memref<1x800x32xf32, #tpu.memory_space<vmem>> -> memref<800x32xf32, #tpu.memory_space<vmem>>
          %dma_wait3A_1248 = arith.constant 600 : i32
          %dma_wait3A_1249 = arith.constant 0 : i32
          %dma_wait3A_1250 = tpu.memref_slice %dma_wait3A_1247[%dma_wait3A_1248, %dma_wait3A_1249] : memref<800x32xf32, #tpu.memory_space<vmem>> -> memref<200x32xf32, #tpu.memory_space<vmem>>
          tpu.wait_dma2 semaphore(%dma_wait3A_1239 : memref<!tpu.dma_semaphore, #tpu.memory_space<semaphore_mem>>) src(%dma_wait3A_1250 : memref<200x32xf32, #tpu.memory_space<vmem>>) dst(%dma_wait3A_1243 : memref<200x32xf32, #tpu.memory_space<hbm>>)
        } else {
        }
        %dma_start3A_1095 = arith.constant 2 : i32
        %dma_start3A_1096 = arith.constant 2 : i32
        %dma_start3A_1097 = arith.constant 2 : i32
        %dma_start3A_1098 = arith.constant 0 : i32
        %dma_start3A_1099 = arith.constant 0 : i32
        %dma_start3A_1100 = tpu.memref_slice %arg6[%dma_start3A_1096, %dma_start3A_1098, %dma_start3A_1099] : memref<4x800x32xf32, #tpu.memory_space<vmem>> -> memref<1x800x32xf32, #tpu.memory_space<vmem>>
        %dma_start3A_1101 = tpu.memref_squeeze %dma_start3A_1100 : memref<1x800x32xf32, #tpu.memory_space<vmem>> -> memref<800x32xf32, #tpu.memory_space<vmem>>
        %dma_start3A_1102 = arith.constant 0 : i32
        %dma_start3A_1103 = tpu.memref_slice %arg5[%dma_start3A_1095, %dma_start3A_1102] : memref<4x800xi32, #tpu.memory_space<vmem>> -> memref<1x800xi32, #tpu.memory_space<vmem>>
        %dma_start3A_1104 = tpu.memref_squeeze %dma_start3A_1103 : memref<1x800xi32, #tpu.memory_space<vmem>> -> memref<800xi32, #tpu.memory_space<vmem>>
        %dma_start3A_1105 = arith.constant 0 : i32
        %dma_start3A_1106 = arith.constant 0 : i32
        %dma_start3A_1107 = tpu.memref_slice %arg2[%dma_start3A_1105, %dma_start3A_1106] : memref<1000000x32xf32, #tpu.memory_space<hbm>> -> memref<1000000x32xf32, #tpu.memory_space<hbm>>
        %dma_start3A_1108 = tpu.memref_slice %arg8[%dma_start3A_1097] : memref<4x!tpu.dma_semaphore, #tpu.memory_space<semaphore_mem>> -> memref<1x!tpu.dma_semaphore, #tpu.memory_space<semaphore_mem>>
        %dma_start3A_1109 = tpu.memref_squeeze %dma_start3A_1108 : memref<1x!tpu.dma_semaphore, #tpu.memory_space<semaphore_mem>> -> memref<!tpu.dma_semaphore, #tpu.memory_space<semaphore_mem>>
        tpu.enqueue_indirect_dma source(%dma_start3A_1107 : memref<1000000x32xf32, #tpu.memory_space<hbm>>) target(%dma_start3A_1101 : memref<800x32xf32, #tpu.memory_space<vmem>>) offsets(%dma_start3A_1104 : memref<800xi32, #tpu.memory_space<vmem>>) semaphore(%dma_start3A_1109 : memref<!tpu.dma_semaphore, #tpu.memory_space<semaphore_mem>>)
      } else {
      }
      %mul3A_419 = arith.constant 800 : i32
      %mul3A_420 = arith.muli %add3A_392, %mul3A_419 : i32
      %add3A_421 = arith.addi %mul3A_2, %mul3A_420 : i32
      %jit3A_422 = arith.constant 200 : i32
      %div3A_423 = arith.divsi %add3A_421, %jit3A_422 : i32
      %sign3A_424 = arith.constant 0 : i32
      %sign3A_425 = arith.cmpi sgt, %add3A_421, %sign3A_424 : i32
      %sign3A_426 = arith.extui %sign3A_425 : i1 to i32
      %sign3A_427 = arith.constant 0 : i32
      %sign3A_428 = arith.cmpi slt, %add3A_421, %sign3A_427 : i32
      %sign3A_429 = arith.extui %sign3A_428 : i1 to i32
      %sign3A_430 = arith.subi %sign3A_426, %sign3A_429 : i32
      %sign3A_431 = arith.constant 0 : i32
      %sign3A_432 = arith.cmpi sgt, %jit3A_422, %sign3A_431 : i32
      %sign3A_433 = arith.extui %sign3A_432 : i1 to i32
      %sign3A_434 = arith.constant 0 : i32
      %sign3A_435 = arith.cmpi slt, %jit3A_422, %sign3A_434 : i32
      %sign3A_436 = arith.extui %sign3A_435 : i1 to i32
      %sign3A_437 = arith.subi %sign3A_433, %sign3A_436 : i32
      %ne3A_438 = arith.cmpi ne, %sign3A_430, %sign3A_437 : i32
      %rem3A_439 = arith.remsi %add3A_421, %jit3A_422 : i32
      %ne3A_440 = arith.constant 0 : i32
      %ne3A_441 = arith.cmpi ne, %rem3A_439, %ne3A_440 : i32
      %and3A_442 = arith.andi %ne3A_438, %ne3A_441 : i1
      %sub3A_443 = arith.constant 1 : i32
      %sub3A_444 = arith.subi %div3A_423, %sub3A_443 : i32
      %select_n3A_445 = arith.select %and3A_442, %sub3A_444, %div3A_423 : i32
      %add3A_446 = arith.constant 0 : i32
      %add3A_447 = arith.addi %select_n3A_445, %add3A_446 : i32
      %add3A_448 = arith.constant 1 : i32
      %add3A_449 = arith.addi %select_n3A_445, %add3A_448 : i32
      %add3A_450 = arith.constant 2 : i32
      %add3A_451 = arith.addi %select_n3A_445, %add3A_450 : i32
      %add3A_452 = arith.constant 3 : i32
      %add3A_453 = arith.addi %select_n3A_445, %add3A_452 : i32
      %dma_start3A_454 = arith.constant 0 : i32
      %dma_start3A_455 = arith.constant 0 : i32
      %dma_start3A_456 = arith.constant 0 : i32
      %dma_start3A_457 = arith.constant 0 : i32
      %dma_start3A_458 = tpu.memref_slice %arg6[%dma_start3A_454, %dma_start3A_456, %dma_start3A_457] : memref<4x800x32xf32, #tpu.memory_space<vmem>> -> memref<1x800x32xf32, #tpu.memory_space<vmem>>
      %dma_start3A_459 = tpu.memref_squeeze %dma_start3A_458 : memref<1x800x32xf32, #tpu.memory_space<vmem>> -> memref<800x32xf32, #tpu.memory_space<vmem>>
      %dma_start3A_460 = arith.constant 0 : i32
      %dma_start3A_461 = arith.constant 0 : i32
      %dma_start3A_462 = tpu.memref_slice %dma_start3A_459[%dma_start3A_460, %dma_start3A_461] : memref<800x32xf32, #tpu.memory_space<vmem>> -> memref<200x32xf32, #tpu.memory_space<vmem>>
      %dma_start3A_463 = arith.constant 0 : i32
      %dma_start3A_464 = arith.constant 0 : i32
      %dma_start3A_465 = tpu.memref_slice %arg4[%add3A_447, %dma_start3A_463, %dma_start3A_464] : memref<16384x200x32xf32, #tpu.memory_space<hbm>> -> memref<1x200x32xf32, #tpu.memory_space<hbm>>
      %dma_start3A_466 = tpu.memref_squeeze %dma_start3A_465 : memref<1x200x32xf32, #tpu.memory_space<hbm>> -> memref<200x32xf32, #tpu.memory_space<hbm>>
      %dma_start3A_467 = tpu.memref_slice %arg9[%dma_start3A_455] : memref<4x!tpu.dma_semaphore, #tpu.memory_space<semaphore_mem>> -> memref<1x!tpu.dma_semaphore, #tpu.memory_space<semaphore_mem>>
      %dma_start3A_468 = tpu.memref_squeeze %dma_start3A_467 : memref<1x!tpu.dma_semaphore, #tpu.memory_space<semaphore_mem>> -> memref<!tpu.dma_semaphore, #tpu.memory_space<semaphore_mem>>
      %dma_start3A_469 = arith.constant 0 : i32
      %dma_start3A_470 = arith.constant 0 : i32
      %dma_start3A_471 = tpu.memref_slice %arg4[%add3A_447, %dma_start3A_469, %dma_start3A_470] : memref<16384x200x32xf32, #tpu.memory_space<hbm>> -> memref<1x200x32xf32, #tpu.memory_space<hbm>>
      %dma_start3A_472 = tpu.memref_squeeze %dma_start3A_471 : memref<1x200x32xf32, #tpu.memory_space<hbm>> -> memref<200x32xf32, #tpu.memory_space<hbm>>
      %dma_start3A_473 = arith.constant 0 : i32
      %dma_start3A_474 = arith.constant 0 : i32
      %dma_start3A_475 = tpu.memref_slice %arg6[%dma_start3A_454, %dma_start3A_473, %dma_start3A_474] : memref<4x800x32xf32, #tpu.memory_space<vmem>> -> memref<1x800x32xf32, #tpu.memory_space<vmem>>
      %dma_start3A_476 = tpu.memref_squeeze %dma_start3A_475 : memref<1x800x32xf32, #tpu.memory_space<vmem>> -> memref<800x32xf32, #tpu.memory_space<vmem>>
      %dma_start3A_477 = arith.constant 0 : i32
      %dma_start3A_478 = arith.constant 0 : i32
      %dma_start3A_479 = tpu.memref_slice %dma_start3A_476[%dma_start3A_477, %dma_start3A_478] : memref<800x32xf32, #tpu.memory_space<vmem>> -> memref<200x32xf32, #tpu.memory_space<vmem>>
      tpu.enqueue_dma source(%dma_start3A_479 : memref<200x32xf32, #tpu.memory_space<vmem>>) target(%dma_start3A_472 : memref<200x32xf32, #tpu.memory_space<hbm>>) target_semaphore(%dma_start3A_468 : memref<!tpu.dma_semaphore, #tpu.memory_space<semaphore_mem>>)
      %dma_start3A_480 = arith.constant 0 : i32
      %dma_start3A_481 = arith.constant 0 : i32
      %dma_start3A_482 = arith.constant 0 : i32
      %dma_start3A_483 = arith.constant 0 : i32
      %dma_start3A_484 = tpu.memref_slice %arg6[%dma_start3A_480, %dma_start3A_482, %dma_start3A_483] : memref<4x800x32xf32, #tpu.memory_space<vmem>> -> memref<1x800x32xf32, #tpu.memory_space<vmem>>
      %dma_start3A_485 = tpu.memref_squeeze %dma_start3A_484 : memref<1x800x32xf32, #tpu.memory_space<vmem>> -> memref<800x32xf32, #tpu.memory_space<vmem>>
      %dma_start3A_486 = arith.constant 200 : i32
      %dma_start3A_487 = arith.constant 0 : i32
      %dma_start3A_488 = tpu.memref_slice %dma_start3A_485[%dma_start3A_486, %dma_start3A_487] : memref<800x32xf32, #tpu.memory_space<vmem>> -> memref<200x32xf32, #tpu.memory_space<vmem>>
      %dma_start3A_489 = arith.constant 0 : i32
      %dma_start3A_490 = arith.constant 0 : i32
      %dma_start3A_491 = tpu.memref_slice %arg4[%add3A_449, %dma_start3A_489, %dma_start3A_490] : memref<16384x200x32xf32, #tpu.memory_space<hbm>> -> memref<1x200x32xf32, #tpu.memory_space<hbm>>
      %dma_start3A_492 = tpu.memref_squeeze %dma_start3A_491 : memref<1x200x32xf32, #tpu.memory_space<hbm>> -> memref<200x32xf32, #tpu.memory_space<hbm>>
      %dma_start3A_493 = tpu.memref_slice %arg9[%dma_start3A_481] : memref<4x!tpu.dma_semaphore, #tpu.memory_space<semaphore_mem>> -> memref<1x!tpu.dma_semaphore, #tpu.memory_space<semaphore_mem>>
      %dma_start3A_494 = tpu.memref_squeeze %dma_start3A_493 : memref<1x!tpu.dma_semaphore, #tpu.memory_space<semaphore_mem>> -> memref<!tpu.dma_semaphore, #tpu.memory_space<semaphore_mem>>
      %dma_start3A_495 = arith.constant 0 : i32
      %dma_start3A_496 = arith.constant 0 : i32
      %dma_start3A_497 = tpu.memref_slice %arg4[%add3A_449, %dma_start3A_495, %dma_start3A_496] : memref<16384x200x32xf32, #tpu.memory_space<hbm>> -> memref<1x200x32xf32, #tpu.memory_space<hbm>>
      %dma_start3A_498 = tpu.memref_squeeze %dma_start3A_497 : memref<1x200x32xf32, #tpu.memory_space<hbm>> -> memref<200x32xf32, #tpu.memory_space<hbm>>
      %dma_start3A_499 = arith.constant 0 : i32
      %dma_start3A_500 = arith.constant 0 : i32
      %dma_start3A_501 = tpu.memref_slice %arg6[%dma_start3A_480, %dma_start3A_499, %dma_start3A_500] : memref<4x800x32xf32, #tpu.memory_space<vmem>> -> memref<1x800x32xf32, #tpu.memory_space<vmem>>
      %dma_start3A_502 = tpu.memref_squeeze %dma_start3A_501 : memref<1x800x32xf32, #tpu.memory_space<vmem>> -> memref<800x32xf32, #tpu.memory_space<vmem>>
      %dma_start3A_503 = arith.constant 200 : i32
      %dma_start3A_504 = arith.constant 0 : i32
      %dma_start3A_505 = tpu.memref_slice %dma_start3A_502[%dma_start3A_503, %dma_start3A_504] : memref<800x32xf32, #tpu.memory_space<vmem>> -> memref<200x32xf32, #tpu.memory_space<vmem>>
      tpu.enqueue_dma source(%dma_start3A_505 : memref<200x32xf32, #tpu.memory_space<vmem>>) target(%dma_start3A_498 : memref<200x32xf32, #tpu.memory_space<hbm>>) target_semaphore(%dma_start3A_494 : memref<!tpu.dma_semaphore, #tpu.memory_space<semaphore_mem>>)
      %dma_start3A_506 = arith.constant 0 : i32
      %dma_start3A_507 = arith.constant 0 : i32
      %dma_start3A_508 = arith.constant 0 : i32
      %dma_start3A_509 = arith.constant 0 : i32
      %dma_start3A_510 = tpu.memref_slice %arg6[%dma_start3A_506, %dma_start3A_508, %dma_start3A_509] : memref<4x800x32xf32, #tpu.memory_space<vmem>> -> memref<1x800x32xf32, #tpu.memory_space<vmem>>
      %dma_start3A_511 = tpu.memref_squeeze %dma_start3A_510 : memref<1x800x32xf32, #tpu.memory_space<vmem>> -> memref<800x32xf32, #tpu.memory_space<vmem>>
      %dma_start3A_512 = arith.constant 400 : i32
      %dma_start3A_513 = arith.constant 0 : i32
      %dma_start3A_514 = tpu.memref_slice %dma_start3A_511[%dma_start3A_512, %dma_start3A_513] : memref<800x32xf32, #tpu.memory_space<vmem>> -> memref<200x32xf32, #tpu.memory_space<vmem>>
      %dma_start3A_515 = arith.constant 0 : i32
      %dma_start3A_516 = arith.constant 0 : i32
      %dma_start3A_517 = tpu.memref_slice %arg4[%add3A_451, %dma_start3A_515, %dma_start3A_516] : memref<16384x200x32xf32, #tpu.memory_space<hbm>> -> memref<1x200x32xf32, #tpu.memory_space<hbm>>
      %dma_start3A_518 = tpu.memref_squeeze %dma_start3A_517 : memref<1x200x32xf32, #tpu.memory_space<hbm>> -> memref<200x32xf32, #tpu.memory_space<hbm>>
      %dma_start3A_519 = tpu.memref_slice %arg9[%dma_start3A_507] : memref<4x!tpu.dma_semaphore, #tpu.memory_space<semaphore_mem>> -> memref<1x!tpu.dma_semaphore, #tpu.memory_space<semaphore_mem>>
      %dma_start3A_520 = tpu.memref_squeeze %dma_start3A_519 : memref<1x!tpu.dma_semaphore, #tpu.memory_space<semaphore_mem>> -> memref<!tpu.dma_semaphore, #tpu.memory_space<semaphore_mem>>
      %dma_start3A_521 = arith.constant 0 : i32
      %dma_start3A_522 = arith.constant 0 : i32
      %dma_start3A_523 = tpu.memref_slice %arg4[%add3A_451, %dma_start3A_521, %dma_start3A_522] : memref<16384x200x32xf32, #tpu.memory_space<hbm>> -> memref<1x200x32xf32, #tpu.memory_space<hbm>>
      %dma_start3A_524 = tpu.memref_squeeze %dma_start3A_523 : memref<1x200x32xf32, #tpu.memory_space<hbm>> -> memref<200x32xf32, #tpu.memory_space<hbm>>
      %dma_start3A_525 = arith.constant 0 : i32
      %dma_start3A_526 = arith.constant 0 : i32
      %dma_start3A_527 = tpu.memref_slice %arg6[%dma_start3A_506, %dma_start3A_525, %dma_start3A_526] : memref<4x800x32xf32, #tpu.memory_space<vmem>> -> memref<1x800x32xf32, #tpu.memory_space<vmem>>
      %dma_start3A_528 = tpu.memref_squeeze %dma_start3A_527 : memref<1x800x32xf32, #tpu.memory_space<vmem>> -> memref<800x32xf32, #tpu.memory_space<vmem>>
      %dma_start3A_529 = arith.constant 400 : i32
      %dma_start3A_530 = arith.constant 0 : i32
      %dma_start3A_531 = tpu.memref_slice %dma_start3A_528[%dma_start3A_529, %dma_start3A_530] : memref<800x32xf32, #tpu.memory_space<vmem>> -> memref<200x32xf32, #tpu.memory_space<vmem>>
      tpu.enqueue_dma source(%dma_start3A_531 : memref<200x32xf32, #tpu.memory_space<vmem>>) target(%dma_start3A_524 : memref<200x32xf32, #tpu.memory_space<hbm>>) target_semaphore(%dma_start3A_520 : memref<!tpu.dma_semaphore, #tpu.memory_space<semaphore_mem>>)
      %dma_start3A_532 = arith.constant 0 : i32
      %dma_start3A_533 = arith.constant 0 : i32
      %dma_start3A_534 = arith.constant 0 : i32
      %dma_start3A_535 = arith.constant 0 : i32
      %dma_start3A_536 = tpu.memref_slice %arg6[%dma_start3A_532, %dma_start3A_534, %dma_start3A_535] : memref<4x800x32xf32, #tpu.memory_space<vmem>> -> memref<1x800x32xf32, #tpu.memory_space<vmem>>
      %dma_start3A_537 = tpu.memref_squeeze %dma_start3A_536 : memref<1x800x32xf32, #tpu.memory_space<vmem>> -> memref<800x32xf32, #tpu.memory_space<vmem>>
      %dma_start3A_538 = arith.constant 600 : i32
      %dma_start3A_539 = arith.constant 0 : i32
      %dma_start3A_540 = tpu.memref_slice %dma_start3A_537[%dma_start3A_538, %dma_start3A_539] : memref<800x32xf32, #tpu.memory_space<vmem>> -> memref<200x32xf32, #tpu.memory_space<vmem>>
      %dma_start3A_541 = arith.constant 0 : i32
      %dma_start3A_542 = arith.constant 0 : i32
      %dma_start3A_543 = tpu.memref_slice %arg4[%add3A_453, %dma_start3A_541, %dma_start3A_542] : memref<16384x200x32xf32, #tpu.memory_space<hbm>> -> memref<1x200x32xf32, #tpu.memory_space<hbm>>
      %dma_start3A_544 = tpu.memref_squeeze %dma_start3A_543 : memref<1x200x32xf32, #tpu.memory_space<hbm>> -> memref<200x32xf32, #tpu.memory_space<hbm>>
      %dma_start3A_545 = tpu.memref_slice %arg9[%dma_start3A_533] : memref<4x!tpu.dma_semaphore, #tpu.memory_space<semaphore_mem>> -> memref<1x!tpu.dma_semaphore, #tpu.memory_space<semaphore_mem>>
      %dma_start3A_546 = tpu.memref_squeeze %dma_start3A_545 : memref<1x!tpu.dma_semaphore, #tpu.memory_space<semaphore_mem>> -> memref<!tpu.dma_semaphore, #tpu.memory_space<semaphore_mem>>
      %dma_start3A_547 = arith.constant 0 : i32
      %dma_start3A_548 = arith.constant 0 : i32
      %dma_start3A_549 = tpu.memref_slice %arg4[%add3A_453, %dma_start3A_547, %dma_start3A_548] : memref<16384x200x32xf32, #tpu.memory_space<hbm>> -> memref<1x200x32xf32, #tpu.memory_space<hbm>>
      %dma_start3A_550 = tpu.memref_squeeze %dma_start3A_549 : memref<1x200x32xf32, #tpu.memory_space<hbm>> -> memref<200x32xf32, #tpu.memory_space<hbm>>
      %dma_start3A_551 = arith.constant 0 : i32
      %dma_start3A_552 = arith.constant 0 : i32
      %dma_start3A_553 = tpu.memref_slice %arg6[%dma_start3A_532, %dma_start3A_551, %dma_start3A_552] : memref<4x800x32xf32, #tpu.memory_space<vmem>> -> memref<1x800x32xf32, #tpu.memory_space<vmem>>
      %dma_start3A_554 = tpu.memref_squeeze %dma_start3A_553 : memref<1x800x32xf32, #tpu.memory_space<vmem>> -> memref<800x32xf32, #tpu.memory_space<vmem>>
      %dma_start3A_555 = arith.constant 600 : i32
      %dma_start3A_556 = arith.constant 0 : i32
      %dma_start3A_557 = tpu.memref_slice %dma_start3A_554[%dma_start3A_555, %dma_start3A_556] : memref<800x32xf32, #tpu.memory_space<vmem>> -> memref<200x32xf32, #tpu.memory_space<vmem>>
      tpu.enqueue_dma source(%dma_start3A_557 : memref<200x32xf32, #tpu.memory_space<vmem>>) target(%dma_start3A_550 : memref<200x32xf32, #tpu.memory_space<hbm>>) target_semaphore(%dma_start3A_546 : memref<!tpu.dma_semaphore, #tpu.memory_space<semaphore_mem>>)
      %mul3A_558 = arith.constant 4 : i32
      %mul3A_559 = arith.muli %mul3A_558, %scan3A_388 : i32
      %add3A_560 = arith.constant 1 : i32
      %add3A_561 = arith.addi %mul3A_559, %add3A_560 : i32
      %dma_wait3A_562 = arith.constant 1 : i32
      %dma_wait3A_563 = arith.constant 1 : i32
      %dma_wait3A_564 = arith.constant 1 : i32
      %dma_wait3A_565 = arith.constant 0 : i32
      %dma_wait3A_566 = arith.constant 0 : i32
      %dma_wait3A_567 = tpu.memref_slice %arg6[%dma_wait3A_563, %dma_wait3A_565, %dma_wait3A_566] : memref<4x800x32xf32, #tpu.memory_space<vmem>> -> memref<1x800x32xf32, #tpu.memory_space<vmem>>
      %dma_wait3A_568 = tpu.memref_squeeze %dma_wait3A_567 : memref<1x800x32xf32, #tpu.memory_space<vmem>> -> memref<800x32xf32, #tpu.memory_space<vmem>>
      %dma_wait3A_569 = arith.constant 0 : i32
      %dma_wait3A_570 = tpu.memref_slice %arg5[%dma_wait3A_562, %dma_wait3A_569] : memref<4x800xi32, #tpu.memory_space<vmem>> -> memref<1x800xi32, #tpu.memory_space<vmem>>
      %dma_wait3A_571 = tpu.memref_squeeze %dma_wait3A_570 : memref<1x800xi32, #tpu.memory_space<vmem>> -> memref<800xi32, #tpu.memory_space<vmem>>
      %dma_wait3A_572 = arith.constant 0 : i32
      %dma_wait3A_573 = arith.constant 0 : i32
      %dma_wait3A_574 = tpu.memref_slice %arg2[%dma_wait3A_572, %dma_wait3A_573] : memref<1000000x32xf32, #tpu.memory_space<hbm>> -> memref<1000000x32xf32, #tpu.memory_space<hbm>>
      %dma_wait3A_575 = tpu.memref_slice %arg8[%dma_wait3A_564] : memref<4x!tpu.dma_semaphore, #tpu.memory_space<semaphore_mem>> -> memref<1x!tpu.dma_semaphore, #tpu.memory_space<semaphore_mem>>
      %dma_wait3A_576 = tpu.memref_squeeze %dma_wait3A_575 : memref<1x!tpu.dma_semaphore, #tpu.memory_space<semaphore_mem>> -> memref<!tpu.dma_semaphore, #tpu.memory_space<semaphore_mem>>
      tpu.wait_indirect_dma semaphore(%dma_wait3A_576 : memref<!tpu.dma_semaphore, #tpu.memory_space<semaphore_mem>>) src(%dma_wait3A_574 : memref<1000000x32xf32, #tpu.memory_space<hbm>>) dst(%dma_wait3A_568 : memref<800x32xf32, #tpu.memory_space<vmem>>)
      %add3A_577 = arith.constant 4 : i32
      %add3A_578 = arith.addi %add3A_561, %add3A_577 : i32
      %lt3A_579 = arith.constant 128 : i32
      %lt3A_580 = arith.cmpi slt, %add3A_578, %lt3A_579 : i32
      %convert_element_type3A_581 = arith.extui %lt3A_580 : i1 to i32
      %cond3A_582 = arith.constant 0 : i32
      %cond3A_583 = arith.cmpi ne, %convert_element_type3A_581, %cond3A_582 : i32
      scf.if %cond3A_583 {
        %add3A_1074 = arith.constant 4 : i32
        %add3A_1075 = arith.addi %add3A_561, %add3A_1074 : i32
        %mul3A_1076 = arith.constant 800 : i32
        %mul3A_1077 = arith.muli %add3A_1075, %mul3A_1076 : i32
        %add3A_1078 = arith.addi %mul3A_2, %mul3A_1077 : i32
        %dma_start3A_1079 = arith.constant 1 : i32
        %dma_start3A_1080 = arith.constant 1 : i32
        %dma_start3A_1081 = arith.constant 0 : i32
        %dma_start3A_1082 = tpu.memref_slice %arg5[%dma_start3A_1079, %dma_start3A_1081] : memref<4x800xi32, #tpu.memory_space<vmem>> -> memref<1x800xi32, #tpu.memory_space<vmem>>
        %dma_start3A_1083 = tpu.memref_squeeze %dma_start3A_1082 : memref<1x800xi32, #tpu.memory_space<vmem>> -> memref<800xi32, #tpu.memory_space<vmem>>
        %dma_start3A_1084 = tpu.memref_slice %arg3[%add3A_1078] : memref<3276800xi32, #tpu.memory_space<hbm>> -> memref<800xi32, #tpu.memory_space<hbm>>
        %dma_start3A_1085 = tpu.memref_slice %arg7[%dma_start3A_1080] : memref<4x!tpu.dma_semaphore, #tpu.memory_space<semaphore_mem>> -> memref<1x!tpu.dma_semaphore, #tpu.memory_space<semaphore_mem>>
        %dma_start3A_1086 = tpu.memref_squeeze %dma_start3A_1085 : memref<1x!tpu.dma_semaphore, #tpu.memory_space<semaphore_mem>> -> memref<!tpu.dma_semaphore, #tpu.memory_space<semaphore_mem>>
        %dma_start3A_1087 = arith.constant 0 : i32
        %dma_start3A_1088 = tpu.memref_slice %arg5[%dma_start3A_1079, %dma_start3A_1087] : memref<4x800xi32, #tpu.memory_space<vmem>> -> memref<1x800xi32, #tpu.memory_space<vmem>>
        %dma_start3A_1089 = tpu.memref_squeeze %dma_start3A_1088 : memref<1x800xi32, #tpu.memory_space<vmem>> -> memref<800xi32, #tpu.memory_space<vmem>>
        %dma_start3A_1090 = tpu.memref_slice %arg3[%add3A_1078] : memref<3276800xi32, #tpu.memory_space<hbm>> -> memref<800xi32, #tpu.memory_space<hbm>>
        tpu.enqueue_dma source(%dma_start3A_1090 : memref<800xi32, #tpu.memory_space<hbm>>) target(%dma_start3A_1089 : memref<800xi32, #tpu.memory_space<vmem>>) target_semaphore(%dma_start3A_1086 : memref<!tpu.dma_semaphore, #tpu.memory_space<semaphore_mem>>)
      } else {
      }
      %add3A_584 = arith.constant 2 : i32
      %add3A_585 = arith.addi %add3A_561, %add3A_584 : i32
      %lt3A_586 = arith.constant 128 : i32
      %lt3A_587 = arith.cmpi slt, %add3A_585, %lt3A_586 : i32
      %convert_element_type3A_588 = arith.extui %lt3A_587 : i1 to i32
      %cond3A_589 = arith.constant 0 : i32
      %cond3A_590 = arith.cmpi ne, %convert_element_type3A_588, %cond3A_589 : i32
      scf.if %cond3A_590 {
        %add3A_1074 = arith.constant 2 : i32
        %add3A_1075 = arith.addi %add3A_561, %add3A_1074 : i32
        %mul3A_1076 = arith.constant 800 : i32
        %mul3A_1077 = arith.muli %add3A_1075, %mul3A_1076 : i32
        %add3A_1078 = arith.addi %mul3A_2, %mul3A_1077 : i32
        %dma_wait3A_1079 = arith.constant 3 : i32
        %dma_wait3A_1080 = arith.constant 3 : i32
        %dma_wait3A_1081 = arith.constant 0 : i32
        %dma_wait3A_1082 = tpu.memref_slice %arg5[%dma_wait3A_1079, %dma_wait3A_1081] : memref<4x800xi32, #tpu.memory_space<vmem>> -> memref<1x800xi32, #tpu.memory_space<vmem>>
        %dma_wait3A_1083 = tpu.memref_squeeze %dma_wait3A_1082 : memref<1x800xi32, #tpu.memory_space<vmem>> -> memref<800xi32, #tpu.memory_space<vmem>>
        %dma_wait3A_1084 = tpu.memref_slice %arg3[%add3A_1078] : memref<3276800xi32, #tpu.memory_space<hbm>> -> memref<800xi32, #tpu.memory_space<hbm>>
        %dma_wait3A_1085 = tpu.memref_slice %arg7[%dma_wait3A_1080] : memref<4x!tpu.dma_semaphore, #tpu.memory_space<semaphore_mem>> -> memref<1x!tpu.dma_semaphore, #tpu.memory_space<semaphore_mem>>
        %dma_wait3A_1086 = tpu.memref_squeeze %dma_wait3A_1085 : memref<1x!tpu.dma_semaphore, #tpu.memory_space<semaphore_mem>> -> memref<!tpu.dma_semaphore, #tpu.memory_space<semaphore_mem>>
        %dma_wait3A_1087 = arith.constant 0 : i32
        %dma_wait3A_1088 = tpu.memref_slice %arg5[%dma_wait3A_1079, %dma_wait3A_1087] : memref<4x800xi32, #tpu.memory_space<vmem>> -> memref<1x800xi32, #tpu.memory_space<vmem>>
        %dma_wait3A_1089 = tpu.memref_squeeze %dma_wait3A_1088 : memref<1x800xi32, #tpu.memory_space<vmem>> -> memref<800xi32, #tpu.memory_space<vmem>>
        %dma_wait3A_1090 = tpu.memref_slice %arg3[%add3A_1078] : memref<3276800xi32, #tpu.memory_space<hbm>> -> memref<800xi32, #tpu.memory_space<hbm>>
        tpu.wait_dma2 semaphore(%dma_wait3A_1086 : memref<!tpu.dma_semaphore, #tpu.memory_space<semaphore_mem>>) src(%dma_wait3A_1090 : memref<800xi32, #tpu.memory_space<hbm>>) dst(%dma_wait3A_1089 : memref<800xi32, #tpu.memory_space<vmem>>)
        %ge3A = arith.constant 2 : i32
        %ge3A_1091 = arith.cmpi sge, %add3A_561, %ge3A : i32
        %convert_element_type3A_1092 = arith.extui %ge3A_1091 : i1 to i32
        %cond3A_1093 = arith.constant 0 : i32
        %cond3A_1094 = arith.cmpi ne, %convert_element_type3A_1092, %cond3A_1093 : i32
        scf.if %cond3A_1094 {
          %sub3A_1110 = arith.constant 2 : i32
          %sub3A_1111 = arith.subi %add3A_561, %sub3A_1110 : i32
          %mul3A_1112 = arith.constant 800 : i32
          %mul3A_1113 = arith.muli %sub3A_1111, %mul3A_1112 : i32
          %add3A_1114 = arith.addi %mul3A_2, %mul3A_1113 : i32
          %jit3A_1115 = arith.constant 200 : i32
          %div3A_1116 = arith.divsi %add3A_1114, %jit3A_1115 : i32
          %sign3A_1117 = arith.constant 0 : i32
          %sign3A_1118 = arith.cmpi sgt, %add3A_1114, %sign3A_1117 : i32
          %sign3A_1119 = arith.extui %sign3A_1118 : i1 to i32
          %sign3A_1120 = arith.constant 0 : i32
          %sign3A_1121 = arith.cmpi slt, %add3A_1114, %sign3A_1120 : i32
          %sign3A_1122 = arith.extui %sign3A_1121 : i1 to i32
          %sign3A_1123 = arith.subi %sign3A_1119, %sign3A_1122 : i32
          %sign3A_1124 = arith.constant 0 : i32
          %sign3A_1125 = arith.cmpi sgt, %jit3A_1115, %sign3A_1124 : i32
          %sign3A_1126 = arith.extui %sign3A_1125 : i1 to i32
          %sign3A_1127 = arith.constant 0 : i32
          %sign3A_1128 = arith.cmpi slt, %jit3A_1115, %sign3A_1127 : i32
          %sign3A_1129 = arith.extui %sign3A_1128 : i1 to i32
          %sign3A_1130 = arith.subi %sign3A_1126, %sign3A_1129 : i32
          %ne3A_1131 = arith.cmpi ne, %sign3A_1123, %sign3A_1130 : i32
          %rem3A_1132 = arith.remsi %add3A_1114, %jit3A_1115 : i32
          %ne3A_1133 = arith.constant 0 : i32
          %ne3A_1134 = arith.cmpi ne, %rem3A_1132, %ne3A_1133 : i32
          %and3A_1135 = arith.andi %ne3A_1131, %ne3A_1134 : i1
          %sub3A_1136 = arith.constant 1 : i32
          %sub3A_1137 = arith.subi %div3A_1116, %sub3A_1136 : i32
          %select_n3A_1138 = arith.select %and3A_1135, %sub3A_1137, %div3A_1116 : i32
          %add3A_1139 = arith.constant 0 : i32
          %add3A_1140 = arith.addi %select_n3A_1138, %add3A_1139 : i32
          %add3A_1141 = arith.constant 1 : i32
          %add3A_1142 = arith.addi %select_n3A_1138, %add3A_1141 : i32
          %add3A_1143 = arith.constant 2 : i32
          %add3A_1144 = arith.addi %select_n3A_1138, %add3A_1143 : i32
          %add3A_1145 = arith.constant 3 : i32
          %add3A_1146 = arith.addi %select_n3A_1138, %add3A_1145 : i32
          %dma_wait3A_1147 = arith.constant 3 : i32
          %dma_wait3A_1148 = arith.constant 3 : i32
          %dma_wait3A_1149 = arith.constant 0 : i32
          %dma_wait3A_1150 = arith.constant 0 : i32
          %dma_wait3A_1151 = tpu.memref_slice %arg6[%dma_wait3A_1147, %dma_wait3A_1149, %dma_wait3A_1150] : memref<4x800x32xf32, #tpu.memory_space<vmem>> -> memref<1x800x32xf32, #tpu.memory_space<vmem>>
          %dma_wait3A_1152 = tpu.memref_squeeze %dma_wait3A_1151 : memref<1x800x32xf32, #tpu.memory_space<vmem>> -> memref<800x32xf32, #tpu.memory_space<vmem>>
          %dma_wait3A_1153 = arith.constant 0 : i32
          %dma_wait3A_1154 = arith.constant 0 : i32
          %dma_wait3A_1155 = tpu.memref_slice %dma_wait3A_1152[%dma_wait3A_1153, %dma_wait3A_1154] : memref<800x32xf32, #tpu.memory_space<vmem>> -> memref<200x32xf32, #tpu.memory_space<vmem>>
          %dma_wait3A_1156 = arith.constant 0 : i32
          %dma_wait3A_1157 = arith.constant 0 : i32
          %dma_wait3A_1158 = tpu.memref_slice %arg4[%add3A_1140, %dma_wait3A_1156, %dma_wait3A_1157] : memref<16384x200x32xf32, #tpu.memory_space<hbm>> -> memref<1x200x32xf32, #tpu.memory_space<hbm>>
          %dma_wait3A_1159 = tpu.memref_squeeze %dma_wait3A_1158 : memref<1x200x32xf32, #tpu.memory_space<hbm>> -> memref<200x32xf32, #tpu.memory_space<hbm>>
          %dma_wait3A_1160 = tpu.memref_slice %arg9[%dma_wait3A_1148] : memref<4x!tpu.dma_semaphore, #tpu.memory_space<semaphore_mem>> -> memref<1x!tpu.dma_semaphore, #tpu.memory_space<semaphore_mem>>
          %dma_wait3A_1161 = tpu.memref_squeeze %dma_wait3A_1160 : memref<1x!tpu.dma_semaphore, #tpu.memory_space<semaphore_mem>> -> memref<!tpu.dma_semaphore, #tpu.memory_space<semaphore_mem>>
          %dma_wait3A_1162 = arith.constant 0 : i32
          %dma_wait3A_1163 = arith.constant 0 : i32
          %dma_wait3A_1164 = tpu.memref_slice %arg4[%add3A_1140, %dma_wait3A_1162, %dma_wait3A_1163] : memref<16384x200x32xf32, #tpu.memory_space<hbm>> -> memref<1x200x32xf32, #tpu.memory_space<hbm>>
          %dma_wait3A_1165 = tpu.memref_squeeze %dma_wait3A_1164 : memref<1x200x32xf32, #tpu.memory_space<hbm>> -> memref<200x32xf32, #tpu.memory_space<hbm>>
          %dma_wait3A_1166 = arith.constant 0 : i32
          %dma_wait3A_1167 = arith.constant 0 : i32
          %dma_wait3A_1168 = tpu.memref_slice %arg6[%dma_wait3A_1147, %dma_wait3A_1166, %dma_wait3A_1167] : memref<4x800x32xf32, #tpu.memory_space<vmem>> -> memref<1x800x32xf32, #tpu.memory_space<vmem>>
          %dma_wait3A_1169 = tpu.memref_squeeze %dma_wait3A_1168 : memref<1x800x32xf32, #tpu.memory_space<vmem>> -> memref<800x32xf32, #tpu.memory_space<vmem>>
          %dma_wait3A_1170 = arith.constant 0 : i32
          %dma_wait3A_1171 = arith.constant 0 : i32
          %dma_wait3A_1172 = tpu.memref_slice %dma_wait3A_1169[%dma_wait3A_1170, %dma_wait3A_1171] : memref<800x32xf32, #tpu.memory_space<vmem>> -> memref<200x32xf32, #tpu.memory_space<vmem>>
          tpu.wait_dma2 semaphore(%dma_wait3A_1161 : memref<!tpu.dma_semaphore, #tpu.memory_space<semaphore_mem>>) src(%dma_wait3A_1172 : memref<200x32xf32, #tpu.memory_space<vmem>>) dst(%dma_wait3A_1165 : memref<200x32xf32, #tpu.memory_space<hbm>>)
          %dma_wait3A_1173 = arith.constant 3 : i32
          %dma_wait3A_1174 = arith.constant 3 : i32
          %dma_wait3A_1175 = arith.constant 0 : i32
          %dma_wait3A_1176 = arith.constant 0 : i32
          %dma_wait3A_1177 = tpu.memref_slice %arg6[%dma_wait3A_1173, %dma_wait3A_1175, %dma_wait3A_1176] : memref<4x800x32xf32, #tpu.memory_space<vmem>> -> memref<1x800x32xf32, #tpu.memory_space<vmem>>
          %dma_wait3A_1178 = tpu.memref_squeeze %dma_wait3A_1177 : memref<1x800x32xf32, #tpu.memory_space<vmem>> -> memref<800x32xf32, #tpu.memory_space<vmem>>
          %dma_wait3A_1179 = arith.constant 200 : i32
          %dma_wait3A_1180 = arith.constant 0 : i32
          %dma_wait3A_1181 = tpu.memref_slice %dma_wait3A_1178[%dma_wait3A_1179, %dma_wait3A_1180] : memref<800x32xf32, #tpu.memory_space<vmem>> -> memref<200x32xf32, #tpu.memory_space<vmem>>
          %dma_wait3A_1182 = arith.constant 0 : i32
          %dma_wait3A_1183 = arith.constant 0 : i32
          %dma_wait3A_1184 = tpu.memref_slice %arg4[%add3A_1142, %dma_wait3A_1182, %dma_wait3A_1183] : memref<16384x200x32xf32, #tpu.memory_space<hbm>> -> memref<1x200x32xf32, #tpu.memory_space<hbm>>
          %dma_wait3A_1185 = tpu.memref_squeeze %dma_wait3A_1184 : memref<1x200x32xf32, #tpu.memory_space<hbm>> -> memref<200x32xf32, #tpu.memory_space<hbm>>
          %dma_wait3A_1186 = tpu.memref_slice %arg9[%dma_wait3A_1174] : memref<4x!tpu.dma_semaphore, #tpu.memory_space<semaphore_mem>> -> memref<1x!tpu.dma_semaphore, #tpu.memory_space<semaphore_mem>>
          %dma_wait3A_1187 = tpu.memref_squeeze %dma_wait3A_1186 : memref<1x!tpu.dma_semaphore, #tpu.memory_space<semaphore_mem>> -> memref<!tpu.dma_semaphore, #tpu.memory_space<semaphore_mem>>
          %dma_wait3A_1188 = arith.constant 0 : i32
          %dma_wait3A_1189 = arith.constant 0 : i32
          %dma_wait3A_1190 = tpu.memref_slice %arg4[%add3A_1142, %dma_wait3A_1188, %dma_wait3A_1189] : memref<16384x200x32xf32, #tpu.memory_space<hbm>> -> memref<1x200x32xf32, #tpu.memory_space<hbm>>
          %dma_wait3A_1191 = tpu.memref_squeeze %dma_wait3A_1190 : memref<1x200x32xf32, #tpu.memory_space<hbm>> -> memref<200x32xf32, #tpu.memory_space<hbm>>
          %dma_wait3A_1192 = arith.constant 0 : i32
          %dma_wait3A_1193 = arith.constant 0 : i32
          %dma_wait3A_1194 = tpu.memref_slice %arg6[%dma_wait3A_1173, %dma_wait3A_1192, %dma_wait3A_1193] : memref<4x800x32xf32, #tpu.memory_space<vmem>> -> memref<1x800x32xf32, #tpu.memory_space<vmem>>
          %dma_wait3A_1195 = tpu.memref_squeeze %dma_wait3A_1194 : memref<1x800x32xf32, #tpu.memory_space<vmem>> -> memref<800x32xf32, #tpu.memory_space<vmem>>
          %dma_wait3A_1196 = arith.constant 200 : i32
          %dma_wait3A_1197 = arith.constant 0 : i32
          %dma_wait3A_1198 = tpu.memref_slice %dma_wait3A_1195[%dma_wait3A_1196, %dma_wait3A_1197] : memref<800x32xf32, #tpu.memory_space<vmem>> -> memref<200x32xf32, #tpu.memory_space<vmem>>
          tpu.wait_dma2 semaphore(%dma_wait3A_1187 : memref<!tpu.dma_semaphore, #tpu.memory_space<semaphore_mem>>) src(%dma_wait3A_1198 : memref<200x32xf32, #tpu.memory_space<vmem>>) dst(%dma_wait3A_1191 : memref<200x32xf32, #tpu.memory_space<hbm>>)
          %dma_wait3A_1199 = arith.constant 3 : i32
          %dma_wait3A_1200 = arith.constant 3 : i32
          %dma_wait3A_1201 = arith.constant 0 : i32
          %dma_wait3A_1202 = arith.constant 0 : i32
          %dma_wait3A_1203 = tpu.memref_slice %arg6[%dma_wait3A_1199, %dma_wait3A_1201, %dma_wait3A_1202] : memref<4x800x32xf32, #tpu.memory_space<vmem>> -> memref<1x800x32xf32, #tpu.memory_space<vmem>>
          %dma_wait3A_1204 = tpu.memref_squeeze %dma_wait3A_1203 : memref<1x800x32xf32, #tpu.memory_space<vmem>> -> memref<800x32xf32, #tpu.memory_space<vmem>>
          %dma_wait3A_1205 = arith.constant 400 : i32
          %dma_wait3A_1206 = arith.constant 0 : i32
          %dma_wait3A_1207 = tpu.memref_slice %dma_wait3A_1204[%dma_wait3A_1205, %dma_wait3A_1206] : memref<800x32xf32, #tpu.memory_space<vmem>> -> memref<200x32xf32, #tpu.memory_space<vmem>>
          %dma_wait3A_1208 = arith.constant 0 : i32
          %dma_wait3A_1209 = arith.constant 0 : i32
          %dma_wait3A_1210 = tpu.memref_slice %arg4[%add3A_1144, %dma_wait3A_1208, %dma_wait3A_1209] : memref<16384x200x32xf32, #tpu.memory_space<hbm>> -> memref<1x200x32xf32, #tpu.memory_space<hbm>>
          %dma_wait3A_1211 = tpu.memref_squeeze %dma_wait3A_1210 : memref<1x200x32xf32, #tpu.memory_space<hbm>> -> memref<200x32xf32, #tpu.memory_space<hbm>>
          %dma_wait3A_1212 = tpu.memref_slice %arg9[%dma_wait3A_1200] : memref<4x!tpu.dma_semaphore, #tpu.memory_space<semaphore_mem>> -> memref<1x!tpu.dma_semaphore, #tpu.memory_space<semaphore_mem>>
          %dma_wait3A_1213 = tpu.memref_squeeze %dma_wait3A_1212 : memref<1x!tpu.dma_semaphore, #tpu.memory_space<semaphore_mem>> -> memref<!tpu.dma_semaphore, #tpu.memory_space<semaphore_mem>>
          %dma_wait3A_1214 = arith.constant 0 : i32
          %dma_wait3A_1215 = arith.constant 0 : i32
          %dma_wait3A_1216 = tpu.memref_slice %arg4[%add3A_1144, %dma_wait3A_1214, %dma_wait3A_1215] : memref<16384x200x32xf32, #tpu.memory_space<hbm>> -> memref<1x200x32xf32, #tpu.memory_space<hbm>>
          %dma_wait3A_1217 = tpu.memref_squeeze %dma_wait3A_1216 : memref<1x200x32xf32, #tpu.memory_space<hbm>> -> memref<200x32xf32, #tpu.memory_space<hbm>>
          %dma_wait3A_1218 = arith.constant 0 : i32
          %dma_wait3A_1219 = arith.constant 0 : i32
          %dma_wait3A_1220 = tpu.memref_slice %arg6[%dma_wait3A_1199, %dma_wait3A_1218, %dma_wait3A_1219] : memref<4x800x32xf32, #tpu.memory_space<vmem>> -> memref<1x800x32xf32, #tpu.memory_space<vmem>>
          %dma_wait3A_1221 = tpu.memref_squeeze %dma_wait3A_1220 : memref<1x800x32xf32, #tpu.memory_space<vmem>> -> memref<800x32xf32, #tpu.memory_space<vmem>>
          %dma_wait3A_1222 = arith.constant 400 : i32
          %dma_wait3A_1223 = arith.constant 0 : i32
          %dma_wait3A_1224 = tpu.memref_slice %dma_wait3A_1221[%dma_wait3A_1222, %dma_wait3A_1223] : memref<800x32xf32, #tpu.memory_space<vmem>> -> memref<200x32xf32, #tpu.memory_space<vmem>>
          tpu.wait_dma2 semaphore(%dma_wait3A_1213 : memref<!tpu.dma_semaphore, #tpu.memory_space<semaphore_mem>>) src(%dma_wait3A_1224 : memref<200x32xf32, #tpu.memory_space<vmem>>) dst(%dma_wait3A_1217 : memref<200x32xf32, #tpu.memory_space<hbm>>)
          %dma_wait3A_1225 = arith.constant 3 : i32
          %dma_wait3A_1226 = arith.constant 3 : i32
          %dma_wait3A_1227 = arith.constant 0 : i32
          %dma_wait3A_1228 = arith.constant 0 : i32
          %dma_wait3A_1229 = tpu.memref_slice %arg6[%dma_wait3A_1225, %dma_wait3A_1227, %dma_wait3A_1228] : memref<4x800x32xf32, #tpu.memory_space<vmem>> -> memref<1x800x32xf32, #tpu.memory_space<vmem>>
          %dma_wait3A_1230 = tpu.memref_squeeze %dma_wait3A_1229 : memref<1x800x32xf32, #tpu.memory_space<vmem>> -> memref<800x32xf32, #tpu.memory_space<vmem>>
          %dma_wait3A_1231 = arith.constant 600 : i32
          %dma_wait3A_1232 = arith.constant 0 : i32
          %dma_wait3A_1233 = tpu.memref_slice %dma_wait3A_1230[%dma_wait3A_1231, %dma_wait3A_1232] : memref<800x32xf32, #tpu.memory_space<vmem>> -> memref<200x32xf32, #tpu.memory_space<vmem>>
          %dma_wait3A_1234 = arith.constant 0 : i32
          %dma_wait3A_1235 = arith.constant 0 : i32
          %dma_wait3A_1236 = tpu.memref_slice %arg4[%add3A_1146, %dma_wait3A_1234, %dma_wait3A_1235] : memref<16384x200x32xf32, #tpu.memory_space<hbm>> -> memref<1x200x32xf32, #tpu.memory_space<hbm>>
          %dma_wait3A_1237 = tpu.memref_squeeze %dma_wait3A_1236 : memref<1x200x32xf32, #tpu.memory_space<hbm>> -> memref<200x32xf32, #tpu.memory_space<hbm>>
          %dma_wait3A_1238 = tpu.memref_slice %arg9[%dma_wait3A_1226] : memref<4x!tpu.dma_semaphore, #tpu.memory_space<semaphore_mem>> -> memref<1x!tpu.dma_semaphore, #tpu.memory_space<semaphore_mem>>
          %dma_wait3A_1239 = tpu.memref_squeeze %dma_wait3A_1238 : memref<1x!tpu.dma_semaphore, #tpu.memory_space<semaphore_mem>> -> memref<!tpu.dma_semaphore, #tpu.memory_space<semaphore_mem>>
          %dma_wait3A_1240 = arith.constant 0 : i32
          %dma_wait3A_1241 = arith.constant 0 : i32
          %dma_wait3A_1242 = tpu.memref_slice %arg4[%add3A_1146, %dma_wait3A_1240, %dma_wait3A_1241] : memref<16384x200x32xf32, #tpu.memory_space<hbm>> -> memref<1x200x32xf32, #tpu.memory_space<hbm>>
          %dma_wait3A_1243 = tpu.memref_squeeze %dma_wait3A_1242 : memref<1x200x32xf32, #tpu.memory_space<hbm>> -> memref<200x32xf32, #tpu.memory_space<hbm>>
          %dma_wait3A_1244 = arith.constant 0 : i32
          %dma_wait3A_1245 = arith.constant 0 : i32
          %dma_wait3A_1246 = tpu.memref_slice %arg6[%dma_wait3A_1225, %dma_wait3A_1244, %dma_wait3A_1245] : memref<4x800x32xf32, #tpu.memory_space<vmem>> -> memref<1x800x32xf32, #tpu.memory_space<vmem>>
          %dma_wait3A_1247 = tpu.memref_squeeze %dma_wait3A_1246 : memref<1x800x32xf32, #tpu.memory_space<vmem>> -> memref<800x32xf32, #tpu.memory_space<vmem>>
          %dma_wait3A_1248 = arith.constant 600 : i32
          %dma_wait3A_1249 = arith.constant 0 : i32
          %dma_wait3A_1250 = tpu.memref_slice %dma_wait3A_1247[%dma_wait3A_1248, %dma_wait3A_1249] : memref<800x32xf32, #tpu.memory_space<vmem>> -> memref<200x32xf32, #tpu.memory_space<vmem>>
          tpu.wait_dma2 semaphore(%dma_wait3A_1239 : memref<!tpu.dma_semaphore, #tpu.memory_space<semaphore_mem>>) src(%dma_wait3A_1250 : memref<200x32xf32, #tpu.memory_space<vmem>>) dst(%dma_wait3A_1243 : memref<200x32xf32, #tpu.memory_space<hbm>>)
        } else {
        }
        %dma_start3A_1095 = arith.constant 3 : i32
        %dma_start3A_1096 = arith.constant 3 : i32
        %dma_start3A_1097 = arith.constant 3 : i32
        %dma_start3A_1098 = arith.constant 0 : i32
        %dma_start3A_1099 = arith.constant 0 : i32
        %dma_start3A_1100 = tpu.memref_slice %arg6[%dma_start3A_1096, %dma_start3A_1098, %dma_start3A_1099] : memref<4x800x32xf32, #tpu.memory_space<vmem>> -> memref<1x800x32xf32, #tpu.memory_space<vmem>>
        %dma_start3A_1101 = tpu.memref_squeeze %dma_start3A_1100 : memref<1x800x32xf32, #tpu.memory_space<vmem>> -> memref<800x32xf32, #tpu.memory_space<vmem>>
        %dma_start3A_1102 = arith.constant 0 : i32
        %dma_start3A_1103 = tpu.memref_slice %arg5[%dma_start3A_1095, %dma_start3A_1102] : memref<4x800xi32, #tpu.memory_space<vmem>> -> memref<1x800xi32, #tpu.memory_space<vmem>>
        %dma_start3A_1104 = tpu.memref_squeeze %dma_start3A_1103 : memref<1x800xi32, #tpu.memory_space<vmem>> -> memref<800xi32, #tpu.memory_space<vmem>>
        %dma_start3A_1105 = arith.constant 0 : i32
        %dma_start3A_1106 = arith.constant 0 : i32
        %dma_start3A_1107 = tpu.memref_slice %arg2[%dma_start3A_1105, %dma_start3A_1106] : memref<1000000x32xf32, #tpu.memory_space<hbm>> -> memref<1000000x32xf32, #tpu.memory_space<hbm>>
        %dma_start3A_1108 = tpu.memref_slice %arg8[%dma_start3A_1097] : memref<4x!tpu.dma_semaphore, #tpu.memory_space<semaphore_mem>> -> memref<1x!tpu.dma_semaphore, #tpu.memory_space<semaphore_mem>>
        %dma_start3A_1109 = tpu.memref_squeeze %dma_start3A_1108 : memref<1x!tpu.dma_semaphore, #tpu.memory_space<semaphore_mem>> -> memref<!tpu.dma_semaphore, #tpu.memory_space<semaphore_mem>>
        tpu.enqueue_indirect_dma source(%dma_start3A_1107 : memref<1000000x32xf32, #tpu.memory_space<hbm>>) target(%dma_start3A_1101 : memref<800x32xf32, #tpu.memory_space<vmem>>) offsets(%dma_start3A_1104 : memref<800xi32, #tpu.memory_space<vmem>>) semaphore(%dma_start3A_1109 : memref<!tpu.dma_semaphore, #tpu.memory_space<semaphore_mem>>)
      } else {
      }
      %mul3A_591 = arith.constant 800 : i32
      %mul3A_592 = arith.muli %add3A_561, %mul3A_591 : i32
      %add3A_593 = arith.addi %mul3A_2, %mul3A_592 : i32
      %jit3A_594 = arith.constant 200 : i32
      %div3A_595 = arith.divsi %add3A_593, %jit3A_594 : i32
      %sign3A_596 = arith.constant 0 : i32
      %sign3A_597 = arith.cmpi sgt, %add3A_593, %sign3A_596 : i32
      %sign3A_598 = arith.extui %sign3A_597 : i1 to i32
      %sign3A_599 = arith.constant 0 : i32
      %sign3A_600 = arith.cmpi slt, %add3A_593, %sign3A_599 : i32
      %sign3A_601 = arith.extui %sign3A_600 : i1 to i32
      %sign3A_602 = arith.subi %sign3A_598, %sign3A_601 : i32
      %sign3A_603 = arith.constant 0 : i32
      %sign3A_604 = arith.cmpi sgt, %jit3A_594, %sign3A_603 : i32
      %sign3A_605 = arith.extui %sign3A_604 : i1 to i32
      %sign3A_606 = arith.constant 0 : i32
      %sign3A_607 = arith.cmpi slt, %jit3A_594, %sign3A_606 : i32
      %sign3A_608 = arith.extui %sign3A_607 : i1 to i32
      %sign3A_609 = arith.subi %sign3A_605, %sign3A_608 : i32
      %ne3A_610 = arith.cmpi ne, %sign3A_602, %sign3A_609 : i32
      %rem3A_611 = arith.remsi %add3A_593, %jit3A_594 : i32
      %ne3A_612 = arith.constant 0 : i32
      %ne3A_613 = arith.cmpi ne, %rem3A_611, %ne3A_612 : i32
      %and3A_614 = arith.andi %ne3A_610, %ne3A_613 : i1
      %sub3A_615 = arith.constant 1 : i32
      %sub3A_616 = arith.subi %div3A_595, %sub3A_615 : i32
      %select_n3A_617 = arith.select %and3A_614, %sub3A_616, %div3A_595 : i32
      %add3A_618 = arith.constant 0 : i32
      %add3A_619 = arith.addi %select_n3A_617, %add3A_618 : i32
      %add3A_620 = arith.constant 1 : i32
      %add3A_621 = arith.addi %select_n3A_617, %add3A_620 : i32
      %add3A_622 = arith.constant 2 : i32
      %add3A_623 = arith.addi %select_n3A_617, %add3A_622 : i32
      %add3A_624 = arith.constant 3 : i32
      %add3A_625 = arith.addi %select_n3A_617, %add3A_624 : i32
      %dma_start3A_626 = arith.constant 1 : i32
      %dma_start3A_627 = arith.constant 1 : i32
      %dma_start3A_628 = arith.constant 0 : i32
      %dma_start3A_629 = arith.constant 0 : i32
      %dma_start3A_630 = tpu.memref_slice %arg6[%dma_start3A_626, %dma_start3A_628, %dma_start3A_629] : memref<4x800x32xf32, #tpu.memory_space<vmem>> -> memref<1x800x32xf32, #tpu.memory_space<vmem>>
      %dma_start3A_631 = tpu.memref_squeeze %dma_start3A_630 : memref<1x800x32xf32, #tpu.memory_space<vmem>> -> memref<800x32xf32, #tpu.memory_space<vmem>>
      %dma_start3A_632 = arith.constant 0 : i32
      %dma_start3A_633 = arith.constant 0 : i32
      %dma_start3A_634 = tpu.memref_slice %dma_start3A_631[%dma_start3A_632, %dma_start3A_633] : memref<800x32xf32, #tpu.memory_space<vmem>> -> memref<200x32xf32, #tpu.memory_space<vmem>>
      %dma_start3A_635 = arith.constant 0 : i32
      %dma_start3A_636 = arith.constant 0 : i32
      %dma_start3A_637 = tpu.memref_slice %arg4[%add3A_619, %dma_start3A_635, %dma_start3A_636] : memref<16384x200x32xf32, #tpu.memory_space<hbm>> -> memref<1x200x32xf32, #tpu.memory_space<hbm>>
      %dma_start3A_638 = tpu.memref_squeeze %dma_start3A_637 : memref<1x200x32xf32, #tpu.memory_space<hbm>> -> memref<200x32xf32, #tpu.memory_space<hbm>>
      %dma_start3A_639 = tpu.memref_slice %arg9[%dma_start3A_627] : memref<4x!tpu.dma_semaphore, #tpu.memory_space<semaphore_mem>> -> memref<1x!tpu.dma_semaphore, #tpu.memory_space<semaphore_mem>>
      %dma_start3A_640 = tpu.memref_squeeze %dma_start3A_639 : memref<1x!tpu.dma_semaphore, #tpu.memory_space<semaphore_mem>> -> memref<!tpu.dma_semaphore, #tpu.memory_space<semaphore_mem>>
      %dma_start3A_641 = arith.constant 0 : i32
      %dma_start3A_642 = arith.constant 0 : i32
      %dma_start3A_643 = tpu.memref_slice %arg4[%add3A_619, %dma_start3A_641, %dma_start3A_642] : memref<16384x200x32xf32, #tpu.memory_space<hbm>> -> memref<1x200x32xf32, #tpu.memory_space<hbm>>
      %dma_start3A_644 = tpu.memref_squeeze %dma_start3A_643 : memref<1x200x32xf32, #tpu.memory_space<hbm>> -> memref<200x32xf32, #tpu.memory_space<hbm>>
      %dma_start3A_645 = arith.constant 0 : i32
      %dma_start3A_646 = arith.constant 0 : i32
      %dma_start3A_647 = tpu.memref_slice %arg6[%dma_start3A_626, %dma_start3A_645, %dma_start3A_646] : memref<4x800x32xf32, #tpu.memory_space<vmem>> -> memref<1x800x32xf32, #tpu.memory_space<vmem>>
      %dma_start3A_648 = tpu.memref_squeeze %dma_start3A_647 : memref<1x800x32xf32, #tpu.memory_space<vmem>> -> memref<800x32xf32, #tpu.memory_space<vmem>>
      %dma_start3A_649 = arith.constant 0 : i32
      %dma_start3A_650 = arith.constant 0 : i32
      %dma_start3A_651 = tpu.memref_slice %dma_start3A_648[%dma_start3A_649, %dma_start3A_650] : memref<800x32xf32, #tpu.memory_space<vmem>> -> memref<200x32xf32, #tpu.memory_space<vmem>>
      tpu.enqueue_dma source(%dma_start3A_651 : memref<200x32xf32, #tpu.memory_space<vmem>>) target(%dma_start3A_644 : memref<200x32xf32, #tpu.memory_space<hbm>>) target_semaphore(%dma_start3A_640 : memref<!tpu.dma_semaphore, #tpu.memory_space<semaphore_mem>>)
      %dma_start3A_652 = arith.constant 1 : i32
      %dma_start3A_653 = arith.constant 1 : i32
      %dma_start3A_654 = arith.constant 0 : i32
      %dma_start3A_655 = arith.constant 0 : i32
      %dma_start3A_656 = tpu.memref_slice %arg6[%dma_start3A_652, %dma_start3A_654, %dma_start3A_655] : memref<4x800x32xf32, #tpu.memory_space<vmem>> -> memref<1x800x32xf32, #tpu.memory_space<vmem>>
      %dma_start3A_657 = tpu.memref_squeeze %dma_start3A_656 : memref<1x800x32xf32, #tpu.memory_space<vmem>> -> memref<800x32xf32, #tpu.memory_space<vmem>>
      %dma_start3A_658 = arith.constant 200 : i32
      %dma_start3A_659 = arith.constant 0 : i32
      %dma_start3A_660 = tpu.memref_slice %dma_start3A_657[%dma_start3A_658, %dma_start3A_659] : memref<800x32xf32, #tpu.memory_space<vmem>> -> memref<200x32xf32, #tpu.memory_space<vmem>>
      %dma_start3A_661 = arith.constant 0 : i32
      %dma_start3A_662 = arith.constant 0 : i32
      %dma_start3A_663 = tpu.memref_slice %arg4[%add3A_621, %dma_start3A_661, %dma_start3A_662] : memref<16384x200x32xf32, #tpu.memory_space<hbm>> -> memref<1x200x32xf32, #tpu.memory_space<hbm>>
      %dma_start3A_664 = tpu.memref_squeeze %dma_start3A_663 : memref<1x200x32xf32, #tpu.memory_space<hbm>> -> memref<200x32xf32, #tpu.memory_space<hbm>>
      %dma_start3A_665 = tpu.memref_slice %arg9[%dma_start3A_653] : memref<4x!tpu.dma_semaphore, #tpu.memory_space<semaphore_mem>> -> memref<1x!tpu.dma_semaphore, #tpu.memory_space<semaphore_mem>>
      %dma_start3A_666 = tpu.memref_squeeze %dma_start3A_665 : memref<1x!tpu.dma_semaphore, #tpu.memory_space<semaphore_mem>> -> memref<!tpu.dma_semaphore, #tpu.memory_space<semaphore_mem>>
      %dma_start3A_667 = arith.constant 0 : i32
      %dma_start3A_668 = arith.constant 0 : i32
      %dma_start3A_669 = tpu.memref_slice %arg4[%add3A_621, %dma_start3A_667, %dma_start3A_668] : memref<16384x200x32xf32, #tpu.memory_space<hbm>> -> memref<1x200x32xf32, #tpu.memory_space<hbm>>
      %dma_start3A_670 = tpu.memref_squeeze %dma_start3A_669 : memref<1x200x32xf32, #tpu.memory_space<hbm>> -> memref<200x32xf32, #tpu.memory_space<hbm>>
      %dma_start3A_671 = arith.constant 0 : i32
      %dma_start3A_672 = arith.constant 0 : i32
      %dma_start3A_673 = tpu.memref_slice %arg6[%dma_start3A_652, %dma_start3A_671, %dma_start3A_672] : memref<4x800x32xf32, #tpu.memory_space<vmem>> -> memref<1x800x32xf32, #tpu.memory_space<vmem>>
      %dma_start3A_674 = tpu.memref_squeeze %dma_start3A_673 : memref<1x800x32xf32, #tpu.memory_space<vmem>> -> memref<800x32xf32, #tpu.memory_space<vmem>>
      %dma_start3A_675 = arith.constant 200 : i32
      %dma_start3A_676 = arith.constant 0 : i32
      %dma_start3A_677 = tpu.memref_slice %dma_start3A_674[%dma_start3A_675, %dma_start3A_676] : memref<800x32xf32, #tpu.memory_space<vmem>> -> memref<200x32xf32, #tpu.memory_space<vmem>>
      tpu.enqueue_dma source(%dma_start3A_677 : memref<200x32xf32, #tpu.memory_space<vmem>>) target(%dma_start3A_670 : memref<200x32xf32, #tpu.memory_space<hbm>>) target_semaphore(%dma_start3A_666 : memref<!tpu.dma_semaphore, #tpu.memory_space<semaphore_mem>>)
      %dma_start3A_678 = arith.constant 1 : i32
      %dma_start3A_679 = arith.constant 1 : i32
      %dma_start3A_680 = arith.constant 0 : i32
      %dma_start3A_681 = arith.constant 0 : i32
      %dma_start3A_682 = tpu.memref_slice %arg6[%dma_start3A_678, %dma_start3A_680, %dma_start3A_681] : memref<4x800x32xf32, #tpu.memory_space<vmem>> -> memref<1x800x32xf32, #tpu.memory_space<vmem>>
      %dma_start3A_683 = tpu.memref_squeeze %dma_start3A_682 : memref<1x800x32xf32, #tpu.memory_space<vmem>> -> memref<800x32xf32, #tpu.memory_space<vmem>>
      %dma_start3A_684 = arith.constant 400 : i32
      %dma_start3A_685 = arith.constant 0 : i32
      %dma_start3A_686 = tpu.memref_slice %dma_start3A_683[%dma_start3A_684, %dma_start3A_685] : memref<800x32xf32, #tpu.memory_space<vmem>> -> memref<200x32xf32, #tpu.memory_space<vmem>>
      %dma_start3A_687 = arith.constant 0 : i32
      %dma_start3A_688 = arith.constant 0 : i32
      %dma_start3A_689 = tpu.memref_slice %arg4[%add3A_623, %dma_start3A_687, %dma_start3A_688] : memref<16384x200x32xf32, #tpu.memory_space<hbm>> -> memref<1x200x32xf32, #tpu.memory_space<hbm>>
      %dma_start3A_690 = tpu.memref_squeeze %dma_start3A_689 : memref<1x200x32xf32, #tpu.memory_space<hbm>> -> memref<200x32xf32, #tpu.memory_space<hbm>>
      %dma_start3A_691 = tpu.memref_slice %arg9[%dma_start3A_679] : memref<4x!tpu.dma_semaphore, #tpu.memory_space<semaphore_mem>> -> memref<1x!tpu.dma_semaphore, #tpu.memory_space<semaphore_mem>>
      %dma_start3A_692 = tpu.memref_squeeze %dma_start3A_691 : memref<1x!tpu.dma_semaphore, #tpu.memory_space<semaphore_mem>> -> memref<!tpu.dma_semaphore, #tpu.memory_space<semaphore_mem>>
      %dma_start3A_693 = arith.constant 0 : i32
      %dma_start3A_694 = arith.constant 0 : i32
      %dma_start3A_695 = tpu.memref_slice %arg4[%add3A_623, %dma_start3A_693, %dma_start3A_694] : memref<16384x200x32xf32, #tpu.memory_space<hbm>> -> memref<1x200x32xf32, #tpu.memory_space<hbm>>
      %dma_start3A_696 = tpu.memref_squeeze %dma_start3A_695 : memref<1x200x32xf32, #tpu.memory_space<hbm>> -> memref<200x32xf32, #tpu.memory_space<hbm>>
      %dma_start3A_697 = arith.constant 0 : i32
      %dma_start3A_698 = arith.constant 0 : i32
      %dma_start3A_699 = tpu.memref_slice %arg6[%dma_start3A_678, %dma_start3A_697, %dma_start3A_698] : memref<4x800x32xf32, #tpu.memory_space<vmem>> -> memref<1x800x32xf32, #tpu.memory_space<vmem>>
      %dma_start3A_700 = tpu.memref_squeeze %dma_start3A_699 : memref<1x800x32xf32, #tpu.memory_space<vmem>> -> memref<800x32xf32, #tpu.memory_space<vmem>>
      %dma_start3A_701 = arith.constant 400 : i32
      %dma_start3A_702 = arith.constant 0 : i32
      %dma_start3A_703 = tpu.memref_slice %dma_start3A_700[%dma_start3A_701, %dma_start3A_702] : memref<800x32xf32, #tpu.memory_space<vmem>> -> memref<200x32xf32, #tpu.memory_space<vmem>>
      tpu.enqueue_dma source(%dma_start3A_703 : memref<200x32xf32, #tpu.memory_space<vmem>>) target(%dma_start3A_696 : memref<200x32xf32, #tpu.memory_space<hbm>>) target_semaphore(%dma_start3A_692 : memref<!tpu.dma_semaphore, #tpu.memory_space<semaphore_mem>>)
      %dma_start3A_704 = arith.constant 1 : i32
      %dma_start3A_705 = arith.constant 1 : i32
      %dma_start3A_706 = arith.constant 0 : i32
      %dma_start3A_707 = arith.constant 0 : i32
      %dma_start3A_708 = tpu.memref_slice %arg6[%dma_start3A_704, %dma_start3A_706, %dma_start3A_707] : memref<4x800x32xf32, #tpu.memory_space<vmem>> -> memref<1x800x32xf32, #tpu.memory_space<vmem>>
      %dma_start3A_709 = tpu.memref_squeeze %dma_start3A_708 : memref<1x800x32xf32, #tpu.memory_space<vmem>> -> memref<800x32xf32, #tpu.memory_space<vmem>>
      %dma_start3A_710 = arith.constant 600 : i32
      %dma_start3A_711 = arith.constant 0 : i32
      %dma_start3A_712 = tpu.memref_slice %dma_start3A_709[%dma_start3A_710, %dma_start3A_711] : memref<800x32xf32, #tpu.memory_space<vmem>> -> memref<200x32xf32, #tpu.memory_space<vmem>>
      %dma_start3A_713 = arith.constant 0 : i32
      %dma_start3A_714 = arith.constant 0 : i32
      %dma_start3A_715 = tpu.memref_slice %arg4[%add3A_625, %dma_start3A_713, %dma_start3A_714] : memref<16384x200x32xf32, #tpu.memory_space<hbm>> -> memref<1x200x32xf32, #tpu.memory_space<hbm>>
      %dma_start3A_716 = tpu.memref_squeeze %dma_start3A_715 : memref<1x200x32xf32, #tpu.memory_space<hbm>> -> memref<200x32xf32, #tpu.memory_space<hbm>>
      %dma_start3A_717 = tpu.memref_slice %arg9[%dma_start3A_705] : memref<4x!tpu.dma_semaphore, #tpu.memory_space<semaphore_mem>> -> memref<1x!tpu.dma_semaphore, #tpu.memory_space<semaphore_mem>>
      %dma_start3A_718 = tpu.memref_squeeze %dma_start3A_717 : memref<1x!tpu.dma_semaphore, #tpu.memory_space<semaphore_mem>> -> memref<!tpu.dma_semaphore, #tpu.memory_space<semaphore_mem>>
      %dma_start3A_719 = arith.constant 0 : i32
      %dma_start3A_720 = arith.constant 0 : i32
      %dma_start3A_721 = tpu.memref_slice %arg4[%add3A_625, %dma_start3A_719, %dma_start3A_720] : memref<16384x200x32xf32, #tpu.memory_space<hbm>> -> memref<1x200x32xf32, #tpu.memory_space<hbm>>
      %dma_start3A_722 = tpu.memref_squeeze %dma_start3A_721 : memref<1x200x32xf32, #tpu.memory_space<hbm>> -> memref<200x32xf32, #tpu.memory_space<hbm>>
      %dma_start3A_723 = arith.constant 0 : i32
      %dma_start3A_724 = arith.constant 0 : i32
      %dma_start3A_725 = tpu.memref_slice %arg6[%dma_start3A_704, %dma_start3A_723, %dma_start3A_724] : memref<4x800x32xf32, #tpu.memory_space<vmem>> -> memref<1x800x32xf32, #tpu.memory_space<vmem>>
      %dma_start3A_726 = tpu.memref_squeeze %dma_start3A_725 : memref<1x800x32xf32, #tpu.memory_space<vmem>> -> memref<800x32xf32, #tpu.memory_space<vmem>>
      %dma_start3A_727 = arith.constant 600 : i32
      %dma_start3A_728 = arith.constant 0 : i32
      %dma_start3A_729 = tpu.memref_slice %dma_start3A_726[%dma_start3A_727, %dma_start3A_728] : memref<800x32xf32, #tpu.memory_space<vmem>> -> memref<200x32xf32, #tpu.memory_space<vmem>>
      tpu.enqueue_dma source(%dma_start3A_729 : memref<200x32xf32, #tpu.memory_space<vmem>>) target(%dma_start3A_722 : memref<200x32xf32, #tpu.memory_space<hbm>>) target_semaphore(%dma_start3A_718 : memref<!tpu.dma_semaphore, #tpu.memory_space<semaphore_mem>>)
      %mul3A_730 = arith.constant 4 : i32
      %mul3A_731 = arith.muli %mul3A_730, %scan3A_388 : i32
      %add3A_732 = arith.constant 2 : i32
      %add3A_733 = arith.addi %mul3A_731, %add3A_732 : i32
      %dma_wait3A_734 = arith.constant 2 : i32
      %dma_wait3A_735 = arith.constant 2 : i32
      %dma_wait3A_736 = arith.constant 2 : i32
      %dma_wait3A_737 = arith.constant 0 : i32
      %dma_wait3A_738 = arith.constant 0 : i32
      %dma_wait3A_739 = tpu.memref_slice %arg6[%dma_wait3A_735, %dma_wait3A_737, %dma_wait3A_738] : memref<4x800x32xf32, #tpu.memory_space<vmem>> -> memref<1x800x32xf32, #tpu.memory_space<vmem>>
      %dma_wait3A_740 = tpu.memref_squeeze %dma_wait3A_739 : memref<1x800x32xf32, #tpu.memory_space<vmem>> -> memref<800x32xf32, #tpu.memory_space<vmem>>
      %dma_wait3A_741 = arith.constant 0 : i32
      %dma_wait3A_742 = tpu.memref_slice %arg5[%dma_wait3A_734, %dma_wait3A_741] : memref<4x800xi32, #tpu.memory_space<vmem>> -> memref<1x800xi32, #tpu.memory_space<vmem>>
      %dma_wait3A_743 = tpu.memref_squeeze %dma_wait3A_742 : memref<1x800xi32, #tpu.memory_space<vmem>> -> memref<800xi32, #tpu.memory_space<vmem>>
      %dma_wait3A_744 = arith.constant 0 : i32
      %dma_wait3A_745 = arith.constant 0 : i32
      %dma_wait3A_746 = tpu.memref_slice %arg2[%dma_wait3A_744, %dma_wait3A_745] : memref<1000000x32xf32, #tpu.memory_space<hbm>> -> memref<1000000x32xf32, #tpu.memory_space<hbm>>
      %dma_wait3A_747 = tpu.memref_slice %arg8[%dma_wait3A_736] : memref<4x!tpu.dma_semaphore, #tpu.memory_space<semaphore_mem>> -> memref<1x!tpu.dma_semaphore, #tpu.memory_space<semaphore_mem>>
      %dma_wait3A_748 = tpu.memref_squeeze %dma_wait3A_747 : memref<1x!tpu.dma_semaphore, #tpu.memory_space<semaphore_mem>> -> memref<!tpu.dma_semaphore, #tpu.memory_space<semaphore_mem>>
      tpu.wait_indirect_dma semaphore(%dma_wait3A_748 : memref<!tpu.dma_semaphore, #tpu.memory_space<semaphore_mem>>) src(%dma_wait3A_746 : memref<1000000x32xf32, #tpu.memory_space<hbm>>) dst(%dma_wait3A_740 : memref<800x32xf32, #tpu.memory_space<vmem>>)
      %add3A_749 = arith.constant 4 : i32
      %add3A_750 = arith.addi %add3A_733, %add3A_749 : i32
      %lt3A_751 = arith.constant 128 : i32
      %lt3A_752 = arith.cmpi slt, %add3A_750, %lt3A_751 : i32
      %convert_element_type3A_753 = arith.extui %lt3A_752 : i1 to i32
      %cond3A_754 = arith.constant 0 : i32
      %cond3A_755 = arith.cmpi ne, %convert_element_type3A_753, %cond3A_754 : i32
      scf.if %cond3A_755 {
        %add3A_1074 = arith.constant 4 : i32
        %add3A_1075 = arith.addi %add3A_733, %add3A_1074 : i32
        %mul3A_1076 = arith.constant 800 : i32
        %mul3A_1077 = arith.muli %add3A_1075, %mul3A_1076 : i32
        %add3A_1078 = arith.addi %mul3A_2, %mul3A_1077 : i32
        %dma_start3A_1079 = arith.constant 2 : i32
        %dma_start3A_1080 = arith.constant 2 : i32
        %dma_start3A_1081 = arith.constant 0 : i32
        %dma_start3A_1082 = tpu.memref_slice %arg5[%dma_start3A_1079, %dma_start3A_1081] : memref<4x800xi32, #tpu.memory_space<vmem>> -> memref<1x800xi32, #tpu.memory_space<vmem>>
        %dma_start3A_1083 = tpu.memref_squeeze %dma_start3A_1082 : memref<1x800xi32, #tpu.memory_space<vmem>> -> memref<800xi32, #tpu.memory_space<vmem>>
        %dma_start3A_1084 = tpu.memref_slice %arg3[%add3A_1078] : memref<3276800xi32, #tpu.memory_space<hbm>> -> memref<800xi32, #tpu.memory_space<hbm>>
        %dma_start3A_1085 = tpu.memref_slice %arg7[%dma_start3A_1080] : memref<4x!tpu.dma_semaphore, #tpu.memory_space<semaphore_mem>> -> memref<1x!tpu.dma_semaphore, #tpu.memory_space<semaphore_mem>>
        %dma_start3A_1086 = tpu.memref_squeeze %dma_start3A_1085 : memref<1x!tpu.dma_semaphore, #tpu.memory_space<semaphore_mem>> -> memref<!tpu.dma_semaphore, #tpu.memory_space<semaphore_mem>>
        %dma_start3A_1087 = arith.constant 0 : i32
        %dma_start3A_1088 = tpu.memref_slice %arg5[%dma_start3A_1079, %dma_start3A_1087] : memref<4x800xi32, #tpu.memory_space<vmem>> -> memref<1x800xi32, #tpu.memory_space<vmem>>
        %dma_start3A_1089 = tpu.memref_squeeze %dma_start3A_1088 : memref<1x800xi32, #tpu.memory_space<vmem>> -> memref<800xi32, #tpu.memory_space<vmem>>
        %dma_start3A_1090 = tpu.memref_slice %arg3[%add3A_1078] : memref<3276800xi32, #tpu.memory_space<hbm>> -> memref<800xi32, #tpu.memory_space<hbm>>
        tpu.enqueue_dma source(%dma_start3A_1090 : memref<800xi32, #tpu.memory_space<hbm>>) target(%dma_start3A_1089 : memref<800xi32, #tpu.memory_space<vmem>>) target_semaphore(%dma_start3A_1086 : memref<!tpu.dma_semaphore, #tpu.memory_space<semaphore_mem>>)
      } else {
      }
      %add3A_756 = arith.constant 2 : i32
      %add3A_757 = arith.addi %add3A_733, %add3A_756 : i32
      %lt3A_758 = arith.constant 128 : i32
      %lt3A_759 = arith.cmpi slt, %add3A_757, %lt3A_758 : i32
      %convert_element_type3A_760 = arith.extui %lt3A_759 : i1 to i32
      %cond3A_761 = arith.constant 0 : i32
      %cond3A_762 = arith.cmpi ne, %convert_element_type3A_760, %cond3A_761 : i32
      scf.if %cond3A_762 {
        %add3A_1074 = arith.constant 2 : i32
        %add3A_1075 = arith.addi %add3A_733, %add3A_1074 : i32
        %mul3A_1076 = arith.constant 800 : i32
        %mul3A_1077 = arith.muli %add3A_1075, %mul3A_1076 : i32
        %add3A_1078 = arith.addi %mul3A_2, %mul3A_1077 : i32
        %dma_wait3A_1079 = arith.constant 0 : i32
        %dma_wait3A_1080 = arith.constant 0 : i32
        %dma_wait3A_1081 = arith.constant 0 : i32
        %dma_wait3A_1082 = tpu.memref_slice %arg5[%dma_wait3A_1079, %dma_wait3A_1081] : memref<4x800xi32, #tpu.memory_space<vmem>> -> memref<1x800xi32, #tpu.memory_space<vmem>>
        %dma_wait3A_1083 = tpu.memref_squeeze %dma_wait3A_1082 : memref<1x800xi32, #tpu.memory_space<vmem>> -> memref<800xi32, #tpu.memory_space<vmem>>
        %dma_wait3A_1084 = tpu.memref_slice %arg3[%add3A_1078] : memref<3276800xi32, #tpu.memory_space<hbm>> -> memref<800xi32, #tpu.memory_space<hbm>>
        %dma_wait3A_1085 = tpu.memref_slice %arg7[%dma_wait3A_1080] : memref<4x!tpu.dma_semaphore, #tpu.memory_space<semaphore_mem>> -> memref<1x!tpu.dma_semaphore, #tpu.memory_space<semaphore_mem>>
        %dma_wait3A_1086 = tpu.memref_squeeze %dma_wait3A_1085 : memref<1x!tpu.dma_semaphore, #tpu.memory_space<semaphore_mem>> -> memref<!tpu.dma_semaphore, #tpu.memory_space<semaphore_mem>>
        %dma_wait3A_1087 = arith.constant 0 : i32
        %dma_wait3A_1088 = tpu.memref_slice %arg5[%dma_wait3A_1079, %dma_wait3A_1087] : memref<4x800xi32, #tpu.memory_space<vmem>> -> memref<1x800xi32, #tpu.memory_space<vmem>>
        %dma_wait3A_1089 = tpu.memref_squeeze %dma_wait3A_1088 : memref<1x800xi32, #tpu.memory_space<vmem>> -> memref<800xi32, #tpu.memory_space<vmem>>
        %dma_wait3A_1090 = tpu.memref_slice %arg3[%add3A_1078] : memref<3276800xi32, #tpu.memory_space<hbm>> -> memref<800xi32, #tpu.memory_space<hbm>>
        tpu.wait_dma2 semaphore(%dma_wait3A_1086 : memref<!tpu.dma_semaphore, #tpu.memory_space<semaphore_mem>>) src(%dma_wait3A_1090 : memref<800xi32, #tpu.memory_space<hbm>>) dst(%dma_wait3A_1089 : memref<800xi32, #tpu.memory_space<vmem>>)
        %ge3A = arith.constant 2 : i32
        %ge3A_1091 = arith.cmpi sge, %add3A_733, %ge3A : i32
        %convert_element_type3A_1092 = arith.extui %ge3A_1091 : i1 to i32
        %cond3A_1093 = arith.constant 0 : i32
        %cond3A_1094 = arith.cmpi ne, %convert_element_type3A_1092, %cond3A_1093 : i32
        scf.if %cond3A_1094 {
          %sub3A_1110 = arith.constant 2 : i32
          %sub3A_1111 = arith.subi %add3A_733, %sub3A_1110 : i32
          %mul3A_1112 = arith.constant 800 : i32
          %mul3A_1113 = arith.muli %sub3A_1111, %mul3A_1112 : i32
          %add3A_1114 = arith.addi %mul3A_2, %mul3A_1113 : i32
          %jit3A_1115 = arith.constant 200 : i32
          %div3A_1116 = arith.divsi %add3A_1114, %jit3A_1115 : i32
          %sign3A_1117 = arith.constant 0 : i32
          %sign3A_1118 = arith.cmpi sgt, %add3A_1114, %sign3A_1117 : i32
          %sign3A_1119 = arith.extui %sign3A_1118 : i1 to i32
          %sign3A_1120 = arith.constant 0 : i32
          %sign3A_1121 = arith.cmpi slt, %add3A_1114, %sign3A_1120 : i32
          %sign3A_1122 = arith.extui %sign3A_1121 : i1 to i32
          %sign3A_1123 = arith.subi %sign3A_1119, %sign3A_1122 : i32
          %sign3A_1124 = arith.constant 0 : i32
          %sign3A_1125 = arith.cmpi sgt, %jit3A_1115, %sign3A_1124 : i32
          %sign3A_1126 = arith.extui %sign3A_1125 : i1 to i32
          %sign3A_1127 = arith.constant 0 : i32
          %sign3A_1128 = arith.cmpi slt, %jit3A_1115, %sign3A_1127 : i32
          %sign3A_1129 = arith.extui %sign3A_1128 : i1 to i32
          %sign3A_1130 = arith.subi %sign3A_1126, %sign3A_1129 : i32
          %ne3A_1131 = arith.cmpi ne, %sign3A_1123, %sign3A_1130 : i32
          %rem3A_1132 = arith.remsi %add3A_1114, %jit3A_1115 : i32
          %ne3A_1133 = arith.constant 0 : i32
          %ne3A_1134 = arith.cmpi ne, %rem3A_1132, %ne3A_1133 : i32
          %and3A_1135 = arith.andi %ne3A_1131, %ne3A_1134 : i1
          %sub3A_1136 = arith.constant 1 : i32
          %sub3A_1137 = arith.subi %div3A_1116, %sub3A_1136 : i32
          %select_n3A_1138 = arith.select %and3A_1135, %sub3A_1137, %div3A_1116 : i32
          %add3A_1139 = arith.constant 0 : i32
          %add3A_1140 = arith.addi %select_n3A_1138, %add3A_1139 : i32
          %add3A_1141 = arith.constant 1 : i32
          %add3A_1142 = arith.addi %select_n3A_1138, %add3A_1141 : i32
          %add3A_1143 = arith.constant 2 : i32
          %add3A_1144 = arith.addi %select_n3A_1138, %add3A_1143 : i32
          %add3A_1145 = arith.constant 3 : i32
          %add3A_1146 = arith.addi %select_n3A_1138, %add3A_1145 : i32
          %dma_wait3A_1147 = arith.constant 0 : i32
          %dma_wait3A_1148 = arith.constant 0 : i32
          %dma_wait3A_1149 = arith.constant 0 : i32
          %dma_wait3A_1150 = arith.constant 0 : i32
          %dma_wait3A_1151 = tpu.memref_slice %arg6[%dma_wait3A_1147, %dma_wait3A_1149, %dma_wait3A_1150] : memref<4x800x32xf32, #tpu.memory_space<vmem>> -> memref<1x800x32xf32, #tpu.memory_space<vmem>>
          %dma_wait3A_1152 = tpu.memref_squeeze %dma_wait3A_1151 : memref<1x800x32xf32, #tpu.memory_space<vmem>> -> memref<800x32xf32, #tpu.memory_space<vmem>>
          %dma_wait3A_1153 = arith.constant 0 : i32
          %dma_wait3A_1154 = arith.constant 0 : i32
          %dma_wait3A_1155 = tpu.memref_slice %dma_wait3A_1152[%dma_wait3A_1153, %dma_wait3A_1154] : memref<800x32xf32, #tpu.memory_space<vmem>> -> memref<200x32xf32, #tpu.memory_space<vmem>>
          %dma_wait3A_1156 = arith.constant 0 : i32
          %dma_wait3A_1157 = arith.constant 0 : i32
          %dma_wait3A_1158 = tpu.memref_slice %arg4[%add3A_1140, %dma_wait3A_1156, %dma_wait3A_1157] : memref<16384x200x32xf32, #tpu.memory_space<hbm>> -> memref<1x200x32xf32, #tpu.memory_space<hbm>>
          %dma_wait3A_1159 = tpu.memref_squeeze %dma_wait3A_1158 : memref<1x200x32xf32, #tpu.memory_space<hbm>> -> memref<200x32xf32, #tpu.memory_space<hbm>>
          %dma_wait3A_1160 = tpu.memref_slice %arg9[%dma_wait3A_1148] : memref<4x!tpu.dma_semaphore, #tpu.memory_space<semaphore_mem>> -> memref<1x!tpu.dma_semaphore, #tpu.memory_space<semaphore_mem>>
          %dma_wait3A_1161 = tpu.memref_squeeze %dma_wait3A_1160 : memref<1x!tpu.dma_semaphore, #tpu.memory_space<semaphore_mem>> -> memref<!tpu.dma_semaphore, #tpu.memory_space<semaphore_mem>>
          %dma_wait3A_1162 = arith.constant 0 : i32
          %dma_wait3A_1163 = arith.constant 0 : i32
          %dma_wait3A_1164 = tpu.memref_slice %arg4[%add3A_1140, %dma_wait3A_1162, %dma_wait3A_1163] : memref<16384x200x32xf32, #tpu.memory_space<hbm>> -> memref<1x200x32xf32, #tpu.memory_space<hbm>>
          %dma_wait3A_1165 = tpu.memref_squeeze %dma_wait3A_1164 : memref<1x200x32xf32, #tpu.memory_space<hbm>> -> memref<200x32xf32, #tpu.memory_space<hbm>>
          %dma_wait3A_1166 = arith.constant 0 : i32
          %dma_wait3A_1167 = arith.constant 0 : i32
          %dma_wait3A_1168 = tpu.memref_slice %arg6[%dma_wait3A_1147, %dma_wait3A_1166, %dma_wait3A_1167] : memref<4x800x32xf32, #tpu.memory_space<vmem>> -> memref<1x800x32xf32, #tpu.memory_space<vmem>>
          %dma_wait3A_1169 = tpu.memref_squeeze %dma_wait3A_1168 : memref<1x800x32xf32, #tpu.memory_space<vmem>> -> memref<800x32xf32, #tpu.memory_space<vmem>>
          %dma_wait3A_1170 = arith.constant 0 : i32
          %dma_wait3A_1171 = arith.constant 0 : i32
          %dma_wait3A_1172 = tpu.memref_slice %dma_wait3A_1169[%dma_wait3A_1170, %dma_wait3A_1171] : memref<800x32xf32, #tpu.memory_space<vmem>> -> memref<200x32xf32, #tpu.memory_space<vmem>>
          tpu.wait_dma2 semaphore(%dma_wait3A_1161 : memref<!tpu.dma_semaphore, #tpu.memory_space<semaphore_mem>>) src(%dma_wait3A_1172 : memref<200x32xf32, #tpu.memory_space<vmem>>) dst(%dma_wait3A_1165 : memref<200x32xf32, #tpu.memory_space<hbm>>)
          %dma_wait3A_1173 = arith.constant 0 : i32
          %dma_wait3A_1174 = arith.constant 0 : i32
          %dma_wait3A_1175 = arith.constant 0 : i32
          %dma_wait3A_1176 = arith.constant 0 : i32
          %dma_wait3A_1177 = tpu.memref_slice %arg6[%dma_wait3A_1173, %dma_wait3A_1175, %dma_wait3A_1176] : memref<4x800x32xf32, #tpu.memory_space<vmem>> -> memref<1x800x32xf32, #tpu.memory_space<vmem>>
          %dma_wait3A_1178 = tpu.memref_squeeze %dma_wait3A_1177 : memref<1x800x32xf32, #tpu.memory_space<vmem>> -> memref<800x32xf32, #tpu.memory_space<vmem>>
          %dma_wait3A_1179 = arith.constant 200 : i32
          %dma_wait3A_1180 = arith.constant 0 : i32
          %dma_wait3A_1181 = tpu.memref_slice %dma_wait3A_1178[%dma_wait3A_1179, %dma_wait3A_1180] : memref<800x32xf32, #tpu.memory_space<vmem>> -> memref<200x32xf32, #tpu.memory_space<vmem>>
          %dma_wait3A_1182 = arith.constant 0 : i32
          %dma_wait3A_1183 = arith.constant 0 : i32
          %dma_wait3A_1184 = tpu.memref_slice %arg4[%add3A_1142, %dma_wait3A_1182, %dma_wait3A_1183] : memref<16384x200x32xf32, #tpu.memory_space<hbm>> -> memref<1x200x32xf32, #tpu.memory_space<hbm>>
          %dma_wait3A_1185 = tpu.memref_squeeze %dma_wait3A_1184 : memref<1x200x32xf32, #tpu.memory_space<hbm>> -> memref<200x32xf32, #tpu.memory_space<hbm>>
          %dma_wait3A_1186 = tpu.memref_slice %arg9[%dma_wait3A_1174] : memref<4x!tpu.dma_semaphore, #tpu.memory_space<semaphore_mem>> -> memref<1x!tpu.dma_semaphore, #tpu.memory_space<semaphore_mem>>
          %dma_wait3A_1187 = tpu.memref_squeeze %dma_wait3A_1186 : memref<1x!tpu.dma_semaphore, #tpu.memory_space<semaphore_mem>> -> memref<!tpu.dma_semaphore, #tpu.memory_space<semaphore_mem>>
          %dma_wait3A_1188 = arith.constant 0 : i32
          %dma_wait3A_1189 = arith.constant 0 : i32
          %dma_wait3A_1190 = tpu.memref_slice %arg4[%add3A_1142, %dma_wait3A_1188, %dma_wait3A_1189] : memref<16384x200x32xf32, #tpu.memory_space<hbm>> -> memref<1x200x32xf32, #tpu.memory_space<hbm>>
          %dma_wait3A_1191 = tpu.memref_squeeze %dma_wait3A_1190 : memref<1x200x32xf32, #tpu.memory_space<hbm>> -> memref<200x32xf32, #tpu.memory_space<hbm>>
          %dma_wait3A_1192 = arith.constant 0 : i32
          %dma_wait3A_1193 = arith.constant 0 : i32
          %dma_wait3A_1194 = tpu.memref_slice %arg6[%dma_wait3A_1173, %dma_wait3A_1192, %dma_wait3A_1193] : memref<4x800x32xf32, #tpu.memory_space<vmem>> -> memref<1x800x32xf32, #tpu.memory_space<vmem>>
          %dma_wait3A_1195 = tpu.memref_squeeze %dma_wait3A_1194 : memref<1x800x32xf32, #tpu.memory_space<vmem>> -> memref<800x32xf32, #tpu.memory_space<vmem>>
          %dma_wait3A_1196 = arith.constant 200 : i32
          %dma_wait3A_1197 = arith.constant 0 : i32
          %dma_wait3A_1198 = tpu.memref_slice %dma_wait3A_1195[%dma_wait3A_1196, %dma_wait3A_1197] : memref<800x32xf32, #tpu.memory_space<vmem>> -> memref<200x32xf32, #tpu.memory_space<vmem>>
          tpu.wait_dma2 semaphore(%dma_wait3A_1187 : memref<!tpu.dma_semaphore, #tpu.memory_space<semaphore_mem>>) src(%dma_wait3A_1198 : memref<200x32xf32, #tpu.memory_space<vmem>>) dst(%dma_wait3A_1191 : memref<200x32xf32, #tpu.memory_space<hbm>>)
          %dma_wait3A_1199 = arith.constant 0 : i32
          %dma_wait3A_1200 = arith.constant 0 : i32
          %dma_wait3A_1201 = arith.constant 0 : i32
          %dma_wait3A_1202 = arith.constant 0 : i32
          %dma_wait3A_1203 = tpu.memref_slice %arg6[%dma_wait3A_1199, %dma_wait3A_1201, %dma_wait3A_1202] : memref<4x800x32xf32, #tpu.memory_space<vmem>> -> memref<1x800x32xf32, #tpu.memory_space<vmem>>
          %dma_wait3A_1204 = tpu.memref_squeeze %dma_wait3A_1203 : memref<1x800x32xf32, #tpu.memory_space<vmem>> -> memref<800x32xf32, #tpu.memory_space<vmem>>
          %dma_wait3A_1205 = arith.constant 400 : i32
          %dma_wait3A_1206 = arith.constant 0 : i32
          %dma_wait3A_1207 = tpu.memref_slice %dma_wait3A_1204[%dma_wait3A_1205, %dma_wait3A_1206] : memref<800x32xf32, #tpu.memory_space<vmem>> -> memref<200x32xf32, #tpu.memory_space<vmem>>
          %dma_wait3A_1208 = arith.constant 0 : i32
          %dma_wait3A_1209 = arith.constant 0 : i32
          %dma_wait3A_1210 = tpu.memref_slice %arg4[%add3A_1144, %dma_wait3A_1208, %dma_wait3A_1209] : memref<16384x200x32xf32, #tpu.memory_space<hbm>> -> memref<1x200x32xf32, #tpu.memory_space<hbm>>
          %dma_wait3A_1211 = tpu.memref_squeeze %dma_wait3A_1210 : memref<1x200x32xf32, #tpu.memory_space<hbm>> -> memref<200x32xf32, #tpu.memory_space<hbm>>
          %dma_wait3A_1212 = tpu.memref_slice %arg9[%dma_wait3A_1200] : memref<4x!tpu.dma_semaphore, #tpu.memory_space<semaphore_mem>> -> memref<1x!tpu.dma_semaphore, #tpu.memory_space<semaphore_mem>>
          %dma_wait3A_1213 = tpu.memref_squeeze %dma_wait3A_1212 : memref<1x!tpu.dma_semaphore, #tpu.memory_space<semaphore_mem>> -> memref<!tpu.dma_semaphore, #tpu.memory_space<semaphore_mem>>
          %dma_wait3A_1214 = arith.constant 0 : i32
          %dma_wait3A_1215 = arith.constant 0 : i32
          %dma_wait3A_1216 = tpu.memref_slice %arg4[%add3A_1144, %dma_wait3A_1214, %dma_wait3A_1215] : memref<16384x200x32xf32, #tpu.memory_space<hbm>> -> memref<1x200x32xf32, #tpu.memory_space<hbm>>
          %dma_wait3A_1217 = tpu.memref_squeeze %dma_wait3A_1216 : memref<1x200x32xf32, #tpu.memory_space<hbm>> -> memref<200x32xf32, #tpu.memory_space<hbm>>
          %dma_wait3A_1218 = arith.constant 0 : i32
          %dma_wait3A_1219 = arith.constant 0 : i32
          %dma_wait3A_1220 = tpu.memref_slice %arg6[%dma_wait3A_1199, %dma_wait3A_1218, %dma_wait3A_1219] : memref<4x800x32xf32, #tpu.memory_space<vmem>> -> memref<1x800x32xf32, #tpu.memory_space<vmem>>
          %dma_wait3A_1221 = tpu.memref_squeeze %dma_wait3A_1220 : memref<1x800x32xf32, #tpu.memory_space<vmem>> -> memref<800x32xf32, #tpu.memory_space<vmem>>
          %dma_wait3A_1222 = arith.constant 400 : i32
          %dma_wait3A_1223 = arith.constant 0 : i32
          %dma_wait3A_1224 = tpu.memref_slice %dma_wait3A_1221[%dma_wait3A_1222, %dma_wait3A_1223] : memref<800x32xf32, #tpu.memory_space<vmem>> -> memref<200x32xf32, #tpu.memory_space<vmem>>
          tpu.wait_dma2 semaphore(%dma_wait3A_1213 : memref<!tpu.dma_semaphore, #tpu.memory_space<semaphore_mem>>) src(%dma_wait3A_1224 : memref<200x32xf32, #tpu.memory_space<vmem>>) dst(%dma_wait3A_1217 : memref<200x32xf32, #tpu.memory_space<hbm>>)
          %dma_wait3A_1225 = arith.constant 0 : i32
          %dma_wait3A_1226 = arith.constant 0 : i32
          %dma_wait3A_1227 = arith.constant 0 : i32
          %dma_wait3A_1228 = arith.constant 0 : i32
          %dma_wait3A_1229 = tpu.memref_slice %arg6[%dma_wait3A_1225, %dma_wait3A_1227, %dma_wait3A_1228] : memref<4x800x32xf32, #tpu.memory_space<vmem>> -> memref<1x800x32xf32, #tpu.memory_space<vmem>>
          %dma_wait3A_1230 = tpu.memref_squeeze %dma_wait3A_1229 : memref<1x800x32xf32, #tpu.memory_space<vmem>> -> memref<800x32xf32, #tpu.memory_space<vmem>>
          %dma_wait3A_1231 = arith.constant 600 : i32
          %dma_wait3A_1232 = arith.constant 0 : i32
          %dma_wait3A_1233 = tpu.memref_slice %dma_wait3A_1230[%dma_wait3A_1231, %dma_wait3A_1232] : memref<800x32xf32, #tpu.memory_space<vmem>> -> memref<200x32xf32, #tpu.memory_space<vmem>>
          %dma_wait3A_1234 = arith.constant 0 : i32
          %dma_wait3A_1235 = arith.constant 0 : i32
          %dma_wait3A_1236 = tpu.memref_slice %arg4[%add3A_1146, %dma_wait3A_1234, %dma_wait3A_1235] : memref<16384x200x32xf32, #tpu.memory_space<hbm>> -> memref<1x200x32xf32, #tpu.memory_space<hbm>>
          %dma_wait3A_1237 = tpu.memref_squeeze %dma_wait3A_1236 : memref<1x200x32xf32, #tpu.memory_space<hbm>> -> memref<200x32xf32, #tpu.memory_space<hbm>>
          %dma_wait3A_1238 = tpu.memref_slice %arg9[%dma_wait3A_1226] : memref<4x!tpu.dma_semaphore, #tpu.memory_space<semaphore_mem>> -> memref<1x!tpu.dma_semaphore, #tpu.memory_space<semaphore_mem>>
          %dma_wait3A_1239 = tpu.memref_squeeze %dma_wait3A_1238 : memref<1x!tpu.dma_semaphore, #tpu.memory_space<semaphore_mem>> -> memref<!tpu.dma_semaphore, #tpu.memory_space<semaphore_mem>>
          %dma_wait3A_1240 = arith.constant 0 : i32
          %dma_wait3A_1241 = arith.constant 0 : i32
          %dma_wait3A_1242 = tpu.memref_slice %arg4[%add3A_1146, %dma_wait3A_1240, %dma_wait3A_1241] : memref<16384x200x32xf32, #tpu.memory_space<hbm>> -> memref<1x200x32xf32, #tpu.memory_space<hbm>>
          %dma_wait3A_1243 = tpu.memref_squeeze %dma_wait3A_1242 : memref<1x200x32xf32, #tpu.memory_space<hbm>> -> memref<200x32xf32, #tpu.memory_space<hbm>>
          %dma_wait3A_1244 = arith.constant 0 : i32
          %dma_wait3A_1245 = arith.constant 0 : i32
          %dma_wait3A_1246 = tpu.memref_slice %arg6[%dma_wait3A_1225, %dma_wait3A_1244, %dma_wait3A_1245] : memref<4x800x32xf32, #tpu.memory_space<vmem>> -> memref<1x800x32xf32, #tpu.memory_space<vmem>>
          %dma_wait3A_1247 = tpu.memref_squeeze %dma_wait3A_1246 : memref<1x800x32xf32, #tpu.memory_space<vmem>> -> memref<800x32xf32, #tpu.memory_space<vmem>>
          %dma_wait3A_1248 = arith.constant 600 : i32
          %dma_wait3A_1249 = arith.constant 0 : i32
          %dma_wait3A_1250 = tpu.memref_slice %dma_wait3A_1247[%dma_wait3A_1248, %dma_wait3A_1249] : memref<800x32xf32, #tpu.memory_space<vmem>> -> memref<200x32xf32, #tpu.memory_space<vmem>>
          tpu.wait_dma2 semaphore(%dma_wait3A_1239 : memref<!tpu.dma_semaphore, #tpu.memory_space<semaphore_mem>>) src(%dma_wait3A_1250 : memref<200x32xf32, #tpu.memory_space<vmem>>) dst(%dma_wait3A_1243 : memref<200x32xf32, #tpu.memory_space<hbm>>)
        } else {
        }
        %dma_start3A_1095 = arith.constant 0 : i32
        %dma_start3A_1096 = arith.constant 0 : i32
        %dma_start3A_1097 = arith.constant 0 : i32
        %dma_start3A_1098 = arith.constant 0 : i32
        %dma_start3A_1099 = arith.constant 0 : i32
        %dma_start3A_1100 = tpu.memref_slice %arg6[%dma_start3A_1096, %dma_start3A_1098, %dma_start3A_1099] : memref<4x800x32xf32, #tpu.memory_space<vmem>> -> memref<1x800x32xf32, #tpu.memory_space<vmem>>
        %dma_start3A_1101 = tpu.memref_squeeze %dma_start3A_1100 : memref<1x800x32xf32, #tpu.memory_space<vmem>> -> memref<800x32xf32, #tpu.memory_space<vmem>>
        %dma_start3A_1102 = arith.constant 0 : i32
        %dma_start3A_1103 = tpu.memref_slice %arg5[%dma_start3A_1095, %dma_start3A_1102] : memref<4x800xi32, #tpu.memory_space<vmem>> -> memref<1x800xi32, #tpu.memory_space<vmem>>
        %dma_start3A_1104 = tpu.memref_squeeze %dma_start3A_1103 : memref<1x800xi32, #tpu.memory_space<vmem>> -> memref<800xi32, #tpu.memory_space<vmem>>
        %dma_start3A_1105 = arith.constant 0 : i32
        %dma_start3A_1106 = arith.constant 0 : i32
        %dma_start3A_1107 = tpu.memref_slice %arg2[%dma_start3A_1105, %dma_start3A_1106] : memref<1000000x32xf32, #tpu.memory_space<hbm>> -> memref<1000000x32xf32, #tpu.memory_space<hbm>>
        %dma_start3A_1108 = tpu.memref_slice %arg8[%dma_start3A_1097] : memref<4x!tpu.dma_semaphore, #tpu.memory_space<semaphore_mem>> -> memref<1x!tpu.dma_semaphore, #tpu.memory_space<semaphore_mem>>
        %dma_start3A_1109 = tpu.memref_squeeze %dma_start3A_1108 : memref<1x!tpu.dma_semaphore, #tpu.memory_space<semaphore_mem>> -> memref<!tpu.dma_semaphore, #tpu.memory_space<semaphore_mem>>
        tpu.enqueue_indirect_dma source(%dma_start3A_1107 : memref<1000000x32xf32, #tpu.memory_space<hbm>>) target(%dma_start3A_1101 : memref<800x32xf32, #tpu.memory_space<vmem>>) offsets(%dma_start3A_1104 : memref<800xi32, #tpu.memory_space<vmem>>) semaphore(%dma_start3A_1109 : memref<!tpu.dma_semaphore, #tpu.memory_space<semaphore_mem>>)
      } else {
      }
      %mul3A_763 = arith.constant 800 : i32
      %mul3A_764 = arith.muli %add3A_733, %mul3A_763 : i32
      %add3A_765 = arith.addi %mul3A_2, %mul3A_764 : i32
      %jit3A_766 = arith.constant 200 : i32
      %div3A_767 = arith.divsi %add3A_765, %jit3A_766 : i32
      %sign3A_768 = arith.constant 0 : i32
      %sign3A_769 = arith.cmpi sgt, %add3A_765, %sign3A_768 : i32
      %sign3A_770 = arith.extui %sign3A_769 : i1 to i32
      %sign3A_771 = arith.constant 0 : i32
      %sign3A_772 = arith.cmpi slt, %add3A_765, %sign3A_771 : i32
      %sign3A_773 = arith.extui %sign3A_772 : i1 to i32
      %sign3A_774 = arith.subi %sign3A_770, %sign3A_773 : i32
      %sign3A_775 = arith.constant 0 : i32
      %sign3A_776 = arith.cmpi sgt, %jit3A_766, %sign3A_775 : i32
      %sign3A_777 = arith.extui %sign3A_776 : i1 to i32
      %sign3A_778 = arith.constant 0 : i32
      %sign3A_779 = arith.cmpi slt, %jit3A_766, %sign3A_778 : i32
      %sign3A_780 = arith.extui %sign3A_779 : i1 to i32
      %sign3A_781 = arith.subi %sign3A_777, %sign3A_780 : i32
      %ne3A_782 = arith.cmpi ne, %sign3A_774, %sign3A_781 : i32
      %rem3A_783 = arith.remsi %add3A_765, %jit3A_766 : i32
      %ne3A_784 = arith.constant 0 : i32
      %ne3A_785 = arith.cmpi ne, %rem3A_783, %ne3A_784 : i32
      %and3A_786 = arith.andi %ne3A_782, %ne3A_785 : i1
      %sub3A_787 = arith.constant 1 : i32
      %sub3A_788 = arith.subi %div3A_767, %sub3A_787 : i32
      %select_n3A_789 = arith.select %and3A_786, %sub3A_788, %div3A_767 : i32
      %add3A_790 = arith.constant 0 : i32
      %add3A_791 = arith.addi %select_n3A_789, %add3A_790 : i32
      %add3A_792 = arith.constant 1 : i32
      %add3A_793 = arith.addi %select_n3A_789, %add3A_792 : i32
      %add3A_794 = arith.constant 2 : i32
      %add3A_795 = arith.addi %select_n3A_789, %add3A_794 : i32
      %add3A_796 = arith.constant 3 : i32
      %add3A_797 = arith.addi %select_n3A_789, %add3A_796 : i32
      %dma_start3A_798 = arith.constant 2 : i32
      %dma_start3A_799 = arith.constant 2 : i32
      %dma_start3A_800 = arith.constant 0 : i32
      %dma_start3A_801 = arith.constant 0 : i32
      %dma_start3A_802 = tpu.memref_slice %arg6[%dma_start3A_798, %dma_start3A_800, %dma_start3A_801] : memref<4x800x32xf32, #tpu.memory_space<vmem>> -> memref<1x800x32xf32, #tpu.memory_space<vmem>>
      %dma_start3A_803 = tpu.memref_squeeze %dma_start3A_802 : memref<1x800x32xf32, #tpu.memory_space<vmem>> -> memref<800x32xf32, #tpu.memory_space<vmem>>
      %dma_start3A_804 = arith.constant 0 : i32
      %dma_start3A_805 = arith.constant 0 : i32
      %dma_start3A_806 = tpu.memref_slice %dma_start3A_803[%dma_start3A_804, %dma_start3A_805] : memref<800x32xf32, #tpu.memory_space<vmem>> -> memref<200x32xf32, #tpu.memory_space<vmem>>
      %dma_start3A_807 = arith.constant 0 : i32
      %dma_start3A_808 = arith.constant 0 : i32
      %dma_start3A_809 = tpu.memref_slice %arg4[%add3A_791, %dma_start3A_807, %dma_start3A_808] : memref<16384x200x32xf32, #tpu.memory_space<hbm>> -> memref<1x200x32xf32, #tpu.memory_space<hbm>>
      %dma_start3A_810 = tpu.memref_squeeze %dma_start3A_809 : memref<1x200x32xf32, #tpu.memory_space<hbm>> -> memref<200x32xf32, #tpu.memory_space<hbm>>
      %dma_start3A_811 = tpu.memref_slice %arg9[%dma_start3A_799] : memref<4x!tpu.dma_semaphore, #tpu.memory_space<semaphore_mem>> -> memref<1x!tpu.dma_semaphore, #tpu.memory_space<semaphore_mem>>
      %dma_start3A_812 = tpu.memref_squeeze %dma_start3A_811 : memref<1x!tpu.dma_semaphore, #tpu.memory_space<semaphore_mem>> -> memref<!tpu.dma_semaphore, #tpu.memory_space<semaphore_mem>>
      %dma_start3A_813 = arith.constant 0 : i32
      %dma_start3A_814 = arith.constant 0 : i32
      %dma_start3A_815 = tpu.memref_slice %arg4[%add3A_791, %dma_start3A_813, %dma_start3A_814] : memref<16384x200x32xf32, #tpu.memory_space<hbm>> -> memref<1x200x32xf32, #tpu.memory_space<hbm>>
      %dma_start3A_816 = tpu.memref_squeeze %dma_start3A_815 : memref<1x200x32xf32, #tpu.memory_space<hbm>> -> memref<200x32xf32, #tpu.memory_space<hbm>>
      %dma_start3A_817 = arith.constant 0 : i32
      %dma_start3A_818 = arith.constant 0 : i32
      %dma_start3A_819 = tpu.memref_slice %arg6[%dma_start3A_798, %dma_start3A_817, %dma_start3A_818] : memref<4x800x32xf32, #tpu.memory_space<vmem>> -> memref<1x800x32xf32, #tpu.memory_space<vmem>>
      %dma_start3A_820 = tpu.memref_squeeze %dma_start3A_819 : memref<1x800x32xf32, #tpu.memory_space<vmem>> -> memref<800x32xf32, #tpu.memory_space<vmem>>
      %dma_start3A_821 = arith.constant 0 : i32
      %dma_start3A_822 = arith.constant 0 : i32
      %dma_start3A_823 = tpu.memref_slice %dma_start3A_820[%dma_start3A_821, %dma_start3A_822] : memref<800x32xf32, #tpu.memory_space<vmem>> -> memref<200x32xf32, #tpu.memory_space<vmem>>
      tpu.enqueue_dma source(%dma_start3A_823 : memref<200x32xf32, #tpu.memory_space<vmem>>) target(%dma_start3A_816 : memref<200x32xf32, #tpu.memory_space<hbm>>) target_semaphore(%dma_start3A_812 : memref<!tpu.dma_semaphore, #tpu.memory_space<semaphore_mem>>)
      %dma_start3A_824 = arith.constant 2 : i32
      %dma_start3A_825 = arith.constant 2 : i32
      %dma_start3A_826 = arith.constant 0 : i32
      %dma_start3A_827 = arith.constant 0 : i32
      %dma_start3A_828 = tpu.memref_slice %arg6[%dma_start3A_824, %dma_start3A_826, %dma_start3A_827] : memref<4x800x32xf32, #tpu.memory_space<vmem>> -> memref<1x800x32xf32, #tpu.memory_space<vmem>>
      %dma_start3A_829 = tpu.memref_squeeze %dma_start3A_828 : memref<1x800x32xf32, #tpu.memory_space<vmem>> -> memref<800x32xf32, #tpu.memory_space<vmem>>
      %dma_start3A_830 = arith.constant 200 : i32
      %dma_start3A_831 = arith.constant 0 : i32
      %dma_start3A_832 = tpu.memref_slice %dma_start3A_829[%dma_start3A_830, %dma_start3A_831] : memref<800x32xf32, #tpu.memory_space<vmem>> -> memref<200x32xf32, #tpu.memory_space<vmem>>
      %dma_start3A_833 = arith.constant 0 : i32
      %dma_start3A_834 = arith.constant 0 : i32
      %dma_start3A_835 = tpu.memref_slice %arg4[%add3A_793, %dma_start3A_833, %dma_start3A_834] : memref<16384x200x32xf32, #tpu.memory_space<hbm>> -> memref<1x200x32xf32, #tpu.memory_space<hbm>>
      %dma_start3A_836 = tpu.memref_squeeze %dma_start3A_835 : memref<1x200x32xf32, #tpu.memory_space<hbm>> -> memref<200x32xf32, #tpu.memory_space<hbm>>
      %dma_start3A_837 = tpu.memref_slice %arg9[%dma_start3A_825] : memref<4x!tpu.dma_semaphore, #tpu.memory_space<semaphore_mem>> -> memref<1x!tpu.dma_semaphore, #tpu.memory_space<semaphore_mem>>
      %dma_start3A_838 = tpu.memref_squeeze %dma_start3A_837 : memref<1x!tpu.dma_semaphore, #tpu.memory_space<semaphore_mem>> -> memref<!tpu.dma_semaphore, #tpu.memory_space<semaphore_mem>>
      %dma_start3A_839 = arith.constant 0 : i32
      %dma_start3A_840 = arith.constant 0 : i32
      %dma_start3A_841 = tpu.memref_slice %arg4[%add3A_793, %dma_start3A_839, %dma_start3A_840] : memref<16384x200x32xf32, #tpu.memory_space<hbm>> -> memref<1x200x32xf32, #tpu.memory_space<hbm>>
      %dma_start3A_842 = tpu.memref_squeeze %dma_start3A_841 : memref<1x200x32xf32, #tpu.memory_space<hbm>> -> memref<200x32xf32, #tpu.memory_space<hbm>>
      %dma_start3A_843 = arith.constant 0 : i32
      %dma_start3A_844 = arith.constant 0 : i32
      %dma_start3A_845 = tpu.memref_slice %arg6[%dma_start3A_824, %dma_start3A_843, %dma_start3A_844] : memref<4x800x32xf32, #tpu.memory_space<vmem>> -> memref<1x800x32xf32, #tpu.memory_space<vmem>>
      %dma_start3A_846 = tpu.memref_squeeze %dma_start3A_845 : memref<1x800x32xf32, #tpu.memory_space<vmem>> -> memref<800x32xf32, #tpu.memory_space<vmem>>
      %dma_start3A_847 = arith.constant 200 : i32
      %dma_start3A_848 = arith.constant 0 : i32
      %dma_start3A_849 = tpu.memref_slice %dma_start3A_846[%dma_start3A_847, %dma_start3A_848] : memref<800x32xf32, #tpu.memory_space<vmem>> -> memref<200x32xf32, #tpu.memory_space<vmem>>
      tpu.enqueue_dma source(%dma_start3A_849 : memref<200x32xf32, #tpu.memory_space<vmem>>) target(%dma_start3A_842 : memref<200x32xf32, #tpu.memory_space<hbm>>) target_semaphore(%dma_start3A_838 : memref<!tpu.dma_semaphore, #tpu.memory_space<semaphore_mem>>)
      %dma_start3A_850 = arith.constant 2 : i32
      %dma_start3A_851 = arith.constant 2 : i32
      %dma_start3A_852 = arith.constant 0 : i32
      %dma_start3A_853 = arith.constant 0 : i32
      %dma_start3A_854 = tpu.memref_slice %arg6[%dma_start3A_850, %dma_start3A_852, %dma_start3A_853] : memref<4x800x32xf32, #tpu.memory_space<vmem>> -> memref<1x800x32xf32, #tpu.memory_space<vmem>>
      %dma_start3A_855 = tpu.memref_squeeze %dma_start3A_854 : memref<1x800x32xf32, #tpu.memory_space<vmem>> -> memref<800x32xf32, #tpu.memory_space<vmem>>
      %dma_start3A_856 = arith.constant 400 : i32
      %dma_start3A_857 = arith.constant 0 : i32
      %dma_start3A_858 = tpu.memref_slice %dma_start3A_855[%dma_start3A_856, %dma_start3A_857] : memref<800x32xf32, #tpu.memory_space<vmem>> -> memref<200x32xf32, #tpu.memory_space<vmem>>
      %dma_start3A_859 = arith.constant 0 : i32
      %dma_start3A_860 = arith.constant 0 : i32
      %dma_start3A_861 = tpu.memref_slice %arg4[%add3A_795, %dma_start3A_859, %dma_start3A_860] : memref<16384x200x32xf32, #tpu.memory_space<hbm>> -> memref<1x200x32xf32, #tpu.memory_space<hbm>>
      %dma_start3A_862 = tpu.memref_squeeze %dma_start3A_861 : memref<1x200x32xf32, #tpu.memory_space<hbm>> -> memref<200x32xf32, #tpu.memory_space<hbm>>
      %dma_start3A_863 = tpu.memref_slice %arg9[%dma_start3A_851] : memref<4x!tpu.dma_semaphore, #tpu.memory_space<semaphore_mem>> -> memref<1x!tpu.dma_semaphore, #tpu.memory_space<semaphore_mem>>
      %dma_start3A_864 = tpu.memref_squeeze %dma_start3A_863 : memref<1x!tpu.dma_semaphore, #tpu.memory_space<semaphore_mem>> -> memref<!tpu.dma_semaphore, #tpu.memory_space<semaphore_mem>>
      %dma_start3A_865 = arith.constant 0 : i32
      %dma_start3A_866 = arith.constant 0 : i32
      %dma_start3A_867 = tpu.memref_slice %arg4[%add3A_795, %dma_start3A_865, %dma_start3A_866] : memref<16384x200x32xf32, #tpu.memory_space<hbm>> -> memref<1x200x32xf32, #tpu.memory_space<hbm>>
      %dma_start3A_868 = tpu.memref_squeeze %dma_start3A_867 : memref<1x200x32xf32, #tpu.memory_space<hbm>> -> memref<200x32xf32, #tpu.memory_space<hbm>>
      %dma_start3A_869 = arith.constant 0 : i32
      %dma_start3A_870 = arith.constant 0 : i32
      %dma_start3A_871 = tpu.memref_slice %arg6[%dma_start3A_850, %dma_start3A_869, %dma_start3A_870] : memref<4x800x32xf32, #tpu.memory_space<vmem>> -> memref<1x800x32xf32, #tpu.memory_space<vmem>>
      %dma_start3A_872 = tpu.memref_squeeze %dma_start3A_871 : memref<1x800x32xf32, #tpu.memory_space<vmem>> -> memref<800x32xf32, #tpu.memory_space<vmem>>
      %dma_start3A_873 = arith.constant 400 : i32
      %dma_start3A_874 = arith.constant 0 : i32
      %dma_start3A_875 = tpu.memref_slice %dma_start3A_872[%dma_start3A_873, %dma_start3A_874] : memref<800x32xf32, #tpu.memory_space<vmem>> -> memref<200x32xf32, #tpu.memory_space<vmem>>
      tpu.enqueue_dma source(%dma_start3A_875 : memref<200x32xf32, #tpu.memory_space<vmem>>) target(%dma_start3A_868 : memref<200x32xf32, #tpu.memory_space<hbm>>) target_semaphore(%dma_start3A_864 : memref<!tpu.dma_semaphore, #tpu.memory_space<semaphore_mem>>)
      %dma_start3A_876 = arith.constant 2 : i32
      %dma_start3A_877 = arith.constant 2 : i32
      %dma_start3A_878 = arith.constant 0 : i32
      %dma_start3A_879 = arith.constant 0 : i32
      %dma_start3A_880 = tpu.memref_slice %arg6[%dma_start3A_876, %dma_start3A_878, %dma_start3A_879] : memref<4x800x32xf32, #tpu.memory_space<vmem>> -> memref<1x800x32xf32, #tpu.memory_space<vmem>>
      %dma_start3A_881 = tpu.memref_squeeze %dma_start3A_880 : memref<1x800x32xf32, #tpu.memory_space<vmem>> -> memref<800x32xf32, #tpu.memory_space<vmem>>
      %dma_start3A_882 = arith.constant 600 : i32
      %dma_start3A_883 = arith.constant 0 : i32
      %dma_start3A_884 = tpu.memref_slice %dma_start3A_881[%dma_start3A_882, %dma_start3A_883] : memref<800x32xf32, #tpu.memory_space<vmem>> -> memref<200x32xf32, #tpu.memory_space<vmem>>
      %dma_start3A_885 = arith.constant 0 : i32
      %dma_start3A_886 = arith.constant 0 : i32
      %dma_start3A_887 = tpu.memref_slice %arg4[%add3A_797, %dma_start3A_885, %dma_start3A_886] : memref<16384x200x32xf32, #tpu.memory_space<hbm>> -> memref<1x200x32xf32, #tpu.memory_space<hbm>>
      %dma_start3A_888 = tpu.memref_squeeze %dma_start3A_887 : memref<1x200x32xf32, #tpu.memory_space<hbm>> -> memref<200x32xf32, #tpu.memory_space<hbm>>
      %dma_start3A_889 = tpu.memref_slice %arg9[%dma_start3A_877] : memref<4x!tpu.dma_semaphore, #tpu.memory_space<semaphore_mem>> -> memref<1x!tpu.dma_semaphore, #tpu.memory_space<semaphore_mem>>
      %dma_start3A_890 = tpu.memref_squeeze %dma_start3A_889 : memref<1x!tpu.dma_semaphore, #tpu.memory_space<semaphore_mem>> -> memref<!tpu.dma_semaphore, #tpu.memory_space<semaphore_mem>>
      %dma_start3A_891 = arith.constant 0 : i32
      %dma_start3A_892 = arith.constant 0 : i32
      %dma_start3A_893 = tpu.memref_slice %arg4[%add3A_797, %dma_start3A_891, %dma_start3A_892] : memref<16384x200x32xf32, #tpu.memory_space<hbm>> -> memref<1x200x32xf32, #tpu.memory_space<hbm>>
      %dma_start3A_894 = tpu.memref_squeeze %dma_start3A_893 : memref<1x200x32xf32, #tpu.memory_space<hbm>> -> memref<200x32xf32, #tpu.memory_space<hbm>>
      %dma_start3A_895 = arith.constant 0 : i32
      %dma_start3A_896 = arith.constant 0 : i32
      %dma_start3A_897 = tpu.memref_slice %arg6[%dma_start3A_876, %dma_start3A_895, %dma_start3A_896] : memref<4x800x32xf32, #tpu.memory_space<vmem>> -> memref<1x800x32xf32, #tpu.memory_space<vmem>>
      %dma_start3A_898 = tpu.memref_squeeze %dma_start3A_897 : memref<1x800x32xf32, #tpu.memory_space<vmem>> -> memref<800x32xf32, #tpu.memory_space<vmem>>
      %dma_start3A_899 = arith.constant 600 : i32
      %dma_start3A_900 = arith.constant 0 : i32
      %dma_start3A_901 = tpu.memref_slice %dma_start3A_898[%dma_start3A_899, %dma_start3A_900] : memref<800x32xf32, #tpu.memory_space<vmem>> -> memref<200x32xf32, #tpu.memory_space<vmem>>
      tpu.enqueue_dma source(%dma_start3A_901 : memref<200x32xf32, #tpu.memory_space<vmem>>) target(%dma_start3A_894 : memref<200x32xf32, #tpu.memory_space<hbm>>) target_semaphore(%dma_start3A_890 : memref<!tpu.dma_semaphore, #tpu.memory_space<semaphore_mem>>)
      %mul3A_902 = arith.constant 4 : i32
      %mul3A_903 = arith.muli %mul3A_902, %scan3A_388 : i32
      %add3A_904 = arith.constant 3 : i32
      %add3A_905 = arith.addi %mul3A_903, %add3A_904 : i32
      %dma_wait3A_906 = arith.constant 3 : i32
      %dma_wait3A_907 = arith.constant 3 : i32
      %dma_wait3A_908 = arith.constant 3 : i32
      %dma_wait3A_909 = arith.constant 0 : i32
      %dma_wait3A_910 = arith.constant 0 : i32
      %dma_wait3A_911 = tpu.memref_slice %arg6[%dma_wait3A_907, %dma_wait3A_909, %dma_wait3A_910] : memref<4x800x32xf32, #tpu.memory_space<vmem>> -> memref<1x800x32xf32, #tpu.memory_space<vmem>>
      %dma_wait3A_912 = tpu.memref_squeeze %dma_wait3A_911 : memref<1x800x32xf32, #tpu.memory_space<vmem>> -> memref<800x32xf32, #tpu.memory_space<vmem>>
      %dma_wait3A_913 = arith.constant 0 : i32
      %dma_wait3A_914 = tpu.memref_slice %arg5[%dma_wait3A_906, %dma_wait3A_913] : memref<4x800xi32, #tpu.memory_space<vmem>> -> memref<1x800xi32, #tpu.memory_space<vmem>>
      %dma_wait3A_915 = tpu.memref_squeeze %dma_wait3A_914 : memref<1x800xi32, #tpu.memory_space<vmem>> -> memref<800xi32, #tpu.memory_space<vmem>>
      %dma_wait3A_916 = arith.constant 0 : i32
      %dma_wait3A_917 = arith.constant 0 : i32
      %dma_wait3A_918 = tpu.memref_slice %arg2[%dma_wait3A_916, %dma_wait3A_917] : memref<1000000x32xf32, #tpu.memory_space<hbm>> -> memref<1000000x32xf32, #tpu.memory_space<hbm>>
      %dma_wait3A_919 = tpu.memref_slice %arg8[%dma_wait3A_908] : memref<4x!tpu.dma_semaphore, #tpu.memory_space<semaphore_mem>> -> memref<1x!tpu.dma_semaphore, #tpu.memory_space<semaphore_mem>>
      %dma_wait3A_920 = tpu.memref_squeeze %dma_wait3A_919 : memref<1x!tpu.dma_semaphore, #tpu.memory_space<semaphore_mem>> -> memref<!tpu.dma_semaphore, #tpu.memory_space<semaphore_mem>>
      tpu.wait_indirect_dma semaphore(%dma_wait3A_920 : memref<!tpu.dma_semaphore, #tpu.memory_space<semaphore_mem>>) src(%dma_wait3A_918 : memref<1000000x32xf32, #tpu.memory_space<hbm>>) dst(%dma_wait3A_912 : memref<800x32xf32, #tpu.memory_space<vmem>>)
      %add3A_921 = arith.constant 4 : i32
      %add3A_922 = arith.addi %add3A_905, %add3A_921 : i32
      %lt3A_923 = arith.constant 128 : i32
      %lt3A_924 = arith.cmpi slt, %add3A_922, %lt3A_923 : i32
      %convert_element_type3A_925 = arith.extui %lt3A_924 : i1 to i32
      %cond3A_926 = arith.constant 0 : i32
      %cond3A_927 = arith.cmpi ne, %convert_element_type3A_925, %cond3A_926 : i32
      scf.if %cond3A_927 {
        %add3A_1074 = arith.constant 4 : i32
        %add3A_1075 = arith.addi %add3A_905, %add3A_1074 : i32
        %mul3A_1076 = arith.constant 800 : i32
        %mul3A_1077 = arith.muli %add3A_1075, %mul3A_1076 : i32
        %add3A_1078 = arith.addi %mul3A_2, %mul3A_1077 : i32
        %dma_start3A_1079 = arith.constant 3 : i32
        %dma_start3A_1080 = arith.constant 3 : i32
        %dma_start3A_1081 = arith.constant 0 : i32
        %dma_start3A_1082 = tpu.memref_slice %arg5[%dma_start3A_1079, %dma_start3A_1081] : memref<4x800xi32, #tpu.memory_space<vmem>> -> memref<1x800xi32, #tpu.memory_space<vmem>>
        %dma_start3A_1083 = tpu.memref_squeeze %dma_start3A_1082 : memref<1x800xi32, #tpu.memory_space<vmem>> -> memref<800xi32, #tpu.memory_space<vmem>>
        %dma_start3A_1084 = tpu.memref_slice %arg3[%add3A_1078] : memref<3276800xi32, #tpu.memory_space<hbm>> -> memref<800xi32, #tpu.memory_space<hbm>>
        %dma_start3A_1085 = tpu.memref_slice %arg7[%dma_start3A_1080] : memref<4x!tpu.dma_semaphore, #tpu.memory_space<semaphore_mem>> -> memref<1x!tpu.dma_semaphore, #tpu.memory_space<semaphore_mem>>
        %dma_start3A_1086 = tpu.memref_squeeze %dma_start3A_1085 : memref<1x!tpu.dma_semaphore, #tpu.memory_space<semaphore_mem>> -> memref<!tpu.dma_semaphore, #tpu.memory_space<semaphore_mem>>
        %dma_start3A_1087 = arith.constant 0 : i32
        %dma_start3A_1088 = tpu.memref_slice %arg5[%dma_start3A_1079, %dma_start3A_1087] : memref<4x800xi32, #tpu.memory_space<vmem>> -> memref<1x800xi32, #tpu.memory_space<vmem>>
        %dma_start3A_1089 = tpu.memref_squeeze %dma_start3A_1088 : memref<1x800xi32, #tpu.memory_space<vmem>> -> memref<800xi32, #tpu.memory_space<vmem>>
        %dma_start3A_1090 = tpu.memref_slice %arg3[%add3A_1078] : memref<3276800xi32, #tpu.memory_space<hbm>> -> memref<800xi32, #tpu.memory_space<hbm>>
        tpu.enqueue_dma source(%dma_start3A_1090 : memref<800xi32, #tpu.memory_space<hbm>>) target(%dma_start3A_1089 : memref<800xi32, #tpu.memory_space<vmem>>) target_semaphore(%dma_start3A_1086 : memref<!tpu.dma_semaphore, #tpu.memory_space<semaphore_mem>>)
      } else {
      }
      %add3A_928 = arith.constant 2 : i32
      %add3A_929 = arith.addi %add3A_905, %add3A_928 : i32
      %lt3A_930 = arith.constant 128 : i32
      %lt3A_931 = arith.cmpi slt, %add3A_929, %lt3A_930 : i32
      %convert_element_type3A_932 = arith.extui %lt3A_931 : i1 to i32
      %cond3A_933 = arith.constant 0 : i32
      %cond3A_934 = arith.cmpi ne, %convert_element_type3A_932, %cond3A_933 : i32
      scf.if %cond3A_934 {
        %add3A_1074 = arith.constant 2 : i32
        %add3A_1075 = arith.addi %add3A_905, %add3A_1074 : i32
        %mul3A_1076 = arith.constant 800 : i32
        %mul3A_1077 = arith.muli %add3A_1075, %mul3A_1076 : i32
        %add3A_1078 = arith.addi %mul3A_2, %mul3A_1077 : i32
        %dma_wait3A_1079 = arith.constant 1 : i32
        %dma_wait3A_1080 = arith.constant 1 : i32
        %dma_wait3A_1081 = arith.constant 0 : i32
        %dma_wait3A_1082 = tpu.memref_slice %arg5[%dma_wait3A_1079, %dma_wait3A_1081] : memref<4x800xi32, #tpu.memory_space<vmem>> -> memref<1x800xi32, #tpu.memory_space<vmem>>
        %dma_wait3A_1083 = tpu.memref_squeeze %dma_wait3A_1082 : memref<1x800xi32, #tpu.memory_space<vmem>> -> memref<800xi32, #tpu.memory_space<vmem>>
        %dma_wait3A_1084 = tpu.memref_slice %arg3[%add3A_1078] : memref<3276800xi32, #tpu.memory_space<hbm>> -> memref<800xi32, #tpu.memory_space<hbm>>
        %dma_wait3A_1085 = tpu.memref_slice %arg7[%dma_wait3A_1080] : memref<4x!tpu.dma_semaphore, #tpu.memory_space<semaphore_mem>> -> memref<1x!tpu.dma_semaphore, #tpu.memory_space<semaphore_mem>>
        %dma_wait3A_1086 = tpu.memref_squeeze %dma_wait3A_1085 : memref<1x!tpu.dma_semaphore, #tpu.memory_space<semaphore_mem>> -> memref<!tpu.dma_semaphore, #tpu.memory_space<semaphore_mem>>
        %dma_wait3A_1087 = arith.constant 0 : i32
        %dma_wait3A_1088 = tpu.memref_slice %arg5[%dma_wait3A_1079, %dma_wait3A_1087] : memref<4x800xi32, #tpu.memory_space<vmem>> -> memref<1x800xi32, #tpu.memory_space<vmem>>
        %dma_wait3A_1089 = tpu.memref_squeeze %dma_wait3A_1088 : memref<1x800xi32, #tpu.memory_space<vmem>> -> memref<800xi32, #tpu.memory_space<vmem>>
        %dma_wait3A_1090 = tpu.memref_slice %arg3[%add3A_1078] : memref<3276800xi32, #tpu.memory_space<hbm>> -> memref<800xi32, #tpu.memory_space<hbm>>
        tpu.wait_dma2 semaphore(%dma_wait3A_1086 : memref<!tpu.dma_semaphore, #tpu.memory_space<semaphore_mem>>) src(%dma_wait3A_1090 : memref<800xi32, #tpu.memory_space<hbm>>) dst(%dma_wait3A_1089 : memref<800xi32, #tpu.memory_space<vmem>>)
        %ge3A = arith.constant 2 : i32
        %ge3A_1091 = arith.cmpi sge, %add3A_905, %ge3A : i32
        %convert_element_type3A_1092 = arith.extui %ge3A_1091 : i1 to i32
        %cond3A_1093 = arith.constant 0 : i32
        %cond3A_1094 = arith.cmpi ne, %convert_element_type3A_1092, %cond3A_1093 : i32
        scf.if %cond3A_1094 {
          %sub3A_1110 = arith.constant 2 : i32
          %sub3A_1111 = arith.subi %add3A_905, %sub3A_1110 : i32
          %mul3A_1112 = arith.constant 800 : i32
          %mul3A_1113 = arith.muli %sub3A_1111, %mul3A_1112 : i32
          %add3A_1114 = arith.addi %mul3A_2, %mul3A_1113 : i32
          %jit3A_1115 = arith.constant 200 : i32
          %div3A_1116 = arith.divsi %add3A_1114, %jit3A_1115 : i32
          %sign3A_1117 = arith.constant 0 : i32
          %sign3A_1118 = arith.cmpi sgt, %add3A_1114, %sign3A_1117 : i32
          %sign3A_1119 = arith.extui %sign3A_1118 : i1 to i32
          %sign3A_1120 = arith.constant 0 : i32
          %sign3A_1121 = arith.cmpi slt, %add3A_1114, %sign3A_1120 : i32
          %sign3A_1122 = arith.extui %sign3A_1121 : i1 to i32
          %sign3A_1123 = arith.subi %sign3A_1119, %sign3A_1122 : i32
          %sign3A_1124 = arith.constant 0 : i32
          %sign3A_1125 = arith.cmpi sgt, %jit3A_1115, %sign3A_1124 : i32
          %sign3A_1126 = arith.extui %sign3A_1125 : i1 to i32
          %sign3A_1127 = arith.constant 0 : i32
          %sign3A_1128 = arith.cmpi slt, %jit3A_1115, %sign3A_1127 : i32
          %sign3A_1129 = arith.extui %sign3A_1128 : i1 to i32
          %sign3A_1130 = arith.subi %sign3A_1126, %sign3A_1129 : i32
          %ne3A_1131 = arith.cmpi ne, %sign3A_1123, %sign3A_1130 : i32
          %rem3A_1132 = arith.remsi %add3A_1114, %jit3A_1115 : i32
          %ne3A_1133 = arith.constant 0 : i32
          %ne3A_1134 = arith.cmpi ne, %rem3A_1132, %ne3A_1133 : i32
          %and3A_1135 = arith.andi %ne3A_1131, %ne3A_1134 : i1
          %sub3A_1136 = arith.constant 1 : i32
          %sub3A_1137 = arith.subi %div3A_1116, %sub3A_1136 : i32
          %select_n3A_1138 = arith.select %and3A_1135, %sub3A_1137, %div3A_1116 : i32
          %add3A_1139 = arith.constant 0 : i32
          %add3A_1140 = arith.addi %select_n3A_1138, %add3A_1139 : i32
          %add3A_1141 = arith.constant 1 : i32
          %add3A_1142 = arith.addi %select_n3A_1138, %add3A_1141 : i32
          %add3A_1143 = arith.constant 2 : i32
          %add3A_1144 = arith.addi %select_n3A_1138, %add3A_1143 : i32
          %add3A_1145 = arith.constant 3 : i32
          %add3A_1146 = arith.addi %select_n3A_1138, %add3A_1145 : i32
          %dma_wait3A_1147 = arith.constant 1 : i32
          %dma_wait3A_1148 = arith.constant 1 : i32
          %dma_wait3A_1149 = arith.constant 0 : i32
          %dma_wait3A_1150 = arith.constant 0 : i32
          %dma_wait3A_1151 = tpu.memref_slice %arg6[%dma_wait3A_1147, %dma_wait3A_1149, %dma_wait3A_1150] : memref<4x800x32xf32, #tpu.memory_space<vmem>> -> memref<1x800x32xf32, #tpu.memory_space<vmem>>
          %dma_wait3A_1152 = tpu.memref_squeeze %dma_wait3A_1151 : memref<1x800x32xf32, #tpu.memory_space<vmem>> -> memref<800x32xf32, #tpu.memory_space<vmem>>
          %dma_wait3A_1153 = arith.constant 0 : i32
          %dma_wait3A_1154 = arith.constant 0 : i32
          %dma_wait3A_1155 = tpu.memref_slice %dma_wait3A_1152[%dma_wait3A_1153, %dma_wait3A_1154] : memref<800x32xf32, #tpu.memory_space<vmem>> -> memref<200x32xf32, #tpu.memory_space<vmem>>
          %dma_wait3A_1156 = arith.constant 0 : i32
          %dma_wait3A_1157 = arith.constant 0 : i32
          %dma_wait3A_1158 = tpu.memref_slice %arg4[%add3A_1140, %dma_wait3A_1156, %dma_wait3A_1157] : memref<16384x200x32xf32, #tpu.memory_space<hbm>> -> memref<1x200x32xf32, #tpu.memory_space<hbm>>
          %dma_wait3A_1159 = tpu.memref_squeeze %dma_wait3A_1158 : memref<1x200x32xf32, #tpu.memory_space<hbm>> -> memref<200x32xf32, #tpu.memory_space<hbm>>
          %dma_wait3A_1160 = tpu.memref_slice %arg9[%dma_wait3A_1148] : memref<4x!tpu.dma_semaphore, #tpu.memory_space<semaphore_mem>> -> memref<1x!tpu.dma_semaphore, #tpu.memory_space<semaphore_mem>>
          %dma_wait3A_1161 = tpu.memref_squeeze %dma_wait3A_1160 : memref<1x!tpu.dma_semaphore, #tpu.memory_space<semaphore_mem>> -> memref<!tpu.dma_semaphore, #tpu.memory_space<semaphore_mem>>
          %dma_wait3A_1162 = arith.constant 0 : i32
          %dma_wait3A_1163 = arith.constant 0 : i32
          %dma_wait3A_1164 = tpu.memref_slice %arg4[%add3A_1140, %dma_wait3A_1162, %dma_wait3A_1163] : memref<16384x200x32xf32, #tpu.memory_space<hbm>> -> memref<1x200x32xf32, #tpu.memory_space<hbm>>
          %dma_wait3A_1165 = tpu.memref_squeeze %dma_wait3A_1164 : memref<1x200x32xf32, #tpu.memory_space<hbm>> -> memref<200x32xf32, #tpu.memory_space<hbm>>
          %dma_wait3A_1166 = arith.constant 0 : i32
          %dma_wait3A_1167 = arith.constant 0 : i32
          %dma_wait3A_1168 = tpu.memref_slice %arg6[%dma_wait3A_1147, %dma_wait3A_1166, %dma_wait3A_1167] : memref<4x800x32xf32, #tpu.memory_space<vmem>> -> memref<1x800x32xf32, #tpu.memory_space<vmem>>
          %dma_wait3A_1169 = tpu.memref_squeeze %dma_wait3A_1168 : memref<1x800x32xf32, #tpu.memory_space<vmem>> -> memref<800x32xf32, #tpu.memory_space<vmem>>
          %dma_wait3A_1170 = arith.constant 0 : i32
          %dma_wait3A_1171 = arith.constant 0 : i32
          %dma_wait3A_1172 = tpu.memref_slice %dma_wait3A_1169[%dma_wait3A_1170, %dma_wait3A_1171] : memref<800x32xf32, #tpu.memory_space<vmem>> -> memref<200x32xf32, #tpu.memory_space<vmem>>
          tpu.wait_dma2 semaphore(%dma_wait3A_1161 : memref<!tpu.dma_semaphore, #tpu.memory_space<semaphore_mem>>) src(%dma_wait3A_1172 : memref<200x32xf32, #tpu.memory_space<vmem>>) dst(%dma_wait3A_1165 : memref<200x32xf32, #tpu.memory_space<hbm>>)
          %dma_wait3A_1173 = arith.constant 1 : i32
          %dma_wait3A_1174 = arith.constant 1 : i32
          %dma_wait3A_1175 = arith.constant 0 : i32
          %dma_wait3A_1176 = arith.constant 0 : i32
          %dma_wait3A_1177 = tpu.memref_slice %arg6[%dma_wait3A_1173, %dma_wait3A_1175, %dma_wait3A_1176] : memref<4x800x32xf32, #tpu.memory_space<vmem>> -> memref<1x800x32xf32, #tpu.memory_space<vmem>>
          %dma_wait3A_1178 = tpu.memref_squeeze %dma_wait3A_1177 : memref<1x800x32xf32, #tpu.memory_space<vmem>> -> memref<800x32xf32, #tpu.memory_space<vmem>>
          %dma_wait3A_1179 = arith.constant 200 : i32
          %dma_wait3A_1180 = arith.constant 0 : i32
          %dma_wait3A_1181 = tpu.memref_slice %dma_wait3A_1178[%dma_wait3A_1179, %dma_wait3A_1180] : memref<800x32xf32, #tpu.memory_space<vmem>> -> memref<200x32xf32, #tpu.memory_space<vmem>>
          %dma_wait3A_1182 = arith.constant 0 : i32
          %dma_wait3A_1183 = arith.constant 0 : i32
          %dma_wait3A_1184 = tpu.memref_slice %arg4[%add3A_1142, %dma_wait3A_1182, %dma_wait3A_1183] : memref<16384x200x32xf32, #tpu.memory_space<hbm>> -> memref<1x200x32xf32, #tpu.memory_space<hbm>>
          %dma_wait3A_1185 = tpu.memref_squeeze %dma_wait3A_1184 : memref<1x200x32xf32, #tpu.memory_space<hbm>> -> memref<200x32xf32, #tpu.memory_space<hbm>>
          %dma_wait3A_1186 = tpu.memref_slice %arg9[%dma_wait3A_1174] : memref<4x!tpu.dma_semaphore, #tpu.memory_space<semaphore_mem>> -> memref<1x!tpu.dma_semaphore, #tpu.memory_space<semaphore_mem>>
          %dma_wait3A_1187 = tpu.memref_squeeze %dma_wait3A_1186 : memref<1x!tpu.dma_semaphore, #tpu.memory_space<semaphore_mem>> -> memref<!tpu.dma_semaphore, #tpu.memory_space<semaphore_mem>>
          %dma_wait3A_1188 = arith.constant 0 : i32
          %dma_wait3A_1189 = arith.constant 0 : i32
          %dma_wait3A_1190 = tpu.memref_slice %arg4[%add3A_1142, %dma_wait3A_1188, %dma_wait3A_1189] : memref<16384x200x32xf32, #tpu.memory_space<hbm>> -> memref<1x200x32xf32, #tpu.memory_space<hbm>>
          %dma_wait3A_1191 = tpu.memref_squeeze %dma_wait3A_1190 : memref<1x200x32xf32, #tpu.memory_space<hbm>> -> memref<200x32xf32, #tpu.memory_space<hbm>>
          %dma_wait3A_1192 = arith.constant 0 : i32
          %dma_wait3A_1193 = arith.constant 0 : i32
          %dma_wait3A_1194 = tpu.memref_slice %arg6[%dma_wait3A_1173, %dma_wait3A_1192, %dma_wait3A_1193] : memref<4x800x32xf32, #tpu.memory_space<vmem>> -> memref<1x800x32xf32, #tpu.memory_space<vmem>>
          %dma_wait3A_1195 = tpu.memref_squeeze %dma_wait3A_1194 : memref<1x800x32xf32, #tpu.memory_space<vmem>> -> memref<800x32xf32, #tpu.memory_space<vmem>>
          %dma_wait3A_1196 = arith.constant 200 : i32
          %dma_wait3A_1197 = arith.constant 0 : i32
          %dma_wait3A_1198 = tpu.memref_slice %dma_wait3A_1195[%dma_wait3A_1196, %dma_wait3A_1197] : memref<800x32xf32, #tpu.memory_space<vmem>> -> memref<200x32xf32, #tpu.memory_space<vmem>>
          tpu.wait_dma2 semaphore(%dma_wait3A_1187 : memref<!tpu.dma_semaphore, #tpu.memory_space<semaphore_mem>>) src(%dma_wait3A_1198 : memref<200x32xf32, #tpu.memory_space<vmem>>) dst(%dma_wait3A_1191 : memref<200x32xf32, #tpu.memory_space<hbm>>)
          %dma_wait3A_1199 = arith.constant 1 : i32
          %dma_wait3A_1200 = arith.constant 1 : i32
          %dma_wait3A_1201 = arith.constant 0 : i32
          %dma_wait3A_1202 = arith.constant 0 : i32
          %dma_wait3A_1203 = tpu.memref_slice %arg6[%dma_wait3A_1199, %dma_wait3A_1201, %dma_wait3A_1202] : memref<4x800x32xf32, #tpu.memory_space<vmem>> -> memref<1x800x32xf32, #tpu.memory_space<vmem>>
          %dma_wait3A_1204 = tpu.memref_squeeze %dma_wait3A_1203 : memref<1x800x32xf32, #tpu.memory_space<vmem>> -> memref<800x32xf32, #tpu.memory_space<vmem>>
          %dma_wait3A_1205 = arith.constant 400 : i32
          %dma_wait3A_1206 = arith.constant 0 : i32
          %dma_wait3A_1207 = tpu.memref_slice %dma_wait3A_1204[%dma_wait3A_1205, %dma_wait3A_1206] : memref<800x32xf32, #tpu.memory_space<vmem>> -> memref<200x32xf32, #tpu.memory_space<vmem>>
          %dma_wait3A_1208 = arith.constant 0 : i32
          %dma_wait3A_1209 = arith.constant 0 : i32
          %dma_wait3A_1210 = tpu.memref_slice %arg4[%add3A_1144, %dma_wait3A_1208, %dma_wait3A_1209] : memref<16384x200x32xf32, #tpu.memory_space<hbm>> -> memref<1x200x32xf32, #tpu.memory_space<hbm>>
          %dma_wait3A_1211 = tpu.memref_squeeze %dma_wait3A_1210 : memref<1x200x32xf32, #tpu.memory_space<hbm>> -> memref<200x32xf32, #tpu.memory_space<hbm>>
          %dma_wait3A_1212 = tpu.memref_slice %arg9[%dma_wait3A_1200] : memref<4x!tpu.dma_semaphore, #tpu.memory_space<semaphore_mem>> -> memref<1x!tpu.dma_semaphore, #tpu.memory_space<semaphore_mem>>
          %dma_wait3A_1213 = tpu.memref_squeeze %dma_wait3A_1212 : memref<1x!tpu.dma_semaphore, #tpu.memory_space<semaphore_mem>> -> memref<!tpu.dma_semaphore, #tpu.memory_space<semaphore_mem>>
          %dma_wait3A_1214 = arith.constant 0 : i32
          %dma_wait3A_1215 = arith.constant 0 : i32
          %dma_wait3A_1216 = tpu.memref_slice %arg4[%add3A_1144, %dma_wait3A_1214, %dma_wait3A_1215] : memref<16384x200x32xf32, #tpu.memory_space<hbm>> -> memref<1x200x32xf32, #tpu.memory_space<hbm>>
          %dma_wait3A_1217 = tpu.memref_squeeze %dma_wait3A_1216 : memref<1x200x32xf32, #tpu.memory_space<hbm>> -> memref<200x32xf32, #tpu.memory_space<hbm>>
          %dma_wait3A_1218 = arith.constant 0 : i32
          %dma_wait3A_1219 = arith.constant 0 : i32
          %dma_wait3A_1220 = tpu.memref_slice %arg6[%dma_wait3A_1199, %dma_wait3A_1218, %dma_wait3A_1219] : memref<4x800x32xf32, #tpu.memory_space<vmem>> -> memref<1x800x32xf32, #tpu.memory_space<vmem>>
          %dma_wait3A_1221 = tpu.memref_squeeze %dma_wait3A_1220 : memref<1x800x32xf32, #tpu.memory_space<vmem>> -> memref<800x32xf32, #tpu.memory_space<vmem>>
          %dma_wait3A_1222 = arith.constant 400 : i32
          %dma_wait3A_1223 = arith.constant 0 : i32
          %dma_wait3A_1224 = tpu.memref_slice %dma_wait3A_1221[%dma_wait3A_1222, %dma_wait3A_1223] : memref<800x32xf32, #tpu.memory_space<vmem>> -> memref<200x32xf32, #tpu.memory_space<vmem>>
          tpu.wait_dma2 semaphore(%dma_wait3A_1213 : memref<!tpu.dma_semaphore, #tpu.memory_space<semaphore_mem>>) src(%dma_wait3A_1224 : memref<200x32xf32, #tpu.memory_space<vmem>>) dst(%dma_wait3A_1217 : memref<200x32xf32, #tpu.memory_space<hbm>>)
          %dma_wait3A_1225 = arith.constant 1 : i32
          %dma_wait3A_1226 = arith.constant 1 : i32
          %dma_wait3A_1227 = arith.constant 0 : i32
          %dma_wait3A_1228 = arith.constant 0 : i32
          %dma_wait3A_1229 = tpu.memref_slice %arg6[%dma_wait3A_1225, %dma_wait3A_1227, %dma_wait3A_1228] : memref<4x800x32xf32, #tpu.memory_space<vmem>> -> memref<1x800x32xf32, #tpu.memory_space<vmem>>
          %dma_wait3A_1230 = tpu.memref_squeeze %dma_wait3A_1229 : memref<1x800x32xf32, #tpu.memory_space<vmem>> -> memref<800x32xf32, #tpu.memory_space<vmem>>
          %dma_wait3A_1231 = arith.constant 600 : i32
          %dma_wait3A_1232 = arith.constant 0 : i32
          %dma_wait3A_1233 = tpu.memref_slice %dma_wait3A_1230[%dma_wait3A_1231, %dma_wait3A_1232] : memref<800x32xf32, #tpu.memory_space<vmem>> -> memref<200x32xf32, #tpu.memory_space<vmem>>
          %dma_wait3A_1234 = arith.constant 0 : i32
          %dma_wait3A_1235 = arith.constant 0 : i32
          %dma_wait3A_1236 = tpu.memref_slice %arg4[%add3A_1146, %dma_wait3A_1234, %dma_wait3A_1235] : memref<16384x200x32xf32, #tpu.memory_space<hbm>> -> memref<1x200x32xf32, #tpu.memory_space<hbm>>
          %dma_wait3A_1237 = tpu.memref_squeeze %dma_wait3A_1236 : memref<1x200x32xf32, #tpu.memory_space<hbm>> -> memref<200x32xf32, #tpu.memory_space<hbm>>
          %dma_wait3A_1238 = tpu.memref_slice %arg9[%dma_wait3A_1226] : memref<4x!tpu.dma_semaphore, #tpu.memory_space<semaphore_mem>> -> memref<1x!tpu.dma_semaphore, #tpu.memory_space<semaphore_mem>>
          %dma_wait3A_1239 = tpu.memref_squeeze %dma_wait3A_1238 : memref<1x!tpu.dma_semaphore, #tpu.memory_space<semaphore_mem>> -> memref<!tpu.dma_semaphore, #tpu.memory_space<semaphore_mem>>
          %dma_wait3A_1240 = arith.constant 0 : i32
          %dma_wait3A_1241 = arith.constant 0 : i32
          %dma_wait3A_1242 = tpu.memref_slice %arg4[%add3A_1146, %dma_wait3A_1240, %dma_wait3A_1241] : memref<16384x200x32xf32, #tpu.memory_space<hbm>> -> memref<1x200x32xf32, #tpu.memory_space<hbm>>
          %dma_wait3A_1243 = tpu.memref_squeeze %dma_wait3A_1242 : memref<1x200x32xf32, #tpu.memory_space<hbm>> -> memref<200x32xf32, #tpu.memory_space<hbm>>
          %dma_wait3A_1244 = arith.constant 0 : i32
          %dma_wait3A_1245 = arith.constant 0 : i32
          %dma_wait3A_1246 = tpu.memref_slice %arg6[%dma_wait3A_1225, %dma_wait3A_1244, %dma_wait3A_1245] : memref<4x800x32xf32, #tpu.memory_space<vmem>> -> memref<1x800x32xf32, #tpu.memory_space<vmem>>
          %dma_wait3A_1247 = tpu.memref_squeeze %dma_wait3A_1246 : memref<1x800x32xf32, #tpu.memory_space<vmem>> -> memref<800x32xf32, #tpu.memory_space<vmem>>
          %dma_wait3A_1248 = arith.constant 600 : i32
          %dma_wait3A_1249 = arith.constant 0 : i32
          %dma_wait3A_1250 = tpu.memref_slice %dma_wait3A_1247[%dma_wait3A_1248, %dma_wait3A_1249] : memref<800x32xf32, #tpu.memory_space<vmem>> -> memref<200x32xf32, #tpu.memory_space<vmem>>
          tpu.wait_dma2 semaphore(%dma_wait3A_1239 : memref<!tpu.dma_semaphore, #tpu.memory_space<semaphore_mem>>) src(%dma_wait3A_1250 : memref<200x32xf32, #tpu.memory_space<vmem>>) dst(%dma_wait3A_1243 : memref<200x32xf32, #tpu.memory_space<hbm>>)
        } else {
        }
        %dma_start3A_1095 = arith.constant 1 : i32
        %dma_start3A_1096 = arith.constant 1 : i32
        %dma_start3A_1097 = arith.constant 1 : i32
        %dma_start3A_1098 = arith.constant 0 : i32
        %dma_start3A_1099 = arith.constant 0 : i32
        %dma_start3A_1100 = tpu.memref_slice %arg6[%dma_start3A_1096, %dma_start3A_1098, %dma_start3A_1099] : memref<4x800x32xf32, #tpu.memory_space<vmem>> -> memref<1x800x32xf32, #tpu.memory_space<vmem>>
        %dma_start3A_1101 = tpu.memref_squeeze %dma_start3A_1100 : memref<1x800x32xf32, #tpu.memory_space<vmem>> -> memref<800x32xf32, #tpu.memory_space<vmem>>
        %dma_start3A_1102 = arith.constant 0 : i32
        %dma_start3A_1103 = tpu.memref_slice %arg5[%dma_start3A_1095, %dma_start3A_1102] : memref<4x800xi32, #tpu.memory_space<vmem>> -> memref<1x800xi32, #tpu.memory_space<vmem>>
        %dma_start3A_1104 = tpu.memref_squeeze %dma_start3A_1103 : memref<1x800xi32, #tpu.memory_space<vmem>> -> memref<800xi32, #tpu.memory_space<vmem>>
        %dma_start3A_1105 = arith.constant 0 : i32
        %dma_start3A_1106 = arith.constant 0 : i32
        %dma_start3A_1107 = tpu.memref_slice %arg2[%dma_start3A_1105, %dma_start3A_1106] : memref<1000000x32xf32, #tpu.memory_space<hbm>> -> memref<1000000x32xf32, #tpu.memory_space<hbm>>
        %dma_start3A_1108 = tpu.memref_slice %arg8[%dma_start3A_1097] : memref<4x!tpu.dma_semaphore, #tpu.memory_space<semaphore_mem>> -> memref<1x!tpu.dma_semaphore, #tpu.memory_space<semaphore_mem>>
        %dma_start3A_1109 = tpu.memref_squeeze %dma_start3A_1108 : memref<1x!tpu.dma_semaphore, #tpu.memory_space<semaphore_mem>> -> memref<!tpu.dma_semaphore, #tpu.memory_space<semaphore_mem>>
        tpu.enqueue_indirect_dma source(%dma_start3A_1107 : memref<1000000x32xf32, #tpu.memory_space<hbm>>) target(%dma_start3A_1101 : memref<800x32xf32, #tpu.memory_space<vmem>>) offsets(%dma_start3A_1104 : memref<800xi32, #tpu.memory_space<vmem>>) semaphore(%dma_start3A_1109 : memref<!tpu.dma_semaphore, #tpu.memory_space<semaphore_mem>>)
      } else {
      }
      %mul3A_935 = arith.constant 800 : i32
      %mul3A_936 = arith.muli %add3A_905, %mul3A_935 : i32
      %add3A_937 = arith.addi %mul3A_2, %mul3A_936 : i32
      %jit3A_938 = arith.constant 200 : i32
      %div3A_939 = arith.divsi %add3A_937, %jit3A_938 : i32
      %sign3A_940 = arith.constant 0 : i32
      %sign3A_941 = arith.cmpi sgt, %add3A_937, %sign3A_940 : i32
      %sign3A_942 = arith.extui %sign3A_941 : i1 to i32
      %sign3A_943 = arith.constant 0 : i32
      %sign3A_944 = arith.cmpi slt, %add3A_937, %sign3A_943 : i32
      %sign3A_945 = arith.extui %sign3A_944 : i1 to i32
      %sign3A_946 = arith.subi %sign3A_942, %sign3A_945 : i32
      %sign3A_947 = arith.constant 0 : i32
      %sign3A_948 = arith.cmpi sgt, %jit3A_938, %sign3A_947 : i32
      %sign3A_949 = arith.extui %sign3A_948 : i1 to i32
      %sign3A_950 = arith.constant 0 : i32
      %sign3A_951 = arith.cmpi slt, %jit3A_938, %sign3A_950 : i32
      %sign3A_952 = arith.extui %sign3A_951 : i1 to i32
      %sign3A_953 = arith.subi %sign3A_949, %sign3A_952 : i32
      %ne3A_954 = arith.cmpi ne, %sign3A_946, %sign3A_953 : i32
      %rem3A_955 = arith.remsi %add3A_937, %jit3A_938 : i32
      %ne3A_956 = arith.constant 0 : i32
      %ne3A_957 = arith.cmpi ne, %rem3A_955, %ne3A_956 : i32
      %and3A_958 = arith.andi %ne3A_954, %ne3A_957 : i1
      %sub3A_959 = arith.constant 1 : i32
      %sub3A_960 = arith.subi %div3A_939, %sub3A_959 : i32
      %select_n3A_961 = arith.select %and3A_958, %sub3A_960, %div3A_939 : i32
      %add3A_962 = arith.constant 0 : i32
      %add3A_963 = arith.addi %select_n3A_961, %add3A_962 : i32
      %add3A_964 = arith.constant 1 : i32
      %add3A_965 = arith.addi %select_n3A_961, %add3A_964 : i32
      %add3A_966 = arith.constant 2 : i32
      %add3A_967 = arith.addi %select_n3A_961, %add3A_966 : i32
      %add3A_968 = arith.constant 3 : i32
      %add3A_969 = arith.addi %select_n3A_961, %add3A_968 : i32
      %dma_start3A_970 = arith.constant 3 : i32
      %dma_start3A_971 = arith.constant 3 : i32
      %dma_start3A_972 = arith.constant 0 : i32
      %dma_start3A_973 = arith.constant 0 : i32
      %dma_start3A_974 = tpu.memref_slice %arg6[%dma_start3A_970, %dma_start3A_972, %dma_start3A_973] : memref<4x800x32xf32, #tpu.memory_space<vmem>> -> memref<1x800x32xf32, #tpu.memory_space<vmem>>
      %dma_start3A_975 = tpu.memref_squeeze %dma_start3A_974 : memref<1x800x32xf32, #tpu.memory_space<vmem>> -> memref<800x32xf32, #tpu.memory_space<vmem>>
      %dma_start3A_976 = arith.constant 0 : i32
      %dma_start3A_977 = arith.constant 0 : i32
      %dma_start3A_978 = tpu.memref_slice %dma_start3A_975[%dma_start3A_976, %dma_start3A_977] : memref<800x32xf32, #tpu.memory_space<vmem>> -> memref<200x32xf32, #tpu.memory_space<vmem>>
      %dma_start3A_979 = arith.constant 0 : i32
      %dma_start3A_980 = arith.constant 0 : i32
      %dma_start3A_981 = tpu.memref_slice %arg4[%add3A_963, %dma_start3A_979, %dma_start3A_980] : memref<16384x200x32xf32, #tpu.memory_space<hbm>> -> memref<1x200x32xf32, #tpu.memory_space<hbm>>
      %dma_start3A_982 = tpu.memref_squeeze %dma_start3A_981 : memref<1x200x32xf32, #tpu.memory_space<hbm>> -> memref<200x32xf32, #tpu.memory_space<hbm>>
      %dma_start3A_983 = tpu.memref_slice %arg9[%dma_start3A_971] : memref<4x!tpu.dma_semaphore, #tpu.memory_space<semaphore_mem>> -> memref<1x!tpu.dma_semaphore, #tpu.memory_space<semaphore_mem>>
      %dma_start3A_984 = tpu.memref_squeeze %dma_start3A_983 : memref<1x!tpu.dma_semaphore, #tpu.memory_space<semaphore_mem>> -> memref<!tpu.dma_semaphore, #tpu.memory_space<semaphore_mem>>
      %dma_start3A_985 = arith.constant 0 : i32
      %dma_start3A_986 = arith.constant 0 : i32
      %dma_start3A_987 = tpu.memref_slice %arg4[%add3A_963, %dma_start3A_985, %dma_start3A_986] : memref<16384x200x32xf32, #tpu.memory_space<hbm>> -> memref<1x200x32xf32, #tpu.memory_space<hbm>>
      %dma_start3A_988 = tpu.memref_squeeze %dma_start3A_987 : memref<1x200x32xf32, #tpu.memory_space<hbm>> -> memref<200x32xf32, #tpu.memory_space<hbm>>
      %dma_start3A_989 = arith.constant 0 : i32
      %dma_start3A_990 = arith.constant 0 : i32
      %dma_start3A_991 = tpu.memref_slice %arg6[%dma_start3A_970, %dma_start3A_989, %dma_start3A_990] : memref<4x800x32xf32, #tpu.memory_space<vmem>> -> memref<1x800x32xf32, #tpu.memory_space<vmem>>
      %dma_start3A_992 = tpu.memref_squeeze %dma_start3A_991 : memref<1x800x32xf32, #tpu.memory_space<vmem>> -> memref<800x32xf32, #tpu.memory_space<vmem>>
      %dma_start3A_993 = arith.constant 0 : i32
      %dma_start3A_994 = arith.constant 0 : i32
      %dma_start3A_995 = tpu.memref_slice %dma_start3A_992[%dma_start3A_993, %dma_start3A_994] : memref<800x32xf32, #tpu.memory_space<vmem>> -> memref<200x32xf32, #tpu.memory_space<vmem>>
      tpu.enqueue_dma source(%dma_start3A_995 : memref<200x32xf32, #tpu.memory_space<vmem>>) target(%dma_start3A_988 : memref<200x32xf32, #tpu.memory_space<hbm>>) target_semaphore(%dma_start3A_984 : memref<!tpu.dma_semaphore, #tpu.memory_space<semaphore_mem>>)
      %dma_start3A_996 = arith.constant 3 : i32
      %dma_start3A_997 = arith.constant 3 : i32
      %dma_start3A_998 = arith.constant 0 : i32
      %dma_start3A_999 = arith.constant 0 : i32
      %dma_start3A_1000 = tpu.memref_slice %arg6[%dma_start3A_996, %dma_start3A_998, %dma_start3A_999] : memref<4x800x32xf32, #tpu.memory_space<vmem>> -> memref<1x800x32xf32, #tpu.memory_space<vmem>>
      %dma_start3A_1001 = tpu.memref_squeeze %dma_start3A_1000 : memref<1x800x32xf32, #tpu.memory_space<vmem>> -> memref<800x32xf32, #tpu.memory_space<vmem>>
      %dma_start3A_1002 = arith.constant 200 : i32
      %dma_start3A_1003 = arith.constant 0 : i32
      %dma_start3A_1004 = tpu.memref_slice %dma_start3A_1001[%dma_start3A_1002, %dma_start3A_1003] : memref<800x32xf32, #tpu.memory_space<vmem>> -> memref<200x32xf32, #tpu.memory_space<vmem>>
      %dma_start3A_1005 = arith.constant 0 : i32
      %dma_start3A_1006 = arith.constant 0 : i32
      %dma_start3A_1007 = tpu.memref_slice %arg4[%add3A_965, %dma_start3A_1005, %dma_start3A_1006] : memref<16384x200x32xf32, #tpu.memory_space<hbm>> -> memref<1x200x32xf32, #tpu.memory_space<hbm>>
      %dma_start3A_1008 = tpu.memref_squeeze %dma_start3A_1007 : memref<1x200x32xf32, #tpu.memory_space<hbm>> -> memref<200x32xf32, #tpu.memory_space<hbm>>
      %dma_start3A_1009 = tpu.memref_slice %arg9[%dma_start3A_997] : memref<4x!tpu.dma_semaphore, #tpu.memory_space<semaphore_mem>> -> memref<1x!tpu.dma_semaphore, #tpu.memory_space<semaphore_mem>>
      %dma_start3A_1010 = tpu.memref_squeeze %dma_start3A_1009 : memref<1x!tpu.dma_semaphore, #tpu.memory_space<semaphore_mem>> -> memref<!tpu.dma_semaphore, #tpu.memory_space<semaphore_mem>>
      %dma_start3A_1011 = arith.constant 0 : i32
      %dma_start3A_1012 = arith.constant 0 : i32
      %dma_start3A_1013 = tpu.memref_slice %arg4[%add3A_965, %dma_start3A_1011, %dma_start3A_1012] : memref<16384x200x32xf32, #tpu.memory_space<hbm>> -> memref<1x200x32xf32, #tpu.memory_space<hbm>>
      %dma_start3A_1014 = tpu.memref_squeeze %dma_start3A_1013 : memref<1x200x32xf32, #tpu.memory_space<hbm>> -> memref<200x32xf32, #tpu.memory_space<hbm>>
      %dma_start3A_1015 = arith.constant 0 : i32
      %dma_start3A_1016 = arith.constant 0 : i32
      %dma_start3A_1017 = tpu.memref_slice %arg6[%dma_start3A_996, %dma_start3A_1015, %dma_start3A_1016] : memref<4x800x32xf32, #tpu.memory_space<vmem>> -> memref<1x800x32xf32, #tpu.memory_space<vmem>>
      %dma_start3A_1018 = tpu.memref_squeeze %dma_start3A_1017 : memref<1x800x32xf32, #tpu.memory_space<vmem>> -> memref<800x32xf32, #tpu.memory_space<vmem>>
      %dma_start3A_1019 = arith.constant 200 : i32
      %dma_start3A_1020 = arith.constant 0 : i32
      %dma_start3A_1021 = tpu.memref_slice %dma_start3A_1018[%dma_start3A_1019, %dma_start3A_1020] : memref<800x32xf32, #tpu.memory_space<vmem>> -> memref<200x32xf32, #tpu.memory_space<vmem>>
      tpu.enqueue_dma source(%dma_start3A_1021 : memref<200x32xf32, #tpu.memory_space<vmem>>) target(%dma_start3A_1014 : memref<200x32xf32, #tpu.memory_space<hbm>>) target_semaphore(%dma_start3A_1010 : memref<!tpu.dma_semaphore, #tpu.memory_space<semaphore_mem>>)
      %dma_start3A_1022 = arith.constant 3 : i32
      %dma_start3A_1023 = arith.constant 3 : i32
      %dma_start3A_1024 = arith.constant 0 : i32
      %dma_start3A_1025 = arith.constant 0 : i32
      %dma_start3A_1026 = tpu.memref_slice %arg6[%dma_start3A_1022, %dma_start3A_1024, %dma_start3A_1025] : memref<4x800x32xf32, #tpu.memory_space<vmem>> -> memref<1x800x32xf32, #tpu.memory_space<vmem>>
      %dma_start3A_1027 = tpu.memref_squeeze %dma_start3A_1026 : memref<1x800x32xf32, #tpu.memory_space<vmem>> -> memref<800x32xf32, #tpu.memory_space<vmem>>
      %dma_start3A_1028 = arith.constant 400 : i32
      %dma_start3A_1029 = arith.constant 0 : i32
      %dma_start3A_1030 = tpu.memref_slice %dma_start3A_1027[%dma_start3A_1028, %dma_start3A_1029] : memref<800x32xf32, #tpu.memory_space<vmem>> -> memref<200x32xf32, #tpu.memory_space<vmem>>
      %dma_start3A_1031 = arith.constant 0 : i32
      %dma_start3A_1032 = arith.constant 0 : i32
      %dma_start3A_1033 = tpu.memref_slice %arg4[%add3A_967, %dma_start3A_1031, %dma_start3A_1032] : memref<16384x200x32xf32, #tpu.memory_space<hbm>> -> memref<1x200x32xf32, #tpu.memory_space<hbm>>
      %dma_start3A_1034 = tpu.memref_squeeze %dma_start3A_1033 : memref<1x200x32xf32, #tpu.memory_space<hbm>> -> memref<200x32xf32, #tpu.memory_space<hbm>>
      %dma_start3A_1035 = tpu.memref_slice %arg9[%dma_start3A_1023] : memref<4x!tpu.dma_semaphore, #tpu.memory_space<semaphore_mem>> -> memref<1x!tpu.dma_semaphore, #tpu.memory_space<semaphore_mem>>
      %dma_start3A_1036 = tpu.memref_squeeze %dma_start3A_1035 : memref<1x!tpu.dma_semaphore, #tpu.memory_space<semaphore_mem>> -> memref<!tpu.dma_semaphore, #tpu.memory_space<semaphore_mem>>
      %dma_start3A_1037 = arith.constant 0 : i32
      %dma_start3A_1038 = arith.constant 0 : i32
      %dma_start3A_1039 = tpu.memref_slice %arg4[%add3A_967, %dma_start3A_1037, %dma_start3A_1038] : memref<16384x200x32xf32, #tpu.memory_space<hbm>> -> memref<1x200x32xf32, #tpu.memory_space<hbm>>
      %dma_start3A_1040 = tpu.memref_squeeze %dma_start3A_1039 : memref<1x200x32xf32, #tpu.memory_space<hbm>> -> memref<200x32xf32, #tpu.memory_space<hbm>>
      %dma_start3A_1041 = arith.constant 0 : i32
      %dma_start3A_1042 = arith.constant 0 : i32
      %dma_start3A_1043 = tpu.memref_slice %arg6[%dma_start3A_1022, %dma_start3A_1041, %dma_start3A_1042] : memref<4x800x32xf32, #tpu.memory_space<vmem>> -> memref<1x800x32xf32, #tpu.memory_space<vmem>>
      %dma_start3A_1044 = tpu.memref_squeeze %dma_start3A_1043 : memref<1x800x32xf32, #tpu.memory_space<vmem>> -> memref<800x32xf32, #tpu.memory_space<vmem>>
      %dma_start3A_1045 = arith.constant 400 : i32
      %dma_start3A_1046 = arith.constant 0 : i32
      %dma_start3A_1047 = tpu.memref_slice %dma_start3A_1044[%dma_start3A_1045, %dma_start3A_1046] : memref<800x32xf32, #tpu.memory_space<vmem>> -> memref<200x32xf32, #tpu.memory_space<vmem>>
      tpu.enqueue_dma source(%dma_start3A_1047 : memref<200x32xf32, #tpu.memory_space<vmem>>) target(%dma_start3A_1040 : memref<200x32xf32, #tpu.memory_space<hbm>>) target_semaphore(%dma_start3A_1036 : memref<!tpu.dma_semaphore, #tpu.memory_space<semaphore_mem>>)
      %dma_start3A_1048 = arith.constant 3 : i32
      %dma_start3A_1049 = arith.constant 3 : i32
      %dma_start3A_1050 = arith.constant 0 : i32
      %dma_start3A_1051 = arith.constant 0 : i32
      %dma_start3A_1052 = tpu.memref_slice %arg6[%dma_start3A_1048, %dma_start3A_1050, %dma_start3A_1051] : memref<4x800x32xf32, #tpu.memory_space<vmem>> -> memref<1x800x32xf32, #tpu.memory_space<vmem>>
      %dma_start3A_1053 = tpu.memref_squeeze %dma_start3A_1052 : memref<1x800x32xf32, #tpu.memory_space<vmem>> -> memref<800x32xf32, #tpu.memory_space<vmem>>
      %dma_start3A_1054 = arith.constant 600 : i32
      %dma_start3A_1055 = arith.constant 0 : i32
      %dma_start3A_1056 = tpu.memref_slice %dma_start3A_1053[%dma_start3A_1054, %dma_start3A_1055] : memref<800x32xf32, #tpu.memory_space<vmem>> -> memref<200x32xf32, #tpu.memory_space<vmem>>
      %dma_start3A_1057 = arith.constant 0 : i32
      %dma_start3A_1058 = arith.constant 0 : i32
      %dma_start3A_1059 = tpu.memref_slice %arg4[%add3A_969, %dma_start3A_1057, %dma_start3A_1058] : memref<16384x200x32xf32, #tpu.memory_space<hbm>> -> memref<1x200x32xf32, #tpu.memory_space<hbm>>
      %dma_start3A_1060 = tpu.memref_squeeze %dma_start3A_1059 : memref<1x200x32xf32, #tpu.memory_space<hbm>> -> memref<200x32xf32, #tpu.memory_space<hbm>>
      %dma_start3A_1061 = tpu.memref_slice %arg9[%dma_start3A_1049] : memref<4x!tpu.dma_semaphore, #tpu.memory_space<semaphore_mem>> -> memref<1x!tpu.dma_semaphore, #tpu.memory_space<semaphore_mem>>
      %dma_start3A_1062 = tpu.memref_squeeze %dma_start3A_1061 : memref<1x!tpu.dma_semaphore, #tpu.memory_space<semaphore_mem>> -> memref<!tpu.dma_semaphore, #tpu.memory_space<semaphore_mem>>
      %dma_start3A_1063 = arith.constant 0 : i32
      %dma_start3A_1064 = arith.constant 0 : i32
      %dma_start3A_1065 = tpu.memref_slice %arg4[%add3A_969, %dma_start3A_1063, %dma_start3A_1064] : memref<16384x200x32xf32, #tpu.memory_space<hbm>> -> memref<1x200x32xf32, #tpu.memory_space<hbm>>
      %dma_start3A_1066 = tpu.memref_squeeze %dma_start3A_1065 : memref<1x200x32xf32, #tpu.memory_space<hbm>> -> memref<200x32xf32, #tpu.memory_space<hbm>>
      %dma_start3A_1067 = arith.constant 0 : i32
      %dma_start3A_1068 = arith.constant 0 : i32
      %dma_start3A_1069 = tpu.memref_slice %arg6[%dma_start3A_1048, %dma_start3A_1067, %dma_start3A_1068] : memref<4x800x32xf32, #tpu.memory_space<vmem>> -> memref<1x800x32xf32, #tpu.memory_space<vmem>>
      %dma_start3A_1070 = tpu.memref_squeeze %dma_start3A_1069 : memref<1x800x32xf32, #tpu.memory_space<vmem>> -> memref<800x32xf32, #tpu.memory_space<vmem>>
      %dma_start3A_1071 = arith.constant 600 : i32
      %dma_start3A_1072 = arith.constant 0 : i32
      %dma_start3A_1073 = tpu.memref_slice %dma_start3A_1070[%dma_start3A_1071, %dma_start3A_1072] : memref<800x32xf32, #tpu.memory_space<vmem>> -> memref<200x32xf32, #tpu.memory_space<vmem>>
      tpu.enqueue_dma source(%dma_start3A_1073 : memref<200x32xf32, #tpu.memory_space<vmem>>) target(%dma_start3A_1066 : memref<200x32xf32, #tpu.memory_space<hbm>>) target_semaphore(%dma_start3A_1062 : memref<!tpu.dma_semaphore, #tpu.memory_space<semaphore_mem>>)
    }
    %scan3A_119 = arith.constant 32 : i32
    %add3A_120 = arith.constant 100800 : i32
    %add3A_121 = arith.addi %mul3A_2, %add3A_120 : i32
    %jit3A = arith.constant 200 : i32
    %div3A = arith.divsi %add3A_121, %jit3A : i32
    %sign3A = arith.constant 0 : i32
    %sign3A_122 = arith.cmpi sgt, %add3A_121, %sign3A : i32
    %sign3A_123 = arith.extui %sign3A_122 : i1 to i32
    %sign3A_124 = arith.constant 0 : i32
    %sign3A_125 = arith.cmpi slt, %add3A_121, %sign3A_124 : i32
    %sign3A_126 = arith.extui %sign3A_125 : i1 to i32
    %sign3A_127 = arith.subi %sign3A_123, %sign3A_126 : i32
    %sign3A_128 = arith.constant 0 : i32
    %sign3A_129 = arith.cmpi sgt, %jit3A, %sign3A_128 : i32
    %sign3A_130 = arith.extui %sign3A_129 : i1 to i32
    %sign3A_131 = arith.constant 0 : i32
    %sign3A_132 = arith.cmpi slt, %jit3A, %sign3A_131 : i32
    %sign3A_133 = arith.extui %sign3A_132 : i1 to i32
    %sign3A_134 = arith.subi %sign3A_130, %sign3A_133 : i32
    %ne3A = arith.cmpi ne, %sign3A_127, %sign3A_134 : i32
    %rem3A = arith.remsi %add3A_121, %jit3A : i32
    %ne3A_135 = arith.constant 0 : i32
    %ne3A_136 = arith.cmpi ne, %rem3A, %ne3A_135 : i32
    %and3A = arith.andi %ne3A, %ne3A_136 : i1
    %sub3A = arith.constant 1 : i32
    %sub3A_137 = arith.subi %div3A, %sub3A : i32
    %select_n3A = arith.select %and3A, %sub3A_137, %div3A : i32
    %add3A_138 = arith.constant 0 : i32
    %add3A_139 = arith.addi %select_n3A, %add3A_138 : i32
    %add3A_140 = arith.constant 1 : i32
    %add3A_141 = arith.addi %select_n3A, %add3A_140 : i32
    %add3A_142 = arith.constant 2 : i32
    %add3A_143 = arith.addi %select_n3A, %add3A_142 : i32
    %add3A_144 = arith.constant 3 : i32
    %add3A_145 = arith.addi %select_n3A, %add3A_144 : i32
    %dma_wait3A_146 = arith.constant 2 : i32
    %dma_wait3A_147 = arith.constant 2 : i32
    %dma_wait3A_148 = arith.constant 0 : i32
    %dma_wait3A_149 = arith.constant 0 : i32
    %dma_wait3A_150 = tpu.memref_slice %arg6[%dma_wait3A_146, %dma_wait3A_148, %dma_wait3A_149] : memref<4x800x32xf32, #tpu.memory_space<vmem>> -> memref<1x800x32xf32, #tpu.memory_space<vmem>>
    %dma_wait3A_151 = tpu.memref_squeeze %dma_wait3A_150 : memref<1x800x32xf32, #tpu.memory_space<vmem>> -> memref<800x32xf32, #tpu.memory_space<vmem>>
    %dma_wait3A_152 = arith.constant 0 : i32
    %dma_wait3A_153 = arith.constant 0 : i32
    %dma_wait3A_154 = tpu.memref_slice %dma_wait3A_151[%dma_wait3A_152, %dma_wait3A_153] : memref<800x32xf32, #tpu.memory_space<vmem>> -> memref<200x32xf32, #tpu.memory_space<vmem>>
    %dma_wait3A_155 = arith.constant 0 : i32
    %dma_wait3A_156 = arith.constant 0 : i32
    %dma_wait3A_157 = tpu.memref_slice %arg4[%add3A_139, %dma_wait3A_155, %dma_wait3A_156] : memref<16384x200x32xf32, #tpu.memory_space<hbm>> -> memref<1x200x32xf32, #tpu.memory_space<hbm>>
    %dma_wait3A_158 = tpu.memref_squeeze %dma_wait3A_157 : memref<1x200x32xf32, #tpu.memory_space<hbm>> -> memref<200x32xf32, #tpu.memory_space<hbm>>
    %dma_wait3A_159 = tpu.memref_slice %arg9[%dma_wait3A_147] : memref<4x!tpu.dma_semaphore, #tpu.memory_space<semaphore_mem>> -> memref<1x!tpu.dma_semaphore, #tpu.memory_space<semaphore_mem>>
    %dma_wait3A_160 = tpu.memref_squeeze %dma_wait3A_159 : memref<1x!tpu.dma_semaphore, #tpu.memory_space<semaphore_mem>> -> memref<!tpu.dma_semaphore, #tpu.memory_space<semaphore_mem>>
    %dma_wait3A_161 = arith.constant 0 : i32
    %dma_wait3A_162 = arith.constant 0 : i32
    %dma_wait3A_163 = tpu.memref_slice %arg4[%add3A_139, %dma_wait3A_161, %dma_wait3A_162] : memref<16384x200x32xf32, #tpu.memory_space<hbm>> -> memref<1x200x32xf32, #tpu.memory_space<hbm>>
    %dma_wait3A_164 = tpu.memref_squeeze %dma_wait3A_163 : memref<1x200x32xf32, #tpu.memory_space<hbm>> -> memref<200x32xf32, #tpu.memory_space<hbm>>
    %dma_wait3A_165 = arith.constant 0 : i32
    %dma_wait3A_166 = arith.constant 0 : i32
    %dma_wait3A_167 = tpu.memref_slice %arg6[%dma_wait3A_146, %dma_wait3A_165, %dma_wait3A_166] : memref<4x800x32xf32, #tpu.memory_space<vmem>> -> memref<1x800x32xf32, #tpu.memory_space<vmem>>
    %dma_wait3A_168 = tpu.memref_squeeze %dma_wait3A_167 : memref<1x800x32xf32, #tpu.memory_space<vmem>> -> memref<800x32xf32, #tpu.memory_space<vmem>>
    %dma_wait3A_169 = arith.constant 0 : i32
    %dma_wait3A_170 = arith.constant 0 : i32
    %dma_wait3A_171 = tpu.memref_slice %dma_wait3A_168[%dma_wait3A_169, %dma_wait3A_170] : memref<800x32xf32, #tpu.memory_space<vmem>> -> memref<200x32xf32, #tpu.memory_space<vmem>>
    tpu.wait_dma2 semaphore(%dma_wait3A_160 : memref<!tpu.dma_semaphore, #tpu.memory_space<semaphore_mem>>) src(%dma_wait3A_171 : memref<200x32xf32, #tpu.memory_space<vmem>>) dst(%dma_wait3A_164 : memref<200x32xf32, #tpu.memory_space<hbm>>)
    %dma_wait3A_172 = arith.constant 2 : i32
    %dma_wait3A_173 = arith.constant 2 : i32
    %dma_wait3A_174 = arith.constant 0 : i32
    %dma_wait3A_175 = arith.constant 0 : i32
    %dma_wait3A_176 = tpu.memref_slice %arg6[%dma_wait3A_172, %dma_wait3A_174, %dma_wait3A_175] : memref<4x800x32xf32, #tpu.memory_space<vmem>> -> memref<1x800x32xf32, #tpu.memory_space<vmem>>
    %dma_wait3A_177 = tpu.memref_squeeze %dma_wait3A_176 : memref<1x800x32xf32, #tpu.memory_space<vmem>> -> memref<800x32xf32, #tpu.memory_space<vmem>>
    %dma_wait3A_178 = arith.constant 200 : i32
    %dma_wait3A_179 = arith.constant 0 : i32
    %dma_wait3A_180 = tpu.memref_slice %dma_wait3A_177[%dma_wait3A_178, %dma_wait3A_179] : memref<800x32xf32, #tpu.memory_space<vmem>> -> memref<200x32xf32, #tpu.memory_space<vmem>>
    %dma_wait3A_181 = arith.constant 0 : i32
    %dma_wait3A_182 = arith.constant 0 : i32
    %dma_wait3A_183 = tpu.memref_slice %arg4[%add3A_141, %dma_wait3A_181, %dma_wait3A_182] : memref<16384x200x32xf32, #tpu.memory_space<hbm>> -> memref<1x200x32xf32, #tpu.memory_space<hbm>>
    %dma_wait3A_184 = tpu.memref_squeeze %dma_wait3A_183 : memref<1x200x32xf32, #tpu.memory_space<hbm>> -> memref<200x32xf32, #tpu.memory_space<hbm>>
    %dma_wait3A_185 = tpu.memref_slice %arg9[%dma_wait3A_173] : memref<4x!tpu.dma_semaphore, #tpu.memory_space<semaphore_mem>> -> memref<1x!tpu.dma_semaphore, #tpu.memory_space<semaphore_mem>>
    %dma_wait3A_186 = tpu.memref_squeeze %dma_wait3A_185 : memref<1x!tpu.dma_semaphore, #tpu.memory_space<semaphore_mem>> -> memref<!tpu.dma_semaphore, #tpu.memory_space<semaphore_mem>>
    %dma_wait3A_187 = arith.constant 0 : i32
    %dma_wait3A_188 = arith.constant 0 : i32
    %dma_wait3A_189 = tpu.memref_slice %arg4[%add3A_141, %dma_wait3A_187, %dma_wait3A_188] : memref<16384x200x32xf32, #tpu.memory_space<hbm>> -> memref<1x200x32xf32, #tpu.memory_space<hbm>>
    %dma_wait3A_190 = tpu.memref_squeeze %dma_wait3A_189 : memref<1x200x32xf32, #tpu.memory_space<hbm>> -> memref<200x32xf32, #tpu.memory_space<hbm>>
    %dma_wait3A_191 = arith.constant 0 : i32
    %dma_wait3A_192 = arith.constant 0 : i32
    %dma_wait3A_193 = tpu.memref_slice %arg6[%dma_wait3A_172, %dma_wait3A_191, %dma_wait3A_192] : memref<4x800x32xf32, #tpu.memory_space<vmem>> -> memref<1x800x32xf32, #tpu.memory_space<vmem>>
    %dma_wait3A_194 = tpu.memref_squeeze %dma_wait3A_193 : memref<1x800x32xf32, #tpu.memory_space<vmem>> -> memref<800x32xf32, #tpu.memory_space<vmem>>
    %dma_wait3A_195 = arith.constant 200 : i32
    %dma_wait3A_196 = arith.constant 0 : i32
    %dma_wait3A_197 = tpu.memref_slice %dma_wait3A_194[%dma_wait3A_195, %dma_wait3A_196] : memref<800x32xf32, #tpu.memory_space<vmem>> -> memref<200x32xf32, #tpu.memory_space<vmem>>
    tpu.wait_dma2 semaphore(%dma_wait3A_186 : memref<!tpu.dma_semaphore, #tpu.memory_space<semaphore_mem>>) src(%dma_wait3A_197 : memref<200x32xf32, #tpu.memory_space<vmem>>) dst(%dma_wait3A_190 : memref<200x32xf32, #tpu.memory_space<hbm>>)
    %dma_wait3A_198 = arith.constant 2 : i32
    %dma_wait3A_199 = arith.constant 2 : i32
    %dma_wait3A_200 = arith.constant 0 : i32
    %dma_wait3A_201 = arith.constant 0 : i32
    %dma_wait3A_202 = tpu.memref_slice %arg6[%dma_wait3A_198, %dma_wait3A_200, %dma_wait3A_201] : memref<4x800x32xf32, #tpu.memory_space<vmem>> -> memref<1x800x32xf32, #tpu.memory_space<vmem>>
    %dma_wait3A_203 = tpu.memref_squeeze %dma_wait3A_202 : memref<1x800x32xf32, #tpu.memory_space<vmem>> -> memref<800x32xf32, #tpu.memory_space<vmem>>
    %dma_wait3A_204 = arith.constant 400 : i32
    %dma_wait3A_205 = arith.constant 0 : i32
    %dma_wait3A_206 = tpu.memref_slice %dma_wait3A_203[%dma_wait3A_204, %dma_wait3A_205] : memref<800x32xf32, #tpu.memory_space<vmem>> -> memref<200x32xf32, #tpu.memory_space<vmem>>
    %dma_wait3A_207 = arith.constant 0 : i32
    %dma_wait3A_208 = arith.constant 0 : i32
    %dma_wait3A_209 = tpu.memref_slice %arg4[%add3A_143, %dma_wait3A_207, %dma_wait3A_208] : memref<16384x200x32xf32, #tpu.memory_space<hbm>> -> memref<1x200x32xf32, #tpu.memory_space<hbm>>
    %dma_wait3A_210 = tpu.memref_squeeze %dma_wait3A_209 : memref<1x200x32xf32, #tpu.memory_space<hbm>> -> memref<200x32xf32, #tpu.memory_space<hbm>>
    %dma_wait3A_211 = tpu.memref_slice %arg9[%dma_wait3A_199] : memref<4x!tpu.dma_semaphore, #tpu.memory_space<semaphore_mem>> -> memref<1x!tpu.dma_semaphore, #tpu.memory_space<semaphore_mem>>
    %dma_wait3A_212 = tpu.memref_squeeze %dma_wait3A_211 : memref<1x!tpu.dma_semaphore, #tpu.memory_space<semaphore_mem>> -> memref<!tpu.dma_semaphore, #tpu.memory_space<semaphore_mem>>
    %dma_wait3A_213 = arith.constant 0 : i32
    %dma_wait3A_214 = arith.constant 0 : i32
    %dma_wait3A_215 = tpu.memref_slice %arg4[%add3A_143, %dma_wait3A_213, %dma_wait3A_214] : memref<16384x200x32xf32, #tpu.memory_space<hbm>> -> memref<1x200x32xf32, #tpu.memory_space<hbm>>
    %dma_wait3A_216 = tpu.memref_squeeze %dma_wait3A_215 : memref<1x200x32xf32, #tpu.memory_space<hbm>> -> memref<200x32xf32, #tpu.memory_space<hbm>>
    %dma_wait3A_217 = arith.constant 0 : i32
    %dma_wait3A_218 = arith.constant 0 : i32
    %dma_wait3A_219 = tpu.memref_slice %arg6[%dma_wait3A_198, %dma_wait3A_217, %dma_wait3A_218] : memref<4x800x32xf32, #tpu.memory_space<vmem>> -> memref<1x800x32xf32, #tpu.memory_space<vmem>>
    %dma_wait3A_220 = tpu.memref_squeeze %dma_wait3A_219 : memref<1x800x32xf32, #tpu.memory_space<vmem>> -> memref<800x32xf32, #tpu.memory_space<vmem>>
    %dma_wait3A_221 = arith.constant 400 : i32
    %dma_wait3A_222 = arith.constant 0 : i32
    %dma_wait3A_223 = tpu.memref_slice %dma_wait3A_220[%dma_wait3A_221, %dma_wait3A_222] : memref<800x32xf32, #tpu.memory_space<vmem>> -> memref<200x32xf32, #tpu.memory_space<vmem>>
    tpu.wait_dma2 semaphore(%dma_wait3A_212 : memref<!tpu.dma_semaphore, #tpu.memory_space<semaphore_mem>>) src(%dma_wait3A_223 : memref<200x32xf32, #tpu.memory_space<vmem>>) dst(%dma_wait3A_216 : memref<200x32xf32, #tpu.memory_space<hbm>>)
    %dma_wait3A_224 = arith.constant 2 : i32
    %dma_wait3A_225 = arith.constant 2 : i32
    %dma_wait3A_226 = arith.constant 0 : i32
    %dma_wait3A_227 = arith.constant 0 : i32
    %dma_wait3A_228 = tpu.memref_slice %arg6[%dma_wait3A_224, %dma_wait3A_226, %dma_wait3A_227] : memref<4x800x32xf32, #tpu.memory_space<vmem>> -> memref<1x800x32xf32, #tpu.memory_space<vmem>>
    %dma_wait3A_229 = tpu.memref_squeeze %dma_wait3A_228 : memref<1x800x32xf32, #tpu.memory_space<vmem>> -> memref<800x32xf32, #tpu.memory_space<vmem>>
    %dma_wait3A_230 = arith.constant 600 : i32
    %dma_wait3A_231 = arith.constant 0 : i32
    %dma_wait3A_232 = tpu.memref_slice %dma_wait3A_229[%dma_wait3A_230, %dma_wait3A_231] : memref<800x32xf32, #tpu.memory_space<vmem>> -> memref<200x32xf32, #tpu.memory_space<vmem>>
    %dma_wait3A_233 = arith.constant 0 : i32
    %dma_wait3A_234 = arith.constant 0 : i32
    %dma_wait3A_235 = tpu.memref_slice %arg4[%add3A_145, %dma_wait3A_233, %dma_wait3A_234] : memref<16384x200x32xf32, #tpu.memory_space<hbm>> -> memref<1x200x32xf32, #tpu.memory_space<hbm>>
    %dma_wait3A_236 = tpu.memref_squeeze %dma_wait3A_235 : memref<1x200x32xf32, #tpu.memory_space<hbm>> -> memref<200x32xf32, #tpu.memory_space<hbm>>
    %dma_wait3A_237 = tpu.memref_slice %arg9[%dma_wait3A_225] : memref<4x!tpu.dma_semaphore, #tpu.memory_space<semaphore_mem>> -> memref<1x!tpu.dma_semaphore, #tpu.memory_space<semaphore_mem>>
    %dma_wait3A_238 = tpu.memref_squeeze %dma_wait3A_237 : memref<1x!tpu.dma_semaphore, #tpu.memory_space<semaphore_mem>> -> memref<!tpu.dma_semaphore, #tpu.memory_space<semaphore_mem>>
    %dma_wait3A_239 = arith.constant 0 : i32
    %dma_wait3A_240 = arith.constant 0 : i32
    %dma_wait3A_241 = tpu.memref_slice %arg4[%add3A_145, %dma_wait3A_239, %dma_wait3A_240] : memref<16384x200x32xf32, #tpu.memory_space<hbm>> -> memref<1x200x32xf32, #tpu.memory_space<hbm>>
    %dma_wait3A_242 = tpu.memref_squeeze %dma_wait3A_241 : memref<1x200x32xf32, #tpu.memory_space<hbm>> -> memref<200x32xf32, #tpu.memory_space<hbm>>
    %dma_wait3A_243 = arith.constant 0 : i32
    %dma_wait3A_244 = arith.constant 0 : i32
    %dma_wait3A_245 = tpu.memref_slice %arg6[%dma_wait3A_224, %dma_wait3A_243, %dma_wait3A_244] : memref<4x800x32xf32, #tpu.memory_space<vmem>> -> memref<1x800x32xf32, #tpu.memory_space<vmem>>
    %dma_wait3A_246 = tpu.memref_squeeze %dma_wait3A_245 : memref<1x800x32xf32, #tpu.memory_space<vmem>> -> memref<800x32xf32, #tpu.memory_space<vmem>>
    %dma_wait3A_247 = arith.constant 600 : i32
    %dma_wait3A_248 = arith.constant 0 : i32
    %dma_wait3A_249 = tpu.memref_slice %dma_wait3A_246[%dma_wait3A_247, %dma_wait3A_248] : memref<800x32xf32, #tpu.memory_space<vmem>> -> memref<200x32xf32, #tpu.memory_space<vmem>>
    tpu.wait_dma2 semaphore(%dma_wait3A_238 : memref<!tpu.dma_semaphore, #tpu.memory_space<semaphore_mem>>) src(%dma_wait3A_249 : memref<200x32xf32, #tpu.memory_space<vmem>>) dst(%dma_wait3A_242 : memref<200x32xf32, #tpu.memory_space<hbm>>)
    %add3A_250 = arith.constant 101600 : i32
    %add3A_251 = arith.addi %mul3A_2, %add3A_250 : i32
    %jit3A_252 = arith.constant 200 : i32
    %div3A_253 = arith.divsi %add3A_251, %jit3A_252 : i32
    %sign3A_254 = arith.constant 0 : i32
    %sign3A_255 = arith.cmpi sgt, %add3A_251, %sign3A_254 : i32
    %sign3A_256 = arith.extui %sign3A_255 : i1 to i32
    %sign3A_257 = arith.constant 0 : i32
    %sign3A_258 = arith.cmpi slt, %add3A_251, %sign3A_257 : i32
    %sign3A_259 = arith.extui %sign3A_258 : i1 to i32
    %sign3A_260 = arith.subi %sign3A_256, %sign3A_259 : i32
    %sign3A_261 = arith.constant 0 : i32
    %sign3A_262 = arith.cmpi sgt, %jit3A_252, %sign3A_261 : i32
    %sign3A_263 = arith.extui %sign3A_262 : i1 to i32
    %sign3A_264 = arith.constant 0 : i32
    %sign3A_265 = arith.cmpi slt, %jit3A_252, %sign3A_264 : i32
    %sign3A_266 = arith.extui %sign3A_265 : i1 to i32
    %sign3A_267 = arith.subi %sign3A_263, %sign3A_266 : i32
    %ne3A_268 = arith.cmpi ne, %sign3A_260, %sign3A_267 : i32
    %rem3A_269 = arith.remsi %add3A_251, %jit3A_252 : i32
    %ne3A_270 = arith.constant 0 : i32
    %ne3A_271 = arith.cmpi ne, %rem3A_269, %ne3A_270 : i32
    %and3A_272 = arith.andi %ne3A_268, %ne3A_271 : i1
    %sub3A_273 = arith.constant 1 : i32
    %sub3A_274 = arith.subi %div3A_253, %sub3A_273 : i32
    %select_n3A_275 = arith.select %and3A_272, %sub3A_274, %div3A_253 : i32
    %add3A_276 = arith.constant 0 : i32
    %add3A_277 = arith.addi %select_n3A_275, %add3A_276 : i32
    %add3A_278 = arith.constant 1 : i32
    %add3A_279 = arith.addi %select_n3A_275, %add3A_278 : i32
    %add3A_280 = arith.constant 2 : i32
    %add3A_281 = arith.addi %select_n3A_275, %add3A_280 : i32
    %add3A_282 = arith.constant 3 : i32
    %add3A_283 = arith.addi %select_n3A_275, %add3A_282 : i32
    %dma_wait3A_284 = arith.constant 3 : i32
    %dma_wait3A_285 = arith.constant 3 : i32
    %dma_wait3A_286 = arith.constant 0 : i32
    %dma_wait3A_287 = arith.constant 0 : i32
    %dma_wait3A_288 = tpu.memref_slice %arg6[%dma_wait3A_284, %dma_wait3A_286, %dma_wait3A_287] : memref<4x800x32xf32, #tpu.memory_space<vmem>> -> memref<1x800x32xf32, #tpu.memory_space<vmem>>
    %dma_wait3A_289 = tpu.memref_squeeze %dma_wait3A_288 : memref<1x800x32xf32, #tpu.memory_space<vmem>> -> memref<800x32xf32, #tpu.memory_space<vmem>>
    %dma_wait3A_290 = arith.constant 0 : i32
    %dma_wait3A_291 = arith.constant 0 : i32
    %dma_wait3A_292 = tpu.memref_slice %dma_wait3A_289[%dma_wait3A_290, %dma_wait3A_291] : memref<800x32xf32, #tpu.memory_space<vmem>> -> memref<200x32xf32, #tpu.memory_space<vmem>>
    %dma_wait3A_293 = arith.constant 0 : i32
    %dma_wait3A_294 = arith.constant 0 : i32
    %dma_wait3A_295 = tpu.memref_slice %arg4[%add3A_277, %dma_wait3A_293, %dma_wait3A_294] : memref<16384x200x32xf32, #tpu.memory_space<hbm>> -> memref<1x200x32xf32, #tpu.memory_space<hbm>>
    %dma_wait3A_296 = tpu.memref_squeeze %dma_wait3A_295 : memref<1x200x32xf32, #tpu.memory_space<hbm>> -> memref<200x32xf32, #tpu.memory_space<hbm>>
    %dma_wait3A_297 = tpu.memref_slice %arg9[%dma_wait3A_285] : memref<4x!tpu.dma_semaphore, #tpu.memory_space<semaphore_mem>> -> memref<1x!tpu.dma_semaphore, #tpu.memory_space<semaphore_mem>>
    %dma_wait3A_298 = tpu.memref_squeeze %dma_wait3A_297 : memref<1x!tpu.dma_semaphore, #tpu.memory_space<semaphore_mem>> -> memref<!tpu.dma_semaphore, #tpu.memory_space<semaphore_mem>>
    %dma_wait3A_299 = arith.constant 0 : i32
    %dma_wait3A_300 = arith.constant 0 : i32
    %dma_wait3A_301 = tpu.memref_slice %arg4[%add3A_277, %dma_wait3A_299, %dma_wait3A_300] : memref<16384x200x32xf32, #tpu.memory_space<hbm>> -> memref<1x200x32xf32, #tpu.memory_space<hbm>>
    %dma_wait3A_302 = tpu.memref_squeeze %dma_wait3A_301 : memref<1x200x32xf32, #tpu.memory_space<hbm>> -> memref<200x32xf32, #tpu.memory_space<hbm>>
    %dma_wait3A_303 = arith.constant 0 : i32
    %dma_wait3A_304 = arith.constant 0 : i32
    %dma_wait3A_305 = tpu.memref_slice %arg6[%dma_wait3A_284, %dma_wait3A_303, %dma_wait3A_304] : memref<4x800x32xf32, #tpu.memory_space<vmem>> -> memref<1x800x32xf32, #tpu.memory_space<vmem>>
    %dma_wait3A_306 = tpu.memref_squeeze %dma_wait3A_305 : memref<1x800x32xf32, #tpu.memory_space<vmem>> -> memref<800x32xf32, #tpu.memory_space<vmem>>
    %dma_wait3A_307 = arith.constant 0 : i32
    %dma_wait3A_308 = arith.constant 0 : i32
    %dma_wait3A_309 = tpu.memref_slice %dma_wait3A_306[%dma_wait3A_307, %dma_wait3A_308] : memref<800x32xf32, #tpu.memory_space<vmem>> -> memref<200x32xf32, #tpu.memory_space<vmem>>
    tpu.wait_dma2 semaphore(%dma_wait3A_298 : memref<!tpu.dma_semaphore, #tpu.memory_space<semaphore_mem>>) src(%dma_wait3A_309 : memref<200x32xf32, #tpu.memory_space<vmem>>) dst(%dma_wait3A_302 : memref<200x32xf32, #tpu.memory_space<hbm>>)
    %dma_wait3A_310 = arith.constant 3 : i32
    %dma_wait3A_311 = arith.constant 3 : i32
    %dma_wait3A_312 = arith.constant 0 : i32
    %dma_wait3A_313 = arith.constant 0 : i32
    %dma_wait3A_314 = tpu.memref_slice %arg6[%dma_wait3A_310, %dma_wait3A_312, %dma_wait3A_313] : memref<4x800x32xf32, #tpu.memory_space<vmem>> -> memref<1x800x32xf32, #tpu.memory_space<vmem>>
    %dma_wait3A_315 = tpu.memref_squeeze %dma_wait3A_314 : memref<1x800x32xf32, #tpu.memory_space<vmem>> -> memref<800x32xf32, #tpu.memory_space<vmem>>
    %dma_wait3A_316 = arith.constant 200 : i32
    %dma_wait3A_317 = arith.constant 0 : i32
    %dma_wait3A_318 = tpu.memref_slice %dma_wait3A_315[%dma_wait3A_316, %dma_wait3A_317] : memref<800x32xf32, #tpu.memory_space<vmem>> -> memref<200x32xf32, #tpu.memory_space<vmem>>
    %dma_wait3A_319 = arith.constant 0 : i32
    %dma_wait3A_320 = arith.constant 0 : i32
    %dma_wait3A_321 = tpu.memref_slice %arg4[%add3A_279, %dma_wait3A_319, %dma_wait3A_320] : memref<16384x200x32xf32, #tpu.memory_space<hbm>> -> memref<1x200x32xf32, #tpu.memory_space<hbm>>
    %dma_wait3A_322 = tpu.memref_squeeze %dma_wait3A_321 : memref<1x200x32xf32, #tpu.memory_space<hbm>> -> memref<200x32xf32, #tpu.memory_space<hbm>>
    %dma_wait3A_323 = tpu.memref_slice %arg9[%dma_wait3A_311] : memref<4x!tpu.dma_semaphore, #tpu.memory_space<semaphore_mem>> -> memref<1x!tpu.dma_semaphore, #tpu.memory_space<semaphore_mem>>
    %dma_wait3A_324 = tpu.memref_squeeze %dma_wait3A_323 : memref<1x!tpu.dma_semaphore, #tpu.memory_space<semaphore_mem>> -> memref<!tpu.dma_semaphore, #tpu.memory_space<semaphore_mem>>
    %dma_wait3A_325 = arith.constant 0 : i32
    %dma_wait3A_326 = arith.constant 0 : i32
    %dma_wait3A_327 = tpu.memref_slice %arg4[%add3A_279, %dma_wait3A_325, %dma_wait3A_326] : memref<16384x200x32xf32, #tpu.memory_space<hbm>> -> memref<1x200x32xf32, #tpu.memory_space<hbm>>
    %dma_wait3A_328 = tpu.memref_squeeze %dma_wait3A_327 : memref<1x200x32xf32, #tpu.memory_space<hbm>> -> memref<200x32xf32, #tpu.memory_space<hbm>>
    %dma_wait3A_329 = arith.constant 0 : i32
    %dma_wait3A_330 = arith.constant 0 : i32
    %dma_wait3A_331 = tpu.memref_slice %arg6[%dma_wait3A_310, %dma_wait3A_329, %dma_wait3A_330] : memref<4x800x32xf32, #tpu.memory_space<vmem>> -> memref<1x800x32xf32, #tpu.memory_space<vmem>>
    %dma_wait3A_332 = tpu.memref_squeeze %dma_wait3A_331 : memref<1x800x32xf32, #tpu.memory_space<vmem>> -> memref<800x32xf32, #tpu.memory_space<vmem>>
    %dma_wait3A_333 = arith.constant 200 : i32
    %dma_wait3A_334 = arith.constant 0 : i32
    %dma_wait3A_335 = tpu.memref_slice %dma_wait3A_332[%dma_wait3A_333, %dma_wait3A_334] : memref<800x32xf32, #tpu.memory_space<vmem>> -> memref<200x32xf32, #tpu.memory_space<vmem>>
    tpu.wait_dma2 semaphore(%dma_wait3A_324 : memref<!tpu.dma_semaphore, #tpu.memory_space<semaphore_mem>>) src(%dma_wait3A_335 : memref<200x32xf32, #tpu.memory_space<vmem>>) dst(%dma_wait3A_328 : memref<200x32xf32, #tpu.memory_space<hbm>>)
    %dma_wait3A_336 = arith.constant 3 : i32
    %dma_wait3A_337 = arith.constant 3 : i32
    %dma_wait3A_338 = arith.constant 0 : i32
    %dma_wait3A_339 = arith.constant 0 : i32
    %dma_wait3A_340 = tpu.memref_slice %arg6[%dma_wait3A_336, %dma_wait3A_338, %dma_wait3A_339] : memref<4x800x32xf32, #tpu.memory_space<vmem>> -> memref<1x800x32xf32, #tpu.memory_space<vmem>>
    %dma_wait3A_341 = tpu.memref_squeeze %dma_wait3A_340 : memref<1x800x32xf32, #tpu.memory_space<vmem>> -> memref<800x32xf32, #tpu.memory_space<vmem>>
    %dma_wait3A_342 = arith.constant 400 : i32
    %dma_wait3A_343 = arith.constant 0 : i32
    %dma_wait3A_344 = tpu.memref_slice %dma_wait3A_341[%dma_wait3A_342, %dma_wait3A_343] : memref<800x32xf32, #tpu.memory_space<vmem>> -> memref<200x32xf32, #tpu.memory_space<vmem>>
    %dma_wait3A_345 = arith.constant 0 : i32
    %dma_wait3A_346 = arith.constant 0 : i32
    %dma_wait3A_347 = tpu.memref_slice %arg4[%add3A_281, %dma_wait3A_345, %dma_wait3A_346] : memref<16384x200x32xf32, #tpu.memory_space<hbm>> -> memref<1x200x32xf32, #tpu.memory_space<hbm>>
    %dma_wait3A_348 = tpu.memref_squeeze %dma_wait3A_347 : memref<1x200x32xf32, #tpu.memory_space<hbm>> -> memref<200x32xf32, #tpu.memory_space<hbm>>
    %dma_wait3A_349 = tpu.memref_slice %arg9[%dma_wait3A_337] : memref<4x!tpu.dma_semaphore, #tpu.memory_space<semaphore_mem>> -> memref<1x!tpu.dma_semaphore, #tpu.memory_space<semaphore_mem>>
    %dma_wait3A_350 = tpu.memref_squeeze %dma_wait3A_349 : memref<1x!tpu.dma_semaphore, #tpu.memory_space<semaphore_mem>> -> memref<!tpu.dma_semaphore, #tpu.memory_space<semaphore_mem>>
    %dma_wait3A_351 = arith.constant 0 : i32
    %dma_wait3A_352 = arith.constant 0 : i32
    %dma_wait3A_353 = tpu.memref_slice %arg4[%add3A_281, %dma_wait3A_351, %dma_wait3A_352] : memref<16384x200x32xf32, #tpu.memory_space<hbm>> -> memref<1x200x32xf32, #tpu.memory_space<hbm>>
    %dma_wait3A_354 = tpu.memref_squeeze %dma_wait3A_353 : memref<1x200x32xf32, #tpu.memory_space<hbm>> -> memref<200x32xf32, #tpu.memory_space<hbm>>
    %dma_wait3A_355 = arith.constant 0 : i32
    %dma_wait3A_356 = arith.constant 0 : i32
    %dma_wait3A_357 = tpu.memref_slice %arg6[%dma_wait3A_336, %dma_wait3A_355, %dma_wait3A_356] : memref<4x800x32xf32, #tpu.memory_space<vmem>> -> memref<1x800x32xf32, #tpu.memory_space<vmem>>
    %dma_wait3A_358 = tpu.memref_squeeze %dma_wait3A_357 : memref<1x800x32xf32, #tpu.memory_space<vmem>> -> memref<800x32xf32, #tpu.memory_space<vmem>>
    %dma_wait3A_359 = arith.constant 400 : i32
    %dma_wait3A_360 = arith.constant 0 : i32
    %dma_wait3A_361 = tpu.memref_slice %dma_wait3A_358[%dma_wait3A_359, %dma_wait3A_360] : memref<800x32xf32, #tpu.memory_space<vmem>> -> memref<200x32xf32, #tpu.memory_space<vmem>>
    tpu.wait_dma2 semaphore(%dma_wait3A_350 : memref<!tpu.dma_semaphore, #tpu.memory_space<semaphore_mem>>) src(%dma_wait3A_361 : memref<200x32xf32, #tpu.memory_space<vmem>>) dst(%dma_wait3A_354 : memref<200x32xf32, #tpu.memory_space<hbm>>)
    %dma_wait3A_362 = arith.constant 3 : i32
    %dma_wait3A_363 = arith.constant 3 : i32
    %dma_wait3A_364 = arith.constant 0 : i32
    %dma_wait3A_365 = arith.constant 0 : i32
    %dma_wait3A_366 = tpu.memref_slice %arg6[%dma_wait3A_362, %dma_wait3A_364, %dma_wait3A_365] : memref<4x800x32xf32, #tpu.memory_space<vmem>> -> memref<1x800x32xf32, #tpu.memory_space<vmem>>
    %dma_wait3A_367 = tpu.memref_squeeze %dma_wait3A_366 : memref<1x800x32xf32, #tpu.memory_space<vmem>> -> memref<800x32xf32, #tpu.memory_space<vmem>>
    %dma_wait3A_368 = arith.constant 600 : i32
    %dma_wait3A_369 = arith.constant 0 : i32
    %dma_wait3A_370 = tpu.memref_slice %dma_wait3A_367[%dma_wait3A_368, %dma_wait3A_369] : memref<800x32xf32, #tpu.memory_space<vmem>> -> memref<200x32xf32, #tpu.memory_space<vmem>>
    %dma_wait3A_371 = arith.constant 0 : i32
    %dma_wait3A_372 = arith.constant 0 : i32
    %dma_wait3A_373 = tpu.memref_slice %arg4[%add3A_283, %dma_wait3A_371, %dma_wait3A_372] : memref<16384x200x32xf32, #tpu.memory_space<hbm>> -> memref<1x200x32xf32, #tpu.memory_space<hbm>>
    %dma_wait3A_374 = tpu.memref_squeeze %dma_wait3A_373 : memref<1x200x32xf32, #tpu.memory_space<hbm>> -> memref<200x32xf32, #tpu.memory_space<hbm>>
    %dma_wait3A_375 = tpu.memref_slice %arg9[%dma_wait3A_363] : memref<4x!tpu.dma_semaphore, #tpu.memory_space<semaphore_mem>> -> memref<1x!tpu.dma_semaphore, #tpu.memory_space<semaphore_mem>>
    %dma_wait3A_376 = tpu.memref_squeeze %dma_wait3A_375 : memref<1x!tpu.dma_semaphore, #tpu.memory_space<semaphore_mem>> -> memref<!tpu.dma_semaphore, #tpu.memory_space<semaphore_mem>>
    %dma_wait3A_377 = arith.constant 0 : i32
    %dma_wait3A_378 = arith.constant 0 : i32
    %dma_wait3A_379 = tpu.memref_slice %arg4[%add3A_283, %dma_wait3A_377, %dma_wait3A_378] : memref<16384x200x32xf32, #tpu.memory_space<hbm>> -> memref<1x200x32xf32, #tpu.memory_space<hbm>>
    %dma_wait3A_380 = tpu.memref_squeeze %dma_wait3A_379 : memref<1x200x32xf32, #tpu.memory_space<hbm>> -> memref<200x32xf32, #tpu.memory_space<hbm>>
    %dma_wait3A_381 = arith.constant 0 : i32
    %dma_wait3A_382 = arith.constant 0 : i32
    %dma_wait3A_383 = tpu.memref_slice %arg6[%dma_wait3A_362, %dma_wait3A_381, %dma_wait3A_382] : memref<4x800x32xf32, #tpu.memory_space<vmem>> -> memref<1x800x32xf32, #tpu.memory_space<vmem>>
    %dma_wait3A_384 = tpu.memref_squeeze %dma_wait3A_383 : memref<1x800x32xf32, #tpu.memory_space<vmem>> -> memref<800x32xf32, #tpu.memory_space<vmem>>
    %dma_wait3A_385 = arith.constant 600 : i32
    %dma_wait3A_386 = arith.constant 0 : i32
    %dma_wait3A_387 = tpu.memref_slice %dma_wait3A_384[%dma_wait3A_385, %dma_wait3A_386] : memref<800x32xf32, #tpu.memory_space<vmem>> -> memref<200x32xf32, #tpu.memory_space<vmem>>
    tpu.wait_dma2 semaphore(%dma_wait3A_376 : memref<!tpu.dma_semaphore, #tpu.memory_space<semaphore_mem>>) src(%dma_wait3A_387 : memref<200x32xf32, #tpu.memory_space<vmem>>) dst(%dma_wait3A_380 : memref<200x32xf32, #tpu.memory_space<hbm>>)
    return
  }
}

</mosaic_0001>

<sc_bundles>
// kernel: kernel.3.cloned.1.call-start
scs
__scs_entry_jumppad:
0x0: {  	(pc) =	sbr.rel $0x88, $3  }
0x1: {  	(tag) =	ssettag $0x0;
	lr =	simm.s32 $0x1  }
0x2: {  	[smem:$0x3F9F] =	sst lr;
	_ =	strace $0xD0000000  }
0x3: {  	_ = 	snop  }
0x4: {  	_ = 	snop  }
0x5: {  	_ = 	snop  }
0x6: {  	_ = 	snop  }
0x7: {  	_ = 	snop  }
__scs_overlays_trampoline_lowered:
0x8: {  	[smem:$0x3FAE] =	sst s0  }
0x9: {  	[smem:$0x3FAF] =	sst s1  }
0xa: {  	[smem:$0x3FB0] =	sst s2  }
0xb: {  	[smem:$0x3FB1] =	sst s3  }
0xc: {  	[smem:$0x3FB2] =	sst s4  }
0xd: {  	[smem:$0x3FB3] =	sst s5  }
0xe: {  	[smem:$0x3FB4] =	sst s6  }
0xf: {  	[smem:$0x3FB5] =	sst s7  }
0x10: {  	[smem:$0x3FB6] =	sst s8  }
0x11: {  	[smem:$0x3FB7] =	sst s9;
	s0 =	simm.s32 @!p0 $0x0  }
0x12: {  	s1 =	sld [smem:$0x3F9D];
	s0 =	simm.s32 @p0 $0x1  }
0x13: {  	[smem:$0x3FB8] =	sst s0;
	s0 =	simm.s32 @!p1 $0x0  }
0x14: {  	s2 =	sld [smem:$0x3F9C];
	s0 =	simm.s32 @p1 $0x1  }
0x15: {  	[smem:$0x3FB9] =	sst s0;
	s0 =	simm.s32 @!p2 $0x0  }
0x16: {  	s3 =	sld [smem:$0x3FDB];
	s0 =	simm.s32 @p2 $0x1  }
0x17: {  	s4 =	simm.s32 $0x1BF5;
	[smem:$0x3FBB] =	sst s0  }
0x18: {  	s0 =	sld [smem:$0x3F9E];
	_ =	swait.ge [sflag:s4], $0x0  }
0x19: {  	s7 =	sld [smem:$0x3F9F]  }
0x1a: {  	s8 =	sadd.s32 $0xFFFFE003, lr  }
0x1b: {  	s9 =	sadd.s32 $0xFFFFFEF7, lr;
	s5 =	simm.s32 $0xFFFFFFFF;
	p2 =	slt.u32 s8, $0xFFFFF086  }
0x1c: {  	p1 =	slt.u32 s9, $0xF7A;
	s5 =	simm.s32 @!p2 $0x0  }
0x1d: {  	s5 =	simm.s32 @p1 $0x1;
	p0 =	seq.s32 s7, s2  }
0x1e: {  	s7 =	smul.u32 @!p0 $0xF7A, s2;
	p2 =	seq.s32 @!p0 s5, $0x0  }
0x1f: {  	s9 =	smul.u32 $0xF7A, s1;
	s8 =	simm.s32 @!p0 $0x1BF5;
	p2 =	por !p2, p0  }
0x20: {  	[sflag:s8] =	ssyncset.s32 @!p0 $0xFFFFF086;
	s6 =	sadd.s32 @!p0 s3, s7;
	s7 =	simm.s32 @!p0 $0x108  }
0x21: {  	s3 =	sadd.s32 s3, s9;
	s6 =	sadd.s32 @!p0 $0x88, s6;
	s7 =	simm.s32 @p2 $0x1082  }
0x22: {  	[simem:s7], [sflag:s8] =	dma.local @!p0 [hbm:s6], $0xF7A  }
0x23: {  	s9 =	sor.u32 $0xD0000000, s2;
	s6 =	simm.s32 $0x108;
	_ =	swait.ge @!p0 [sflag:s8], $0x0  }
0x24: {  	s3 =	sadd.s32 $0x88, s3;
	s6 =	simm.s32 @!p1 $0x1082;
	[sflag:s4] =	ssyncset.s32 $0xFFFFF086  }
0x25: {  	[simem:s6], [sflag:s4] =	dma.local [hbm:s3], $0xF7A  }
0x26: {  	[smem:$0x3F9F] =	sst s1;
	(tag) =	ssettag s2;
	_ =	strace s9  }
0x27: {  	s1 =	sld [smem:$0x3FAF]  }
0x28: {  	s2 =	sld [smem:$0x3FB0]  }
0x29: {  	s4 =	sld [smem:$0x3FB2]  }
0x2a: {  	p0 =	seq.s32 s5, $0x0;
	s5 =	sld [smem:$0x3FB3]  }
0x2b: {  	s6 =	sld [smem:$0x3FB4]  }
0x2c: {  	s7 =	sld [smem:$0x3FB5]  }
0x2d: {  	s3 =	simm.s32 $0x108;
	s8 =	sld [smem:$0x3FB6]  }
0x2e: {  	s3 =	simm.s32 @!p0 $0x1082;
	s9 =	sld [smem:$0x3FB7]  }
0x2f: {  	lr =	sadd.s32 s0, s3;
	s0 =	sld [smem:$0x3FAE]  }
0x30: {  	s3 =	sld [smem:$0x3FB1]  }
0x31: {  	[smem:$0x3FBA] =	sst s10  }
0x32: {  	s10 =	sld [smem:$0x3FB8];
	_ =	sdelay $0x3  }
0x33: {  	p0 =	seq.s32 s10, $0x1;
	s10 =	sld [smem:$0x3FBA];
	_ =	sdelay $0x3  }
0x34: {  	[smem:$0x3FBA] =	sst s10  }
0x35: {  	s10 =	sld [smem:$0x3FB9];
	_ =	sdelay $0x3  }
0x36: {  	p1 =	seq.s32 s10, $0x1;
	s10 =	sld [smem:$0x3FBA];
	_ =	sdelay $0x3  }
0x37: {  	[smem:$0x3FBA] =	sst s10  }
0x38: {  	s10 =	sld [smem:$0x3FBB]  }
0x39: {  	_ = 	snop;
	(pc) =	sbr.ind lr, $3  }
0x3a: {  	_ = 	snop  }
0x3b: {  	_ = 	snop  }
0x3c: {  	p2 =	seq.s32 s10, $0x1;
	s10 =	sld [smem:$0x3FBA]  }
0x3d: {  	_ =	shalt  }
0x3e: {  	_ =	shalt  }
0x3f: {  	_ =	shalt  }
0x40: {  	_ =	shalt  }
0x41: {  	_ =	shalt  }
0x42: {  	_ =	shalt  }
0x43: {  	_ =	shalt  }
0x44: {  	_ =	shalt  }
0x45: {  	_ =	shalt  }
0x46: {  	_ =	shalt  }
0x47: {  	_ =	shalt  }
0x48: {  	_ =	shalt  }
0x49: {  	_ =	shalt  }
0x4a: {  	_ =	shalt  }
0x4b: {  	_ =	shalt  }
0x4c: {  	_ =	shalt  }
0x4d: {  	_ =	shalt  }
0x4e: {  	_ =	shalt  }
0x4f: {  	_ =	shalt  }
0x50: {  	_ =	shalt  }
0x51: {  	_ =	shalt  }
0x52: {  	_ =	shalt  }
0x53: {  	_ =	shalt  }
0x54: {  	_ =	shalt  }
0x55: {  	_ =	shalt  }
0x56: {  	_ =	shalt  }
0x57: {  	_ =	shalt  }
0x58: {  	_ =	shalt  }
0x59: {  	_ =	shalt  }
0x5a: {  	_ =	shalt  }
0x5b: {  	_ =	shalt  }
0x5c: {  	_ =	shalt  }
0x5d: {  	_ =	shalt  }
0x5e: {  	_ =	shalt  }
0x5f: {  	_ =	shalt  }
0x60: {  	_ =	shalt  }
0x61: {  	_ =	shalt  }
0x62: {  	_ =	shalt  }
0x63: {  	_ =	shalt  }
0x64: {  	_ =	shalt  }
0x65: {  	_ =	shalt  }
0x66: {  	_ =	shalt  }
0x67: {  	_ =	shalt  }
0x68: {  	_ =	shalt  }
0x69: {  	_ =	shalt  }
0x6a: {  	_ =	shalt  }
0x6b: {  	_ =	shalt  }
0x6c: {  	_ =	shalt  }
0x6d: {  	_ =	shalt  }
0x6e: {  	_ =	shalt  }
0x6f: {  	_ =	shalt  }
0x70: {  	_ =	shalt  }
0x71: {  	_ =	shalt  }
0x72: {  	_ =	shalt  }
0x73: {  	_ =	shalt  }
0x74: {  	_ =	shalt  }
0x75: {  	_ =	shalt  }
0x76: {  	_ =	shalt  }
0x77: {  	_ =	shalt  }
0x78: {  	_ =	shalt  }
0x79: {  	_ =	shalt  }
0x7a: {  	_ =	shalt  }
0x7b: {  	_ =	shalt  }
0x7c: {  	_ =	shalt  }
0x7d: {  	_ =	shalt  }
0x7e: {  	_ =	shalt  }
0x7f: {  	_ =	shalt  }
0x80: {  	_ =	shalt  }
0x81: {  	_ =	shalt  }
0x82: {  	_ =	shalt  }
0x83: {  	_ =	shalt  }
0x84: {  	_ =	shalt  }
0x85: {  	_ =	shalt  }
0x86: {  	_ =	shalt  }
0x87: {  	_ =	shalt  }
.Lfunc_end0:
.L_simem_size_0:
called_computation.1_lowered:
.L_overlay_start_0:
0x88: {  	s2 =	sld [smem:$0x3FD9]  }
0x89: {  	s3 =	sld [smem:$0x3FFE];
	_ =	sdelay $0x1  }
0x8a: {  	s1 =	srdreg.scid  }
0x8b: {  	s0 =	sand.u32 $0x1, s1  }
0x8c: {  	s17 =	sshll.u32 s0, $0xA;
	s2 =	sadd.s32 s3, s2  }
0x8d: {  	s2 =	sadd.s32 s2, s17  }
0x8e: {  	[smem:$0x3FC6] =	sst s2  }
0x8f: {  	_ = 	snop  }
0x90: {  	s2 =	sld [smem:$0x3FD0];
	(tm) =	ssettm $0x1  }
0x91: {  	s18 =	sld [smem:$0x3FFB];
	_ =	sdelay $0x3  }
0x92: {  	_ =	strace s18  }
0x93: {  	s3 =	sld [smem:$0x3FFC];
	_ =	sdelay $0x3  }
0x94: {  	_ =	strace s3  }
0x95: {  	s3 =	sld [smem:$0x3FFD];
	_ =	sdelay $0x3  }
0x96: {  	_ =	strace s3  }
0x97: {  	_ =	strace $0x8FFFFFFF  }
0x98: {  	s19 =	sld [smem:$0x3FDB];
	_ =	sdelay $0x1  }
0x99: {  	s4 =	simm.s32 $_scs_section_size  }
0x9a: {  	s5 =	simm.s32 $_size__tile_overlayer_lowered;
	s6 =	simm.s32 $_tile_overlayer_lowered  }
0x9b: {  	s22 =	simm.s32 $0x1BFF;
	s21 =	sshll.u32 s6, $0x1;
	s3 =	sadd.s32 s4, s19  }
0x9c: {  	s7 =	simm.s32 $0x0;
	s20 =	sshll.u32 s5, $0x1;
	s5 =	sadd.s32 s21, s3  }
0x9d: {  	[timem:s7], [sflag:s22] =	dma.local [hbm:s5], s20  }
0x9e: {  	_ =	swait.ge [sflag:s22], s20  }
0x9f: {  	s4 =	ssub.s32 $0x0, s20;
	[sflag:s22] =	ssyncset.done $0x0  }
0xa0: {  	[sflag:s22] =	ssyncadd.s32 s4;
	_ =	sdelay $0x1  }
0xa1: {  	s23 =	simm.s32 $0x1B8B  }
0xa2: {  	_ =	swait.ge [sflag:s23], $0x1  }
0xa3: {  	[sflag:s23] =	ssyncset.done $0x0  }
0xa4: {  	s25 =	simm.s32 $0x1B8E;
	s24 =	sld [smem:$0x3FFE];
	[sflag:s23] =	ssyncadd.s32 $0xFFFFFFFF  }
0xa5: {  	s26 =	simm.s32 $execute0_lowered;
	[smem:$0x3FD2] =	sst s25  }
0xa6: {  	s5 =	sshll.u32 s26, $0x1;
	_ =	strace $0x80000046;
	[dreg:$0x1] =	wrdreg $0xFFFFFFFF  }
0xa7: {  	s28 =	simm.s32 $_size_execute0_lowered;
	s3 =	sadd.s32 s3, s5;
	[dreg:$0x0] =	wrdreg $0x0  }
0xa8: {  	s5 =	sshll.u32 s28, $0x1;
	[dreg:$0x2] =	wrdreg s3  }
0xa9: {  	[dreg:$0x3] =	wrdreg s5  }
0xaa: {  	[dreg:$0x4] =	wrdreg $0xC0  }
0xab: {  	_ =	task [dreg:s7], $0x5FFFF  }
0xac: {  	[dreg:$0x1] =	wrdreg $0xFFFFFFFF  }
0xad: {  	[dreg:$0x0] =	wrdreg $0x60  }
0xae: {  	[dreg:$0x2] =	wrdreg s24  }
0xaf: {  	[dreg:$0x3] =	wrdreg s2  }
0xb0: {  	[dreg:$0x4] =	wrdreg $0x9  }
0xb1: {  	_ =	task.clear_ibuf [dreg:s7], $0x5FFFF;
	_ =	strace $0x90000046  }
0xb2: {  	s29 =	simm.s32 $0x9;
	_ =	strace $0x80000048  }
0xb3: {  	_ =	swait.ge [sflag:s29], $0x1  }
0xb4: {  	[sflag:s29] =	ssyncadd.s32 $0xFFFFFFFF  }
0xb5: {  	_ =	strace $0x90000048  }
0xb6: {  	_ =	sfence  }
0xb7: {  	s30 =	sld [smem:$0x0];
	_ =	sdelay $0x2  }
0xb8: {  	s31 =	sshll.u32 s1, $0xD;
	s1 =	sshrl.u32 s1, $0x2  }
0xb9: {  	s3 =	sand.u32 $0x4000, s31;
	s1 =	sadd.s32 s1, s30  }
0xba: {  	s0 =	sor.u32 s3, s0;
	s1 =	sshll.u32 s1, $0x11  }
0xbb: {  	s0 =	sor.u32 s1, s0  }
0xbc: {  	s0 =	sadd.s32 $0x8F2B, s0  }
0xbd: {  	[sflag:s0] =	ssyncadd.remote.s32 $0x1  }
0xbe: {  	_ =	sfence.sel $0xFFFF  }
0xbf: {  	[dreg:$0x0] =	wrdreg $0xFFFFFFFF;
	(pc) =	sbr.abs _section_cstart, $3  }
0xc0: {  	[dreg:$0x1] =	wrdreg $0xFFFFFFFF  }
0xc1: {  	_ =	task.clear_ibuf [dreg:s7], $0x2FFFF;
	_ =	strace $0x9FFFFFFF  }
0xc2: {  	(tm) =	ssettm $0x7FFFFFFF  }
0xc3: {  	_ =	shalt  }
tec
execute0_lowered:
.L_overlay_start_1:
0x0: {  	(tag) =	ssettag $0x1  }
0x1: {  	s0 =	srdreg.scid;
	s1 =	rddreg [dreg:$0x0]  }
0x2: {  	s6 =	stileid.u32;
	s4 =	rddreg [dreg:$0x1]  }
0x3: {  	s17 =	simm.s32 $0x320;
	s31 =	simm.s32 $0x6;
	s11 =	simm.s32 $0xED80  }
0x4: {  	s13 =	simm.s32 $0x11F80;
	s15 =	simm.s32 $0x8;
	s18 =	simm.s32 $0x18380  }
0x5: {  	s0 =	sand.u32 $0x1, s0;
	s2 =	sshll.u32 s6, $0x1;
	s6 =	smul.u32 $0x32000, s6  }
0x6: {  	s3 =	sor.u32 s0, s2;
	s2 =	simm.s32 $0x0;
	s7 =	smul.u32 $0x19000, s0  }
0x7: {  	s0 =	ssub.s32 $0x2, s0;
	s5 =	smul.u32 $0x19000, s3;
	[smem:$0x7FF] =	sst s2  }
0x8: {  	s3 =	sadd.s32 $0xFA6C00, s1;
	s1 =	sadd.s32 $0x800, s1;
	s8 =	sshrl.u32 s0, $0x1  }
0x9: {  	_ =	strace $0x80000047;
	s6 =	sadd.s32 s7, s6;
	s0 =	ssub.s32 s0, s8  }
0xa: {  	s5 =	sshrl.u32 s5, $0x3;
	s21 =	sor.u32 $0x960, s6;
	s23 =	sor.u32 $0x640, s6  }
0xb: {  	s0 =	smax.u32 s0, $0x1;
	s24 =	sor.u32 $0xC80, s6;
	s25 =	sor.u32 $0x320, s6  }
0xc: {  	s26 =	sadd.s32 $0x15E0, s6;
	s28 =	smulhi.u32 $0x147AE15, s6;
	s29 =	sadd.s32 $0x12C0, s6  }
0xd: {  	s6 =	sor.u32 $0xFA0, s6;
	s20 =	sadd.s32 s1, s5;
	s5 =	smulhi.u32 $0x147AE15, s21  }
0xe: {  	s7 =	smulhi.u32 $0x147AE15, s23;
	[dreg:$0x7] =	wrdreg s0;
	s0 =	sshrl.u32 s24, $0x3  }
0xf: {  	s30 =	sshrl.u32 s6, $0x3;
	s22 =	sadd.s32 $0x64, s20;
	[dreg:$0x3] =	wrdreg s20  }
0x10: {  	s24 =	simm.s32 $0x5;
	s9 =	sadd.s32 $0xC8, s20;
	[dreg:$0x4] =	wrdreg s22  }
0x11: {  	s8 =	sadd.s32 $0x12C, s20;
	[dreg:$0x5] =	wrdreg s9;
	s5 =	smul.u32 $0x320, s5  }
0x12: {  	s0 =	sadd.s32 s0, s1;
	[dreg:$0x6] =	wrdreg s8;
	s7 =	smul.u32 $0x320, s7  }
0x13: {  	s20 =	simm.s32 $0x15180;
	[dreg:$0x8] =	wrdreg s0;
	s8 =	smulhi.u32 $0x147AE15, s25  }
0x14: {  	s0 =	sshrl.u32 s26, $0x3;
	s25 =	simm.s32 $0x3;
	s26 =	simm.s32 $0xD480  }
0x15: {  	s9 =	simm.s32 $0x7;
	s22 =	simm.s32 $0x16A80;
	s8 =	smul.u32 $0x320, s8  }
0x16: {  	s0 =	sadd.s32 s0, s1;
	s10 =	sadd.s32 s5, s4;
	s5 =	smul.u32 $0x320, s28  }
.Ltmp0:
0x17: {  	[dreg:$0x9] =	wrdreg s0;
	s0 =	sshrl.u32 s29, $0x3;
	(pc) =	sbr.rel .LBB2_1-.Ltmp0, $4  }
0x18: {  	s12 =	sadd.s32 s7, s4;
	s7 =	simm.s32 $0x0;
	s0 =	sadd.s32 s0, s1  }
0x19: {  	[dreg:$0xa] =	wrdreg s0;
	s14 =	sadd.s32 s8, s4;
	s0 =	sadd.s32 s30, s1  }
0x1a: {  	s16 =	sadd.s32 s5, s4;
	s1 =	simm.s32 $0x4;
	s5 =	simm.s32 $0x13880  }
0x1b: {  	s4 =	simm.s32 $0x10680;
	[dreg:$0xb] =	wrdreg s0;
	s0 =	simm.s32 $0xC  }
.LBB2_7:
0x1c: {  	s6 =	simm.s32 $0xB  }
0x1d: {  	_ =	swait.ge [sflag:s6], $0x1900  }
0x1e: {  	[sflag:s6] =	ssyncset.done $0x0  }
0x1f: {  	[sflag:s6] =	ssyncadd.s32 $0xFFFFE700  }
0x20: {  	_ =	swait.ge [sflag:s6], $0x1900  }
0x21: {  	[sflag:s6] =	ssyncset.done $0x0  }
0x22: {  	[sflag:s6] =	ssyncadd.s32 $0xFFFFE700  }
0x23: {  	_ =	swait.ge [sflag:s6], $0x1900  }
0x24: {  	[sflag:s6] =	ssyncset.done $0x0  }
0x25: {  	[sflag:s6] =	ssyncadd.s32 $0xFFFFE700  }
0x26: {  	_ =	swait.ge [sflag:s6], $0x1900  }
0x27: {  	[sflag:s6] =	ssyncset.done $0x0  }
0x28: {  	[sflag:s6] =	ssyncadd.s32 $0xFFFFE700  }
0x29: {  	_ =	swait.ge [sflag:s0], $0x1900  }
0x2a: {  	[sflag:s0] =	ssyncset.done $0x0  }
0x2b: {  	[sflag:s0] =	ssyncadd.s32 $0xFFFFE700  }
0x2c: {  	_ =	swait.ge [sflag:s0], $0x1900  }
0x2d: {  	[sflag:s0] =	ssyncset.done $0x0  }
0x2e: {  	[sflag:s0] =	ssyncadd.s32 $0xFFFFE700  }
0x2f: {  	_ =	swait.ge [sflag:s0], $0x1900  }
0x30: {  	[sflag:s0] =	ssyncset.done $0x0  }
0x31: {  	[sflag:s0] =	ssyncadd.s32 $0xFFFFE700  }
0x32: {  	_ =	swait.ge [sflag:s0], $0x1900  }
0x33: {  	s7 =	rddreg [dreg:$0xc]  }
0x34: {  	s30 =	rddreg [dreg:$0x7];
	s7 =	sadd.s32 $0x1, s7  }
0x35: {  	p0 =	sne.s32 s7, s30  }
.Ltmp1:
0x36: {  	_ = 	snop;
	(pc) =	sbr.rel @!p0 .LBB2_8-.Ltmp1, $3  }
0x37: {  	_ =	sdelay $0x1  }
0x38: {  	[sflag:s0] =	ssyncset.done $0x0  }
0x39: {  	[sflag:s0] =	ssyncadd.s32 $0xFFFFE700  }
.LBB2_1:
0x3a: {  	[dreg:$0xc] =	wrdreg s7  }
0x3b: {  	s6 =	rddreg [dreg:$0x3]  }
0x3c: {  	[tilespmem:s2], [sflag:$0x1] =	stream.linear.gather [hbm4b:s6+s2], $0x320, $0x38;
	[tilespmem:$0x19C80] =	vst v63  }
0x3d: {  	s7 =	rddreg [dreg:$0x4]  }
0x3e: {  	[tilespmem:s17], [sflag:$0x2] =	stream.linear.gather [hbm4b:s7+s2], $0x320, $0x38;
	[tilespmem:$0x19C80] =	vst v63  }
0x3f: {  	s8 =	rddreg [dreg:$0x5];
	s19 =	simm.s32 $0x640  }
0x40: {  	[tilespmem:s19], [sflag:$0x3] =	stream.linear.gather [hbm4b:s8+s2], $0x320, $0x38;
	[tilespmem:$0x19C80] =	vst v63  }
0x41: {  	s21 =	rddreg [dreg:$0x6];
	s23 =	simm.s32 $0x960;
	s8 =	simm.s32 $0x1  }
0x42: {  	[tilespmem:s23], [sflag:$0x4] =	stream.linear.gather [hbm4b:s21+s2], $0x320, $0x38;
	[tilespmem:$0x19C80] =	vst v63  }
0x43: {  	_ =	swait.ge [sflag:s8], $0x320  }
0x44: {  	[sflag:s8] =	ssyncset.done $0x0  }
0x45: {  	s19 =	simm.s32 $0xC80;
	s21 =	simm.s32 $0x2;
	[sflag:s8] =	ssyncadd.s32 $0xFFFFFCE0  }
0x46: {  	[tilespmem:s19], [sflag:$0x5] =	stream.indirect.gather [hbm4b:s3+s17], $0x20, s2, s17, $0xb8;
	[tilespmem:$0x19C80] =	vst v63  }
0x47: {  	_ =	swait.ge [sflag:s21], $0x320  }
.Ltmp2:
0x48: {  	s19 =	rddreg [dreg:$0xb];
	(pc) =	sbr.rel .LBB2_2-.Ltmp2, $4  }
0x49: {  	s28 =	rddreg [dreg:$0xa]  }
0x4a: {  	s23 =	simm.s32 $0x7080;
	[sflag:s21] =	ssyncset.done $0x0;
	s29 =	rddreg [dreg:$0x9]  }
0x4b: {  	s30 =	rddreg [dreg:$0x8];
	[sflag:s21] =	ssyncadd.s32 $0xFFFFFCE0;
	s21 =	simm.s32 $0x0  }
0x4c: {  	[tilespmem:s23], [sflag:$0x6] =	stream.indirect.gather [hbm4b:s3+s17], $0x20, s17, s17, $0xb8;
	[tilespmem:$0x19C80] =	vst v63  }
.LBB2_3:
0x4d: {  	_ =	swait.ge [sflag:s1], $0x320  }
0x4e: {  	[sflag:s1] =	ssyncset.done $0x0  }
0x4f: {  	[sflag:s1] =	ssyncadd.s32 $0xFFFFFCE0  }
.LBB2_5:
0x50: {  	_ =	swait.ge [sflag:s0], $0x1900  }
0x51: {  	[sflag:s0] =	ssyncset.done $0x0  }
0x52: {  	[sflag:s0] =	ssyncadd.s32 $0xFFFFE700  }
0x53: {  	_ =	swait.ge [sflag:s0], $0x1900  }
0x54: {  	[sflag:s0] =	ssyncset.done $0x0  }
0x55: {  	[sflag:s0] =	ssyncadd.s32 $0xFFFFE700  }
0x56: {  	_ =	swait.ge [sflag:s0], $0x1900  }
0x57: {  	[sflag:s0] =	ssyncset.done $0x0  }
0x58: {  	[sflag:s0] =	ssyncadd.s32 $0xFFFFE700  }
0x59: {  	_ =	swait.ge [sflag:s0], $0x1900  }
0x5a: {  	[sflag:s0] =	ssyncset.done $0x0  }
0x5b: {  	[sflag:s0] =	ssyncadd.s32 $0xFFFFE700  }
.LBB2_6:
0x5c: {  	s6 =	simm.s32 $0x960  }
0x5d: {  	[tilespmem:s5], [sflag:$0x8] =	stream.indirect.gather [hbm4b:s3+s17], $0x20, s6, s17, $0xb8;
	[tilespmem:$0x19C80] =	vst v63  }
0x5e: {  	s7 =	simm.s32 $0x7080;
	s6 =	sadd.s32 s21, s14  }
0x5f: {  	[hbm4b:s6+s2] =	stream.linear.scatter [tilespmem:s7], [sflag:$0xA], $0x1900, $0x38;
	[tilespmem:$0x19C80] =	vst v63  }
0x60: {  	s8 =	simm.s32 $0x8980;
	s23 =	sadd.s32 $0x320, s6  }
0x61: {  	[hbm4b:s23+s2] =	stream.linear.scatter [tilespmem:s8], [sflag:$0xA], $0x1900, $0x38;
	[tilespmem:$0x19C80] =	vst v63  }
0x62: {  	s7 =	sadd.s32 $0x640, s6;
	s8 =	simm.s32 $0xA280  }
0x63: {  	[hbm4b:s7+s2] =	stream.linear.scatter [tilespmem:s8], [sflag:$0xA], $0x1900, $0x38;
	[tilespmem:$0x19C80] =	vst v63  }
0x64: {  	s6 =	sadd.s32 $0x960, s6;
	s23 =	simm.s32 $0xBB80  }
0x65: {  	[hbm4b:s6+s2] =	stream.linear.scatter [tilespmem:s23], [sflag:$0xA], $0x1900, $0x38;
	[tilespmem:$0x19C80] =	vst v63  }
0x66: {  	_ =	swait.ge [sflag:s9], $0x6400  }
0x67: {  	[sflag:s9] =	ssyncset.done $0x0  }
0x68: {  	s6 =	simm.s32 @!p0 $0x0;
	s23 =	simm.s32 @!p0 $0x640;
	[sflag:s9] =	ssyncadd.s32 $0xFFFF9C00  }
0x69: {  	[tilespmem:s23], [sflag:$0x3] =	stream.linear.gather @!p0 [hbm4b:s28+s6], $0x320, $0x38;
	[tilespmem:$0x19C80] =	vst v63  }
0x6a: {  	s23 =	simm.s32 @!p0 $0x1  }
0x6b: {  	_ =	swait.ge @!p0 [sflag:s23], $0x320  }
0x6c: {  	[sflag:s23] =	ssyncset.done @!p0 $0x0  }
0x6d: {  	[sflag:s23] =	ssyncadd.s32 @!p0 $0xFFFFFCE0;
	s23 =	simm.s32 @!p0 $0x9  }
0x6e: {  	_ =	swait.ge @!p0 [sflag:s23], $0x1900  }
0x6f: {  	[sflag:s23] =	ssyncset.done @!p0 $0x0  }
0x70: {  	[sflag:s23] =	ssyncadd.s32 @!p0 $0xFFFFE700  }
0x71: {  	_ =	swait.ge @!p0 [sflag:s23], $0x1900  }
0x72: {  	[sflag:s23] =	ssyncset.done @!p0 $0x0  }
0x73: {  	[sflag:s23] =	ssyncadd.s32 @!p0 $0xFFFFE700  }
0x74: {  	_ =	swait.ge @!p0 [sflag:s23], $0x1900  }
0x75: {  	[sflag:s23] =	ssyncset.done @!p0 $0x0  }
0x76: {  	[sflag:s23] =	ssyncadd.s32 @!p0 $0xFFFFE700  }
0x77: {  	_ =	swait.ge @!p0 [sflag:s23], $0x1900  }
0x78: {  	[sflag:s23] =	ssyncset.done @!p0 $0x0  }
0x79: {  	s7 =	simm.s32 @!p0 $0xC80;
	[sflag:s23] =	ssyncadd.s32 @!p0 $0xFFFFE700;
	s23 =	simm.s32 @!p0 $0x320  }
0x7a: {  	[tilespmem:s7], [sflag:$0x5] =	stream.indirect.gather @!p0 [hbm4b:s3+s23], $0x20, s6, s23, $0xb8;
	[tilespmem:$0x19C80] =	vst v63  }
0x7b: {  	s7 =	sadd.s32 s21, s12  }
0x7c: {  	[hbm4b:s7+s2] =	stream.linear.scatter [tilespmem:s26], [sflag:$0xB], $0x1900, $0x38;
	[tilespmem:$0x19C80] =	vst v63  }
0x7d: {  	s8 =	sadd.s32 $0x320, s7  }
0x7e: {  	[hbm4b:s8+s2] =	stream.linear.scatter [tilespmem:s11], [sflag:$0xB], $0x1900, $0x38;
	[tilespmem:$0x19C80] =	vst v63  }
0x7f: {  	s8 =	sadd.s32 $0x640, s7  }
0x80: {  	[hbm4b:s8+s2] =	stream.linear.scatter [tilespmem:s4], [sflag:$0xB], $0x1900, $0x38;
	[tilespmem:$0x19C80] =	vst v63  }
0x81: {  	s7 =	sadd.s32 $0x960, s7  }
0x82: {  	[hbm4b:s7+s2] =	stream.linear.scatter [tilespmem:s13], [sflag:$0xB], $0x1900, $0x38;
	[tilespmem:$0x19C80] =	vst v63  }
0x83: {  	_ =	swait.ge [sflag:s15], $0x6400  }
0x84: {  	[sflag:s15] =	ssyncset.done $0x0  }
0x85: {  	s7 =	simm.s32 @!p0 $0x960;
	[sflag:s15] =	ssyncadd.s32 $0xFFFF9C00  }
0x86: {  	[tilespmem:s7], [sflag:$0x4] =	stream.linear.gather @!p0 [hbm4b:s29+s6], $0x320, $0x38;
	[tilespmem:$0x19C80] =	vst v63  }
0x87: {  	s6 =	simm.s32 @!p0 $0x2  }
0x88: {  	_ =	swait.ge @!p0 [sflag:s6], $0x320  }
0x89: {  	[sflag:s6] =	ssyncset.done @!p0 $0x0  }
0x8a: {  	[sflag:s6] =	ssyncadd.s32 @!p0 $0xFFFFFCE0;
	s6 =	simm.s32 @!p0 $0xA  }
0x8b: {  	_ =	swait.ge @!p0 [sflag:s6], $0x1900  }
0x8c: {  	[sflag:s6] =	ssyncset.done @!p0 $0x0  }
0x8d: {  	[sflag:s6] =	ssyncadd.s32 @!p0 $0xFFFFE700  }
0x8e: {  	_ =	swait.ge @!p0 [sflag:s6], $0x1900  }
0x8f: {  	[sflag:s6] =	ssyncset.done @!p0 $0x0  }
0x90: {  	[sflag:s6] =	ssyncadd.s32 @!p0 $0xFFFFE700  }
0x91: {  	_ =	swait.ge @!p0 [sflag:s6], $0x1900  }
0x92: {  	[sflag:s6] =	ssyncset.done @!p0 $0x0  }
0x93: {  	[sflag:s6] =	ssyncadd.s32 @!p0 $0xFFFFE700  }
0x94: {  	_ =	swait.ge @!p0 [sflag:s6], $0x1900  }
0x95: {  	[sflag:s6] =	ssyncset.done @!p0 $0x0  }
0x96: {  	[sflag:s6] =	ssyncadd.s32 @!p0 $0xFFFFE700;
	s6 =	simm.s32 @!p0 $0x7080  }
0x97: {  	[tilespmem:s6], [sflag:$0x6] =	stream.indirect.gather @!p0 [hbm4b:s3+s23], $0x20, s23, s23, $0xb8;
	[tilespmem:$0x19C80] =	vst v63  }
0x98: {  	s6 =	sadd.s32 s21, s10;
	s21 =	sadd.s32 $0x3200, s21  }
0x99: {  	[hbm4b:s6+s2] =	stream.linear.scatter [tilespmem:s5], [sflag:$0xC], $0x1900, $0x38;
	[tilespmem:$0x19C80] =	vst v63  }
0x9a: {  	s8 =	sadd.s32 $0x320, s6;
	p0 =	sne.s32 s21, $0x64000  }
0x9b: {  	[hbm4b:s8+s2] =	stream.linear.scatter [tilespmem:s20], [sflag:$0xC], $0x1900, $0x38;
	[tilespmem:$0x19C80] =	vst v63  }
.Ltmp3:
0x9c: {  	_ = 	snop;
	(pc) =	sbr.rel @!p0 .LBB2_7-.Ltmp3, $4  }
0x9d: {  	s30 =	sadd.s32 $0x190, s30;
	s19 =	sadd.s32 $0x190, s19;
	s23 =	sadd.s32 $0x640, s6  }
0x9e: {  	[hbm4b:s23+s2] =	stream.linear.scatter [tilespmem:s22], [sflag:$0xC], $0x1900, $0x38;
	[tilespmem:$0x19C80] =	vst v63  }
0x9f: {  	s28 =	sadd.s32 $0x190, s28;
	s29 =	sadd.s32 $0x190, s29;
	s6 =	sadd.s32 $0x960, s6  }
0xa0: {  	[hbm4b:s6+s2] =	stream.linear.scatter [tilespmem:s18], [sflag:$0xC], $0x1900, $0x38;
	[tilespmem:$0x19C80] =	vst v63  }
.LBB2_2:
0xa1: {  	_ =	swait.ge [sflag:s24], $0x6400  }
0xa2: {  	p0 =	seq.s32 s21, $0x60E00;
	[sflag:s24] =	ssyncset.done $0x0  }
0xa3: {  	s23 =	simm.s32 @!p0 $0x0;
	[sflag:s24] =	ssyncadd.s32 $0xFFFF9C00  }
0xa4: {  	[tilespmem:s23], [sflag:$0x1] =	stream.linear.gather @!p0 [hbm4b:s30+s23], $0x320, $0x38;
	[tilespmem:$0x19C80] =	vst v63  }
0xa5: {  	_ =	swait.ge [sflag:s25], $0x320  }
0xa6: {  	p1 =	seq.s32 s21, $0x0;
	[sflag:s25] =	ssyncset.done $0x0  }
0xa7: {  	s23 =	simm.s32 @!p1 $0xB;
	[sflag:s25] =	ssyncadd.s32 $0xFFFFFCE0  }
0xa8: {  	_ =	swait.ge @!p1 [sflag:s23], $0x1900  }
0xa9: {  	[sflag:s23] =	ssyncset.done @!p1 $0x0  }
0xaa: {  	[sflag:s23] =	ssyncadd.s32 @!p1 $0xFFFFE700  }
0xab: {  	_ =	swait.ge @!p1 [sflag:s23], $0x1900  }
0xac: {  	[sflag:s23] =	ssyncset.done @!p1 $0x0  }
0xad: {  	[sflag:s23] =	ssyncadd.s32 @!p1 $0xFFFFE700  }
0xae: {  	_ =	swait.ge @!p1 [sflag:s23], $0x1900  }
0xaf: {  	[sflag:s23] =	ssyncset.done @!p1 $0x0  }
0xb0: {  	[sflag:s23] =	ssyncadd.s32 @!p1 $0xFFFFE700  }
0xb1: {  	_ =	swait.ge @!p1 [sflag:s23], $0x1900  }
0xb2: {  	[sflag:s23] =	ssyncset.done @!p1 $0x0  }
0xb3: {  	s6 =	simm.s32 $0x640;
	[sflag:s23] =	ssyncadd.s32 @!p1 $0xFFFFE700  }
0xb4: {  	[tilespmem:s26], [sflag:$0x7] =	stream.indirect.gather [hbm4b:s3+s17], $0x20, s6, s17, $0xb8;
	[tilespmem:$0x19C80] =	vst v63  }
0xb5: {  	s7 =	simm.s32 $0xC80;
	s23 =	sadd.s32 s21, s16  }
0xb6: {  	[hbm4b:s23+s2] =	stream.linear.scatter [tilespmem:s7], [sflag:$0x9], $0x1900, $0x38;
	[tilespmem:$0x19C80] =	vst v63  }
0xb7: {  	s8 =	sadd.s32 $0x320, s23;
	s7 =	simm.s32 $0x2580  }
0xb8: {  	[hbm4b:s8+s2] =	stream.linear.scatter [tilespmem:s7], [sflag:$0x9], $0x1900, $0x38;
	[tilespmem:$0x19C80] =	vst v63  }
0xb9: {  	p2 =	sne.s32 s21, $0x60E00;
	s7 =	sadd.s32 $0x640, s23;
	s8 =	simm.s32 $0x3E80  }
0xba: {  	[hbm4b:s7+s2] =	stream.linear.scatter [tilespmem:s8], [sflag:$0x9], $0x1900, $0x38;
	[tilespmem:$0x19C80] =	vst v63  }
.Ltmp4:
0xbb: {  	s8 =	sadd.s32 $0x960, s23;
	s23 =	simm.s32 $0x5780;
	(pc) =	sbr.rel @!p2 .LBB2_3-.Ltmp4, $4  }
0xbc: {  	[hbm4b:s8+s2] =	stream.linear.scatter [tilespmem:s23], [sflag:$0x9], $0x1900, $0x38;
	[tilespmem:$0x19C80] =	vst v63  }
0xbd: {  	_ =	swait.ge [sflag:s31], $0x6400  }
0xbe: {  	[sflag:s31] =	ssyncset.done $0x0  }
0xbf: {  	[sflag:s31] =	ssyncadd.s32 $0xFFFF9C00  }
0xc0: {  	[tilespmem:s17], [sflag:$0x2] =	stream.linear.gather [hbm4b:s19+s2], $0x320, $0x38;
	[tilespmem:$0x19C80] =	vst v63  }
.Ltmp5:
0xc1: {  	_ = 	snop;
	(pc) =	sbr.rel @!p1 .LBB2_5-.Ltmp5, $4  }
.Ltmp6:
0xc2: {  	_ = 	snop;
	(pc) =	sbr.rel @p1 .LBB2_6-.Ltmp6, $4  }
0xc3: {  	_ =	swait.ge [sflag:s1], $0x320  }
0xc4: {  	[sflag:s1] =	ssyncset.done $0x0  }
0xc5: {  	[sflag:s1] =	ssyncadd.s32 $0xFFFFFCE0  }
0xc6: {  	_ = 	snop  }
.LBB2_8:
0xc7: {  	_ =	sfence.sel $0x180000  }
0xc8: {  	[bflag:$0x0] =	sbarrier.arrive $0xFFFF  }
0xc9: {  	_ =	strace $0x90000047  }
0xca: {  	s0 =	stileid.u32;
	[bflag:$0x2] =	sbarrier.arrive $0xFFFF  }
0xcb: {  	p0 =	sne.s32 s0, $0x0;
	s0 =	rddreg [dreg:$0x2]  }
0xcc: {  	s0 =	sadd.s32 @!p0 $0x100000, s0  }
0xcd: {  	[sflag:s0] =	ssyncadd.tile.s32 @!p0 $0x1;
	_ =	shalt  }
.Lfunc_end2:
_tile_overlayer_lowered:
.L_overlay_start_2:
0xce: {  	(tag) =	ssettag $0x2  }
0xcf: {  	s0 =	rddreg [dreg:$0x0];
	s2 =	stileid.u32  }
0xd0: {  	s1 =	rddreg [dreg:$0x1];
	p0 =	sne.s32 s2, $0x0  }
0xd1: {  	s3 =	rddreg [dreg:$0x2];
	[bflag:$0x3] =	sbarrier.arrive $0xFFFF;
	s2 =	simm.s32 @!p0 $0x1C0D  }
0xd2: {  	[timem:s3], [sflag:s2] =	dma.local @!p0 [hbm:s0], s1  }
0xd3: {  	s0 =	simm.s32 @!p0 $0xD  }
0xd4: {  	_ =	swait.ge @!p0 [sflag:s0], s1  }
0xd5: {  	s1 =	ssub.s32 @!p0 $0x0, s1;
	[sflag:s0] =	ssyncset.done @!p0 $0x0  }
0xd6: {  	[sflag:s0] =	ssyncadd.s32 @!p0 s1  }
0xd7: {  	[bflag:$0x3] =	sbarrier.arrive $0xFFFF  }
0xd8: {  	_ =	shalt  }

// kernel: sparse-core-data-format-call.cloned.1.call-start
scs
called_computation_lowered:
.L_overlay_start_0:
0x0: {  	s2 =	sld [smem:$0x3FD9]  }
0x1: {  	s3 =	sld [smem:$0x3FFE];
	_ =	sdelay $0x1  }
0x2: {  	s1 =	srdreg.scid  }
0x3: {  	s0 =	sand.u32 $0x1, s1  }
0x4: {  	s18 =	sshll.u32 s0, $0xA;
	s2 =	sadd.s32 s3, s2  }
0x5: {  	s2 =	sadd.s32 s2, s18  }
0x6: {  	[smem:$0x3FC6] =	sst s2  }
0x7: {  	_ = 	snop  }
0x8: {  	s2 =	sld [smem:$0x3FD0];
	(tm) =	ssettm $0x1  }
0x9: {  	s19 =	sld [smem:$0x3FFB];
	_ =	sdelay $0x3  }
0xa: {  	_ =	strace s19  }
0xb: {  	s3 =	sld [smem:$0x3FFC];
	_ =	sdelay $0x3  }
0xc: {  	_ =	strace s3  }
0xd: {  	s3 =	sld [smem:$0x3FFD];
	_ =	sdelay $0x3  }
0xe: {  	_ =	strace s3  }
0xf: {  	_ =	strace $0x8FFFFFFF  }
0x10: {  	s20 =	sld [smem:$0x3FDB];
	_ =	sdelay $0x1  }
0x11: {  	s4 =	simm.s32 $_scs_section_size  }
0x12: {  	s5 =	simm.s32 $_size__tile_overlayer_lowered;
	s6 =	simm.s32 $_tile_overlayer_lowered  }
0x13: {  	s23 =	simm.s32 $0x1BFF;
	s22 =	sshll.u32 s6, $0x1;
	s3 =	sadd.s32 s4, s20  }
0x14: {  	s7 =	simm.s32 $0x0;
	s21 =	sshll.u32 s5, $0x1;
	s5 =	sadd.s32 s22, s3  }
0x15: {  	[timem:s7], [sflag:s23] =	dma.local [hbm:s5], s21  }
0x16: {  	_ =	swait.ge [sflag:s23], s21  }
0x17: {  	s4 =	ssub.s32 $0x0, s21;
	[sflag:s23] =	ssyncset.done $0x0  }
0x18: {  	[sflag:s23] =	ssyncadd.s32 s4;
	_ =	sdelay $0x1  }
0x19: {  	s24 =	simm.s32 $0x1B8B  }
0x1a: {  	_ =	swait.ge [sflag:s24], $0x1  }
0x1b: {  	[sflag:s24] =	ssyncset.done $0x0  }
0x1c: {  	s26 =	simm.s32 $0x1B8E;
	s25 =	sld [smem:$0x3FFE];
	[sflag:s24] =	ssyncadd.s32 $0xFFFFFFFF  }
0x1d: {  	s27 =	simm.s32 $execute0_lowered;
	[smem:$0x3FD2] =	sst s26  }
0x1e: {  	s5 =	sshll.u32 s27, $0x1;
	_ =	strace $0x80000049;
	[dreg:$0x1] =	wrdreg $0xFFFFFFFF  }
0x1f: {  	s28 =	simm.s32 $_size_execute0_lowered;
	s3 =	sadd.s32 s3, s5;
	[dreg:$0x0] =	wrdreg $0x0  }
0x20: {  	s5 =	sshll.u32 s28, $0x1;
	[dreg:$0x2] =	wrdreg s3  }
0x21: {  	[dreg:$0x3] =	wrdreg s5  }
0x22: {  	[dreg:$0x4] =	wrdreg $0xC0  }
0x23: {  	_ =	task [dreg:s7], $0x5FFFF  }
0x24: {  	[dreg:$0x1] =	wrdreg $0xFFFFFFFF  }
0x25: {  	[dreg:$0x0] =	wrdreg $0x60  }
0x26: {  	[dreg:$0x2] =	wrdreg s25  }
0x27: {  	[dreg:$0x3] =	wrdreg s2  }
0x28: {  	[dreg:$0x4] =	wrdreg $0x9  }
0x29: {  	_ =	task.clear_ibuf [dreg:s7], $0x5FFFF;
	_ =	strace $0x90000049  }
0x2a: {  	s29 =	simm.s32 $0x9;
	_ =	strace $0x8000004B  }
0x2b: {  	_ =	swait.ge [sflag:s29], $0x1  }
0x2c: {  	[sflag:s29] =	ssyncadd.s32 $0xFFFFFFFF  }
0x2d: {  	_ =	strace $0x9000004B  }
0x2e: {  	_ =	sfence  }
0x2f: {  	s30 =	sld [smem:$0x0];
	_ =	sdelay $0x2  }
0x30: {  	s31 =	sshll.u32 s1, $0xD;
	s1 =	sshrl.u32 s1, $0x2  }
0x31: {  	s3 =	sand.u32 $0x4000, s31;
	s1 =	sadd.s32 s1, s30  }
0x32: {  	s0 =	sor.u32 s3, s0;
	s1 =	sshll.u32 s1, $0x11  }
0x33: {  	s0 =	sor.u32 s1, s0  }
0x34: {  	s0 =	sadd.s32 $0x8F2B, s0  }
0x35: {  	[sflag:s0] =	ssyncadd.remote.s32 $0x1  }
0x36: {  	_ =	sfence.sel $0xFFFF  }
0x37: {  	[dreg:$0x0] =	wrdreg $0xFFFFFFFF;
	(pc) =	sbr.abs _section_cstart, $3  }
0x38: {  	[dreg:$0x1] =	wrdreg $0xFFFFFFFF  }
0x39: {  	_ =	task.clear_ibuf [dreg:s7], $0x2FFFF;
	_ =	strace $0x9FFFFFFF  }
0x3a: {  	(tm) =	ssettm $0x7FFFFFFF  }
0x3b: {  	_ =	shalt  }
tec
execute0_lowered:
.L_overlay_start_1:
0x0: {  	(tag) =	ssettag $0x1  }
0x1: {  	s0 =	srdreg.scid  }
0x2: {  	s1 =	sshll.u32 s0, $0x4  }
0x3: {  	s0 =	stileid.u32;
	s1 =	sand.u32 $0x10, s1  }
0x4: {  	s1 =	sor.u32 s0, s1  }
0x5: {  	s6 =	rddreg [dreg:$0x0];
	s4 =	simm.s32 $0x1;
	s2 =	sshll.u32 s1, $0x7  }
0x6: {  	s7 =	simm.s32 $0x2;
	s12 =	simm.s32 $0x0;
	s1 =	ssub.s32 $0x4000, s2  }
0x7: {  	s8 =	simm.s32 $0x20000;
	s13 =	simm.s32 $0x0;
	s3 =	sand.u32 $0xF80, s1  }
0x8: {  	s9 =	simm.s32 $0x0;
	s5 =	sshrl.u32 s1, $0xC;
	p0 =	sne.s32 s3, $0x0  }
.Ltmp0:
0x9: {  	s1 =	rddreg [dreg:$0x2];
	s4 =	simm.s32 @!p0 $0x0;
	(pc) =	sbr.rel .LBB1_1-.Ltmp0, $4  }
0xa: {  	s11 =	simm.s32 $0x0;
	s3 =	rddreg [dreg:$0x1];
	s5 =	sadd.s32 s4, s5  }
0xb: {  	_ =	strace $0x8000004A;
	s4 =	simm.s32 $0x1;
	s5 =	smul.u32 $0xC8, s5  }
0xc: {  	s6 =	sadd.s32 $0x800, s6;
	s10 =	smov.u32 s2;
	[sflag:s4] =	ssyncpa.u1 $0x0  }
0xd: {  	p0 =	por $0x0, $0x0;
	[sflag:s7] =	ssyncpa.u1 $0x0;
	s7 =	sor.u32 $0x1, s5  }
.LBB1_4:
0xe: {  	s16 =	sshll.u32 s13, $0x3;
	s17 =	sand.u32 $0x78, s13  }
0xf: {  	s30 =	sand.u32 $0xF800, s13;
	s12 =	sshll.u32 s12, $0x10;
	s16 =	sand.u32 $0x3C00, s16  }
0x10: {  	s31 =	sand.u32 $0x7, s13;
	s16 =	sor.u32 s17, s16;
	s17 =	sadd.s32 s3, s30  }
0x11: {  	s13 =	sshll.u32 s31, $0x12;
	s16 =	sshrl.u32 s16, $0x3;
	s12 =	sadd.s32 s12, s17  }
0x12: {  	[tilespmem:s15+$0x0 ss:$0x81] =	vst.msk $0xffff, v0;
	s13 =	sor.u32 $0x400, s13;
	s12 =	sadd.s32 s16, s12  }
0x13: {  	[hbm4b:s12+s13] =	stream.strided.scatter [tilespmem:s14], [sflag:$0x2], $0x1000, s8, s13, $0x20;
	[tilespmem:$0x4040] =	vst v63  }
.LBB1_5:
0x14: {  	s14 =	sadd.s32 $0x1, s9  }
0x15: {  	s12 =	sadd.s32 $0x1000, s10;
	s16 =	smov.u32 s10;
	p2 =	sgt.s32 s14, $0xC7  }
0x16: {  	s16 =	smov.u32 @p2 s12  }
0x17: {  	s14 =	simm.s32 @p2 $0x0;
	p2 =	sgt.s32 s16, $0x3FFF  }
0x18: {  	s16 =	smov.u32 @p2 s2;
	p2 =	sne.s32 s11, s7  }
.Ltmp1:
0x19: {  	p1 =	slt.u32 s11, $0x2;
	(pc) =	sbr.rel @!p2 .LBB1_6-.Ltmp1, $4  }
0x1a: {  	s15 =	simm.s32 @!p1 $0x2  }
0x1b: {  	s13 =	smov.u32 s10;
	p0 =	por !p0, !p0;
	_ =	swait.ge @!p1 [sflag:s15], $0x1000  }
0x1c: {  	s12 =	smov.u32 s9;
	[sflag:s15] =	ssyncset.done @!p1 $0x0;
	s9 =	smov.u32 s14  }
0x1d: {  	s11 =	sadd.s32 $0x1, s11;
	[sflag:s15] =	ssyncadd.s32 @!p1 $0xFFFFF000;
	s10 =	smov.u32 s16  }
.LBB1_1:
0x1e: {  	p1 =	sge.u32 s11, s5  }
0x1f: {  	s14 =	sand.u32 @!p1 $0x1FFFFFF, s9  }
0x20: {  	s15 =	smulhi.u32 @!p1 $0x147AE15, s14;
	_ =	sdelay $0x1  }
0x21: {  	s15 =	smul.u32 @!p1 $0xC8, s15  }
0x22: {  	s16 =	sxor.u32 @!p1 $0xFFFFFFFF, s11;
	s17 =	smul.u32 @!p1 $0xC80, s10  }
0x23: {  	s31 =	sadd.s32 $0xFFFFFFFF, s11;
	s16 =	sshll.u32 @!p1 s16, $0xC;
	s14 =	ssub.s32 @!p1 s14, s15  }
0x24: {  	s15 =	sand.u32 @!p1 $0x1000, s16;
	s16 =	sadd.s32 @!p1 s6, s17;
	s14 =	sshll.u32 @!p1 s14, $0x4  }
0x25: {  	s17 =	simm.s32 @!p1 $0x6400;
	s14 =	sadd.s32 @!p1 s14, s16;
	s16 =	simm.s32 @!p1 $0x20  }
0x26: {  	[tilespmem:s15], [sflag:$0x1] =	stream.strided.gather @!p1 [hbm4b:s14+s16], $0x1000, s17, s16, $0x38;
	[tilespmem:$0x4040] =	vst v63  }
0x27: {  	p1 =	sge.u32 s31, s5  }
.Ltmp2:
0x28: {  	_ = 	snop;
	(pc) =	sbr.rel @p1 .LBB1_5-.Ltmp2, $1  }
0x29: {  	_ =	sdelay $0x3  }
0x2a: {  	s14 =	simm.s32 $0x1  }
0x2b: {  	_ =	swait.ge [sflag:s4], $0x1000;
	s14 =	simm.s32 @!p0 $0x0  }
0x2c: {  	[sflag:s4] =	ssyncset.done $0x0;
	s15 =	sshll.u32 s14, $0xC  }
0x2d: {  	[sflag:s4] =	ssyncadd.s32 $0xFFFFF000;
	s18 =	sor.u32 $0x10, s15  }
0x2e: {  	s14 =	smul.u32 $0x4080, s14;
	v1 =	vld [tilespmem:s18+$0x0]  }
0x2f: {  	s30 =	sand.u32 $0x1, s11;
	v0 =	vld [tilespmem:s18+$0xFFFFFFF0]  }
0x30: {  	s15 =	smul.u32 $0x4080, s30;
	s14 =	sshrl.u32 s14, $0x2  }
0x31: {  	s16 =	sor.u32 $0x2000, s14  }
0x32: {  	s31 =	sshrl.u32 s15, $0x2;
	s15 =	sadd.s32 $0x0, s16  }
0x33: {  	s17 =	simm.s32 $0x4;
	s18 =	sadd.s32 $0x20, s18;
	s14 =	sor.u32 $0x2000, s31;
	[tilespmem:s15+$0x810 ss:$0x81] =	vst.msk $0xffff, v1  }
.LBB1_3:
0x34: {  	v1 =	vld [tilespmem:s18+$0x0];
	p1 =	sne.s32 s17, $0x1FC;
	[tilespmem:s15+$0x0 ss:$0x81] =	vst.msk $0xffff, v0;
	s15 =	smov.u32 s17;
	s17 =	sadd.s32 $0x4, s17  }
.Ltmp3:
0x35: {  	v0 =	vld [tilespmem:s18+$0xFFFFFFF0];
	(pc) =	sbr.rel @p1 .LBB1_3-.Ltmp3, $4  }
0x36: {  	_ = 	snop  }
0x37: {  	s15 =	sshra.s32 s15, $0x2  }
0x38: {  	s15 =	sadd.s32 s15, s16  }
0x39: {  	s18 =	sadd.s32 $0x20, s18;
	[tilespmem:s15+$0x810 ss:$0x81] =	vst.msk $0xffff, v1  }
.Ltmp4:
0x3a: {  	_ = 	snop;
	(pc) =	sbr.rel .LBB1_4-.Ltmp4, $1  }
0x3b: {  	_ =	sdelay $0x3  }
.LBB1_6:
0x3c: {  	_ =	sfence.sel $0x180000  }
0x3d: {  	s2 =	simm.s32 $0x1;
	[bflag:$0x0] =	sbarrier.arrive $0xFFFF  }
0x3e: {  	s31 =	simm.s32 $0x2;
	[sflag:s2] =	ssyncpa.u1 $0x1  }
0x3f: {  	[sflag:s31] =	ssyncpa.u1 $0x1  }
0x40: {  	p0 =	sne.s32 s0, $0x0;
	_ =	strace $0x9000004A  }
0x41: {  	s0 =	sadd.s32 @!p0 $0x100000, s1;
	[bflag:$0x2] =	sbarrier.arrive $0xFFFF  }
0x42: {  	[sflag:s0] =	ssyncadd.tile.s32 @!p0 $0x1;
	_ =	shalt  }
.Lfunc_end1:
_tile_overlayer_lowered:
.L_overlay_start_2:
0x43: {  	(tag) =	ssettag $0x2  }
0x44: {  	s0 =	rddreg [dreg:$0x0];
	s2 =	stileid.u32  }
0x45: {  	s1 =	rddreg [dreg:$0x1];
	p0 =	sne.s32 s2, $0x0  }
0x46: {  	s3 =	rddreg [dreg:$0x2];
	[bflag:$0x3] =	sbarrier.arrive $0xFFFF;
	s2 =	simm.s32 @!p0 $0x1C01  }
0x47: {  	[timem:s3], [sflag:s2] =	dma.local @!p0 [hbm:s0], s1  }
0x48: {  	s0 =	simm.s32 @!p0 $0x1  }
0x49: {  	_ =	swait.ge @!p0 [sflag:s0], s1  }
0x4a: {  	s1 =	ssub.s32 @!p0 $0x0, s1;
	[sflag:s0] =	ssyncset.done @!p0 $0x0  }
0x4b: {  	[sflag:s0] =	ssyncadd.s32 @!p0 s1  }
0x4c: {  	[bflag:$0x3] =	sbarrier.arrive $0xFFFF  }
0x4d: {  	_ =	shalt  }

</sc_bundles>
